<compile_context>
chip_gen: v7x
topology: tpu7x:2x2x1
jax: 0.10.2.dev20260603
libtpu: 0.0.44.dev20260713+nightly
codegen_flags: <defaults>
</compile_context>

<pallas_src>
import functools

import jax
import jax.numpy as jnp
from jax import lax
from jax.experimental import pallas as pl
from jax.experimental.pallas import tpu as pltpu
from jax.experimental.pallas import tpu_sc as plsc

SEQ_LEN = 8192
FEAT_DIM = 2048
MAX_MISSING = 0.2

NUMEL = SEQ_LEN * FEAT_DIM
K_KEEP = int((1.0 - MAX_MISSING) * NUMEL)
RANK = NUMEL - K_KEEP

ROWS_PER_BLOCK = 512
HBINS = 65536
NWORKERS = 32
ROWS_PER_W = SEQ_LEN // NWORKERS
CHUNK_ROWS = 8
NCHUNKS = ROWS_PER_W // CHUNK_ROWS



def _key_body(logits_ref, u_ref, out_ref):
    g = -jnp.log(-jnp.log(u_ref[...] + 1e-10))
    v = logits_ref[...] + g
    b = lax.bitcast_convert_type(v, jnp.int32)
    out_ref[...] = jnp.where(b >= 0, b, b ^ jnp.int32(0x7FFFFFFF))



_SC_MESH = plsc.VectorSubcoreMesh(core_axis_name="c", subcore_axis_name="s")
_SC_PARAMS = pltpu.CompilerParams(needs_layout_passes=False)


def _zero_hist(hist_v):
    zeros = jnp.zeros((16,), jnp.int32)

    @plsc.parallel_loop(0, 512)
    def _(i):
        for c in range(8):
            hist_v[i, pl.ds(c * 16, 16)] = zeros


def _hist_pass(keys_hbm, out_hbm, chunk_a, chunk_b, sem_a, sem_b, hist_v,
               wid, scatter16):
    base = wid * ROWS_PER_W

    def process(buf):
        @plsc.parallel_loop(0, FEAT_DIM // 16, unroll=4)
        def _(i):
            for r in range(CHUNK_ROWS):
                kv = buf[r, pl.ds(i * 16, 16)]
                scatter16(kv)

    def start(ci, buf, sem):
        pltpu.async_copy(
            keys_hbm.at[pl.ds(base + ci * CHUNK_ROWS, CHUNK_ROWS)], buf, sem)

    def drain(buf, sem):
        pltpu.make_async_copy(
            keys_hbm.at[pl.ds(base, CHUNK_ROWS)], buf, sem).wait()

    start(0, chunk_a, sem_a)

    def body2(j, carry):
        ci = 2 * j

        @pl.when(ci + 1 < NCHUNKS)
        def _():
            start(ci + 1, chunk_b, sem_b)

        drain(chunk_a, sem_a)
        process(chunk_a)

        @pl.when(ci + 2 < NCHUNKS)
        def _():
            start(ci + 2, chunk_a, sem_a)

        @pl.when(ci + 1 < NCHUNKS)
        def _():
            drain(chunk_b, sem_b)
            process(chunk_b)

        return carry

    lax.fori_loop(0, (NCHUNKS + 1) // 2, body2, 0)
    pltpu.sync_copy(hist_v, out_hbm.at[wid])


_HIST_SCRATCH = [
    pltpu.VMEM((CHUNK_ROWS, FEAT_DIM), jnp.int32),
    pltpu.VMEM((CHUNK_ROWS, FEAT_DIM), jnp.int32),
    pltpu.SemaphoreType.DMA,
    pltpu.SemaphoreType.DMA,
    pltpu.VMEM((512, 128), jnp.int32),
]


@functools.partial(
    pl.kernel,
    mesh=_SC_MESH,
    out_type=jax.ShapeDtypeStruct((NWORKERS, 512, 128), jnp.int32),
    scratch_types=_HIST_SCRATCH,
    compiler_params=_SC_PARAMS,
)
def _hist_hi(keys_hbm, out_hbm, chunk_a, chunk_b, sem_a, sem_b, hist_v):
    wid = lax.axis_index("s") * 2 + lax.axis_index("c")
    _zero_hist(hist_v)
    ones = jnp.ones((16,), jnp.int32)

    def scatter16(kv):
        bucket = (kv >> 16) + 32768
        plsc.addupdate_scatter(hist_v, [bucket >> 7, bucket & 127], ones)

    _hist_pass(keys_hbm, out_hbm, chunk_a, chunk_b, sem_a, sem_b, hist_v,
               wid, scatter16)


@functools.partial(
    pl.kernel,
    mesh=_SC_MESH,
    out_type=jax.ShapeDtypeStruct((NWORKERS, 512, 128), jnp.int32),
    scratch_types=_HIST_SCRATCH + [pltpu.VMEM((16,), jnp.int32)],
    compiler_params=_SC_PARAMS,
)
def _hist_lo(keys_hbm, bvec_hbm, out_hbm, chunk_a, chunk_b, sem_a, sem_b,
             hist_v, bbuf_v):
    wid = lax.axis_index("s") * 2 + lax.axis_index("c")
    _zero_hist(hist_v)
    pltpu.sync_copy(bvec_hbm, bbuf_v)
    bvec = bbuf_v[...]
    ones = jnp.ones((16,), jnp.int32)

    def scatter16(kv):
        bucket = (kv >> 16) + 32768
        low = kv & 0xFFFF
        m = bucket == bvec
        plsc.addupdate_scatter(hist_v, [low >> 7, low & 127], ones, mask=m)

    _hist_pass(keys_hbm, out_hbm, chunk_a, chunk_b, sem_a, sem_b, hist_v,
               wid, scatter16)



def _cumsum_flat(h):
    hsum = jnp.sum(h, axis=0)
    i0 = lax.broadcasted_iota(jnp.int32, (128, 128), 0)
    i1 = lax.broadcasted_iota(jnp.int32, (128, 128), 1)
    upper = (i0 <= i1).astype(jnp.float32)
    row_cs = jnp.dot(hsum, upper, preferred_element_type=jnp.float32,
                     precision=lax.Precision.HIGHEST)
    j0 = lax.broadcasted_iota(jnp.int32, (512, 512), 0)
    j1 = lax.broadcasted_iota(jnp.int32, (512, 512), 1)
    strict_lower = (j1 < j0).astype(jnp.float32)
    row_tot = jnp.sum(hsum, axis=1, keepdims=True)
    prefix = jnp.dot(strict_lower, jnp.broadcast_to(row_tot, (512, 128)),
                     preferred_element_type=jnp.float32,
                     precision=lax.Precision.HIGHEST)
    return row_cs + prefix


def _select_hi_body(hist_ref, b_ref, rp_ref):
    cs = _cumsum_flat(hist_ref[...].astype(jnp.float32))
    le = cs <= float(RANK)
    bstar = jnp.sum(le.astype(jnp.float32)).astype(jnp.int32)
    below = jnp.max(jnp.where(le, cs, 0.0)).astype(jnp.int32)
    rp = RANK - below
    b_ref[...] = jnp.zeros((8, 128), jnp.int32) + bstar
    rp_ref[...] = jnp.zeros((8, 128), jnp.int32) + rp


def _select_lo_threshold(hist, b_smem, rp_smem):
    rp = rp_smem[0].astype(jnp.float32)
    cs = _cumsum_flat(hist.astype(jnp.float32))
    lstar = jnp.sum((cs <= rp).astype(jnp.float32)).astype(jnp.int32)
    bstar = b_smem[0]
    return ((bstar - 32768) << 16) | lstar



def _mask_body(keys_ref, hist_ref, b_smem, rp_smem, out_ref, t_s):
    @pl.when(pl.program_id(0) == 0)
    def _():
        t_s[0] = _select_lo_threshold(hist_ref[...], b_smem, rp_smem)

    out_ref[...] = (keys_ref[...] >= t_s[0]).astype(jnp.float32)



def kernel(x, logits, u):
    del x
    grid = (SEQ_LEN // ROWS_PER_BLOCK,)
    bspec = pl.BlockSpec((ROWS_PER_BLOCK, FEAT_DIM), lambda i: (i, 0))

    keys2d = pl.pallas_call(
        _key_body,
        grid=grid,
        in_specs=[bspec, bspec],
        out_specs=bspec,
        out_shape=jax.ShapeDtypeStruct((SEQ_LEN, FEAT_DIM), jnp.int32),
    )(logits, u)

    hist1 = _hist_hi(keys2d)

    sel_b, sel_rp = pl.pallas_call(
        _select_hi_body,
        in_specs=[pl.BlockSpec((NWORKERS, 512, 128), lambda: (0, 0, 0))],
        out_specs=[pl.BlockSpec((8, 128), lambda: (0, 0))] * 2,
        out_shape=[jax.ShapeDtypeStruct((8, 128), jnp.int32)] * 2,
    )(hist1)

    bvec16 = sel_b[0, 0:16]
    hist2 = _hist_lo(keys2d, bvec16)

    m_hard = pl.pallas_call(
        _mask_body,
        grid=grid,
        in_specs=[
            bspec,
            pl.BlockSpec((NWORKERS, 512, 128), lambda i: (0, 0, 0)),
            pl.BlockSpec(memory_space=pltpu.SMEM),
            pl.BlockSpec(memory_space=pltpu.SMEM),
        ],
        out_specs=bspec,
        out_shape=jax.ShapeDtypeStruct((SEQ_LEN, FEAT_DIM), jnp.float32),
        scratch_shapes=[pltpu.SMEM((1,), jnp.int32)],
    )(keys2d, hist2, sel_b[0, 0:1], sel_rp[0, 0:1])
    return m_hard

# --- scband reference (transcript-rebuilt; emitter-appended) ---
"""Pipeline reference for scband-gumbel-mask-generator-29815662968984 (READ-ONLY COPY).

The authoritative reference and input builder live on the scoring server;
editing this copy changes nothing except your own understanding.
"""

import jax, jax.numpy as jnp
import numpy as np

SEQ_LEN = 8192
FEAT_DIM = 2048
MAX_MISSING = 0.2
TAU = 0.5


def setup_inputs(seed: int = 0) -> dict:
    key = jax.random.key(seed)
    k1, k2, k3 = jax.random.split(key, 3)
    x = jax.random.normal(k1, (SEQ_LEN, FEAT_DIM), dtype=jnp.float32)
    # learned parameter: logits, initialized like torch.randn(seq_len, feat_dim)
    logits = jax.random.normal(k2, (SEQ_LEN, FEAT_DIM), dtype=jnp.float32)
    # uniform noise (torch.rand_like(self.logits)), materialized for determinism
    u = jax.random.uniform(k3, (SEQ_LEN, FEAT_DIM), dtype=jnp.float32)
    return {"x": x, "logits": logits, "u": u}


def reference(x, logits, u):
    # Gumbel noise: -log(-log(u + 1e-10))
    gumbel_noise = -jnp.log(-jnp.log(u + 1e-10))
    m_soft = jax.nn.sigmoid((logits + gumbel_noise) / TAU)
    # eval + hard path: keep top-k entries, where k = int((1 - max_missing) * numel)
    numel = m_soft.size
    k = int((1.0 - MAX_MISSING) * numel)
    flat = m_soft.reshape(-1)
    # min of the top-k values == k-th largest value; compute via full sort
    sorted_flat = jnp.sort(flat)
    threshold = sorted_flat[numel - k]
    m_hard = (m_soft >= threshold).astype(jnp.float32)
    return m_hard

if __name__ == "__main__":
    import jax
    _d = setup_inputs()
    print(jax.jit(kernel)(*tuple(_d.values())))

</pallas_src>

<mosaic_0001>
#map = affine_map<(d0, d1) -> (0, 0)>
#map1 = affine_map<(d0, d1) -> (0, 0, 0)>
module attributes {stable_mosaic.version = 14 : i64} {
  func.func @_hist_hi(%arg0: i32, %arg1: i32, %arg2: memref<8192x2048xi32, #tpu.memory_space<hbm>>, %arg3: memref<32x512x128xi32, #tpu.memory_space<hbm>>, %arg4: memref<8x2048xi32, #tpu.memory_space<vmem>>, %arg5: memref<8x2048xi32, #tpu.memory_space<vmem>>, %arg6: memref<!tpu.dma_semaphore, #tpu.memory_space<semaphore_mem>>, %arg7: memref<!tpu.dma_semaphore, #tpu.memory_space<semaphore_mem>>, %arg8: memref<512x128xi32, #tpu.memory_space<vmem>>) attributes {dimension_semantics = [#tpu.dimension_semantics<core_parallel>, #tpu.dimension_semantics<subcore_parallel>], iteration_bounds = array<i64: 2, 16>, scalar_prefetch = 0 : i64, scratch_operands = 5 : i64, tpu.core_type = #tpu.core_type<sc_vector_subcore>, window_params = [{transform_indices = #map}, {transform_indices = #map1}]} {
    %mul3A = arith.constant 2 : i32
    %mul3A_0 = arith.muli %arg1, %mul3A : i32
    %add3A = arith.addi %mul3A_0, %arg0 : i32
    %broadcast_in_dim3A = arith.constant 0 : i32
    %broadcast_in_dim3A_1 = vector.broadcast %broadcast_in_dim3A : i32 to vector<16xi32>
    %parallel_loop3A = arith.constant 0 : i32
    %parallel_loop3A_2 = arith.constant 512 : i32
    %parallel_loop3A_3 = arith.constant 1 : i32
    scf.for %parallel_loop3A_18 = %parallel_loop3A to %parallel_loop3A_2 step %parallel_loop3A_3  : i32 {
      %parallel_loop3A_19 = arith.index_cast %parallel_loop3A_18 : i32 to index
      %parallel_loop3A_20 = arith.constant 0 : index
      %parallel_loop3A_21 = tpu.vector_load %arg8[%parallel_loop3A_19, %parallel_loop3A_20] {strides = array<i32>} : memref<512x128xi32, #tpu.memory_space<vmem>>, vector<16xi32>,
      tpu.vector_store %arg8[%parallel_loop3A_19, %parallel_loop3A_20], %broadcast_in_dim3A_1 {strides = array<i32>} : memref<512x128xi32, #tpu.memory_space<vmem>>, vector<16xi32>,
      %parallel_loop3A_22 = arith.index_cast %parallel_loop3A_18 : i32 to index
      %parallel_loop3A_23 = arith.constant 16 : index
      %parallel_loop3A_24 = tpu.vector_load %arg8[%parallel_loop3A_22, %parallel_loop3A_23] {strides = array<i32>} : memref<512x128xi32, #tpu.memory_space<vmem>>, vector<16xi32>,
      tpu.vector_store %arg8[%parallel_loop3A_22, %parallel_loop3A_23], %broadcast_in_dim3A_1 {strides = array<i32>} : memref<512x128xi32, #tpu.memory_space<vmem>>, vector<16xi32>,
      %parallel_loop3A_25 = arith.index_cast %parallel_loop3A_18 : i32 to index
      %parallel_loop3A_26 = arith.constant 32 : index
      %parallel_loop3A_27 = tpu.vector_load %arg8[%parallel_loop3A_25, %parallel_loop3A_26] {strides = array<i32>} : memref<512x128xi32, #tpu.memory_space<vmem>>, vector<16xi32>,
      tpu.vector_store %arg8[%parallel_loop3A_25, %parallel_loop3A_26], %broadcast_in_dim3A_1 {strides = array<i32>} : memref<512x128xi32, #tpu.memory_space<vmem>>, vector<16xi32>,
      %parallel_loop3A_28 = arith.index_cast %parallel_loop3A_18 : i32 to index
      %parallel_loop3A_29 = arith.constant 48 : index
      %parallel_loop3A_30 = tpu.vector_load %arg8[%parallel_loop3A_28, %parallel_loop3A_29] {strides = array<i32>} : memref<512x128xi32, #tpu.memory_space<vmem>>, vector<16xi32>,
      tpu.vector_store %arg8[%parallel_loop3A_28, %parallel_loop3A_29], %broadcast_in_dim3A_1 {strides = array<i32>} : memref<512x128xi32, #tpu.memory_space<vmem>>, vector<16xi32>,
      %parallel_loop3A_31 = arith.index_cast %parallel_loop3A_18 : i32 to index
      %parallel_loop3A_32 = arith.constant 64 : index
      %parallel_loop3A_33 = tpu.vector_load %arg8[%parallel_loop3A_31, %parallel_loop3A_32] {strides = array<i32>} : memref<512x128xi32, #tpu.memory_space<vmem>>, vector<16xi32>,
      tpu.vector_store %arg8[%parallel_loop3A_31, %parallel_loop3A_32], %broadcast_in_dim3A_1 {strides = array<i32>} : memref<512x128xi32, #tpu.memory_space<vmem>>, vector<16xi32>,
      %parallel_loop3A_34 = arith.index_cast %parallel_loop3A_18 : i32 to index
      %parallel_loop3A_35 = arith.constant 80 : index
      %parallel_loop3A_36 = tpu.vector_load %arg8[%parallel_loop3A_34, %parallel_loop3A_35] {strides = array<i32>} : memref<512x128xi32, #tpu.memory_space<vmem>>, vector<16xi32>,
      tpu.vector_store %arg8[%parallel_loop3A_34, %parallel_loop3A_35], %broadcast_in_dim3A_1 {strides = array<i32>} : memref<512x128xi32, #tpu.memory_space<vmem>>, vector<16xi32>,
      %parallel_loop3A_37 = arith.index_cast %parallel_loop3A_18 : i32 to index
      %parallel_loop3A_38 = arith.constant 96 : index
      %parallel_loop3A_39 = tpu.vector_load %arg8[%parallel_loop3A_37, %parallel_loop3A_38] {strides = array<i32>} : memref<512x128xi32, #tpu.memory_space<vmem>>, vector<16xi32>,
      tpu.vector_store %arg8[%parallel_loop3A_37, %parallel_loop3A_38], %broadcast_in_dim3A_1 {strides = array<i32>} : memref<512x128xi32, #tpu.memory_space<vmem>>, vector<16xi32>,
      %parallel_loop3A_40 = arith.index_cast %parallel_loop3A_18 : i32 to index
      %parallel_loop3A_41 = arith.constant 112 : index
      %parallel_loop3A_42 = tpu.vector_load %arg8[%parallel_loop3A_40, %parallel_loop3A_41] {strides = array<i32>} : memref<512x128xi32, #tpu.memory_space<vmem>>, vector<16xi32>,
      tpu.vector_store %arg8[%parallel_loop3A_40, %parallel_loop3A_41], %broadcast_in_dim3A_1 {strides = array<i32>} : memref<512x128xi32, #tpu.memory_space<vmem>>, vector<16xi32>,
    } {sc.loop_unroll_factor = 1 : i64, sc.parallel_access}
    %broadcast_in_dim3A_4 = arith.constant 1 : i32
    %broadcast_in_dim3A_5 = vector.broadcast %broadcast_in_dim3A_4 : i32 to vector<16xi32>
    %mul3A_6 = arith.constant 256 : i32
    %mul3A_7 = arith.muli %add3A, %mul3A_6 : i32
    %add3A_8 = arith.constant 0 : i32
    %add3A_9 = arith.addi %mul3A_7, %add3A_8 : i32
    %dma_start3A = arith.constant 0 : i32
    %dma_start3A_10 = tpu.memref_slice %arg2[%add3A_9, %dma_start3A] : memref<8192x2048xi32, #tpu.memory_space<hbm>> -> memref<8x2048xi32, #tpu.memory_space<hbm>>
    %dma_start3A_11 = arith.constant 0 : i32
    %dma_start3A_12 = tpu.memref_slice %arg2[%add3A_9, %dma_start3A_11] : memref<8192x2048xi32, #tpu.memory_space<hbm>> -> memref<8x2048xi32, #tpu.memory_space<hbm>>
    tpu.enqueue_dma source(%dma_start3A_12 : memref<8x2048xi32, #tpu.memory_space<hbm>>) target(%arg4 : memref<8x2048xi32, #tpu.memory_space<vmem>>) target_semaphore(%arg6 : memref<!tpu.dma_semaphore, #tpu.memory_space<semaphore_mem>>)
    %scan3A = arith.constant 0 : i32
    %scan3A_13 = arith.constant 0 : i32
    %scan3A_14 = arith.constant 16 : i32
    %scan3A_15 = arith.addi %scan3A_13, %scan3A_14 : i32
    %scan3A_16 = arith.constant 1 : i32
    scf.for %scan3A_18 = %scan3A_13 to %scan3A_15 step %scan3A_16  : i32 {
      %mul3A_19 = arith.constant 2 : i32
      %mul3A_20 = arith.muli %mul3A_19, %scan3A_18 : i32
      %add3A_21 = arith.constant 1 : i32
      %add3A_22 = arith.addi %mul3A_20, %add3A_21 : i32
      %lt3A = arith.constant 32 : i32
      %lt3A_23 = arith.cmpi slt, %add3A_22, %lt3A : i32
      %convert_element_type3A = arith.extui %lt3A_23 : i1 to i32
      %cond3A = arith.constant 0 : i32
      %cond3A_24 = arith.cmpi ne, %convert_element_type3A, %cond3A : i32
      scf.if %cond3A_24 {
        %add3A_45 = arith.constant 1 : i32
        %add3A_46 = arith.addi %mul3A_20, %add3A_45 : i32
        %mul3A_47 = arith.constant 8 : i32
        %mul3A_48 = arith.muli %add3A_46, %mul3A_47 : i32
        %add3A_49 = arith.addi %mul3A_7, %mul3A_48 : i32
        %dma_start3A_50 = arith.constant 0 : i32
        %dma_start3A_51 = tpu.memref_slice %arg2[%add3A_49, %dma_start3A_50] : memref<8192x2048xi32, #tpu.memory_space<hbm>> -> memref<8x2048xi32, #tpu.memory_space<hbm>>
        %dma_start3A_52 = arith.constant 0 : i32
        %dma_start3A_53 = tpu.memref_slice %arg2[%add3A_49, %dma_start3A_52] : memref<8192x2048xi32, #tpu.memory_space<hbm>> -> memref<8x2048xi32, #tpu.memory_space<hbm>>
        tpu.enqueue_dma source(%dma_start3A_53 : memref<8x2048xi32, #tpu.memory_space<hbm>>) target(%arg5 : memref<8x2048xi32, #tpu.memory_space<vmem>>) target_semaphore(%arg7 : memref<!tpu.dma_semaphore, #tpu.memory_space<semaphore_mem>>)
      } else {
      }
      %dma_wait3A = arith.constant 0 : i32
      %dma_wait3A_25 = tpu.memref_slice %arg2[%mul3A_7, %dma_wait3A] : memref<8192x2048xi32, #tpu.memory_space<hbm>> -> memref<8x2048xi32, #tpu.memory_space<hbm>>
      %dma_wait3A_26 = arith.constant 0 : i32
      %dma_wait3A_27 = tpu.memref_slice %arg2[%mul3A_7, %dma_wait3A_26] : memref<8192x2048xi32, #tpu.memory_space<hbm>> -> memref<8x2048xi32, #tpu.memory_space<hbm>>
      tpu.wait_dma2 semaphore(%arg6 : memref<!tpu.dma_semaphore, #tpu.memory_space<semaphore_mem>>) src(%dma_wait3A_27 : memref<8x2048xi32, #tpu.memory_space<hbm>>) dst(%arg4 : memref<8x2048xi32, #tpu.memory_space<vmem>>)
      %parallel_loop3A_28 = arith.constant 0 : i32
      %parallel_loop3A_29 = arith.constant 128 : i32
      %parallel_loop3A_30 = arith.constant 1 : i32
      scf.for %parallel_loop3A_45 = %parallel_loop3A_28 to %parallel_loop3A_29 step %parallel_loop3A_30  : i32 {
        %parallel_loop3A_46 = arith.constant 16 : i32
        %parallel_loop3A_47 = arith.muli %parallel_loop3A_45, %parallel_loop3A_46 : i32
        %parallel_loop3A_48 = arith.constant 0 : i32
        %parallel_loop3A_49 = arith.index_cast %parallel_loop3A_48 : i32 to index
        %parallel_loop3A_50 = arith.index_cast %parallel_loop3A_47 : i32 to index
        %parallel_loop3A_51 = tpu.vector_load %arg4[%parallel_loop3A_49, %parallel_loop3A_50] {strides = array<i32>} : memref<8x2048xi32, #tpu.memory_space<vmem>>, vector<16xi32>,
        %parallel_loop3A_52 = arith.constant 16 : i32
        %parallel_loop3A_53 = vector.broadcast %parallel_loop3A_52 : i32 to vector<16xi32>
        %parallel_loop3A_54 = arith.shrsi %parallel_loop3A_51, %parallel_loop3A_53 : vector<16xi32>
        %parallel_loop3A_55 = arith.constant 32768 : i32
        %parallel_loop3A_56 = vector.broadcast %parallel_loop3A_55 : i32 to vector<16xi32>
        %parallel_loop3A_57 = arith.addi %parallel_loop3A_54, %parallel_loop3A_56 : vector<16xi32>
        %parallel_loop3A_58 = arith.constant 7 : i32
        %parallel_loop3A_59 = vector.broadcast %parallel_loop3A_58 : i32 to vector<16xi32>
        %parallel_loop3A_60 = arith.shrsi %parallel_loop3A_57, %parallel_loop3A_59 : vector<16xi32>
        %parallel_loop3A_61 = arith.constant 127 : i32
        %parallel_loop3A_62 = vector.broadcast %parallel_loop3A_61 : i32 to vector<16xi32>
        %parallel_loop3A_63 = arith.andi %parallel_loop3A_57, %parallel_loop3A_62 : vector<16xi32>
        tpu.vector_store_idx %arg8[%parallel_loop3A_60, %parallel_loop3A_63], %broadcast_in_dim3A_5 {add = true} : memref<512x128xi32, #tpu.memory_space<vmem>>[vector<16xi32>, vector<16xi32>], vector<16xi32>,
        %parallel_loop3A_64 = arith.constant 16 : i32
        %parallel_loop3A_65 = arith.muli %parallel_loop3A_45, %parallel_loop3A_64 : i32
        %parallel_loop3A_66 = arith.constant 1 : i32
        %parallel_loop3A_67 = arith.index_cast %parallel_loop3A_66 : i32 to index
        %parallel_loop3A_68 = arith.index_cast %parallel_loop3A_65 : i32 to index
        %parallel_loop3A_69 = tpu.vector_load %arg4[%parallel_loop3A_67, %parallel_loop3A_68] {strides = array<i32>} : memref<8x2048xi32, #tpu.memory_space<vmem>>, vector<16xi32>,
        %parallel_loop3A_70 = arith.constant 16 : i32
        %parallel_loop3A_71 = vector.broadcast %parallel_loop3A_70 : i32 to vector<16xi32>
        %parallel_loop3A_72 = arith.shrsi %parallel_loop3A_69, %parallel_loop3A_71 : vector<16xi32>
        %parallel_loop3A_73 = arith.constant 32768 : i32
        %parallel_loop3A_74 = vector.broadcast %parallel_loop3A_73 : i32 to vector<16xi32>
        %parallel_loop3A_75 = arith.addi %parallel_loop3A_72, %parallel_loop3A_74 : vector<16xi32>
        %parallel_loop3A_76 = arith.constant 7 : i32
        %parallel_loop3A_77 = vector.broadcast %parallel_loop3A_76 : i32 to vector<16xi32>
        %parallel_loop3A_78 = arith.shrsi %parallel_loop3A_75, %parallel_loop3A_77 : vector<16xi32>
        %parallel_loop3A_79 = arith.constant 127 : i32
        %parallel_loop3A_80 = vector.broadcast %parallel_loop3A_79 : i32 to vector<16xi32>
        %parallel_loop3A_81 = arith.andi %parallel_loop3A_75, %parallel_loop3A_80 : vector<16xi32>
        tpu.vector_store_idx %arg8[%parallel_loop3A_78, %parallel_loop3A_81], %broadcast_in_dim3A_5 {add = true} : memref<512x128xi32, #tpu.memory_space<vmem>>[vector<16xi32>, vector<16xi32>], vector<16xi32>,
        %parallel_loop3A_82 = arith.constant 16 : i32
        %parallel_loop3A_83 = arith.muli %parallel_loop3A_45, %parallel_loop3A_82 : i32
        %parallel_loop3A_84 = arith.constant 2 : i32
        %parallel_loop3A_85 = arith.index_cast %parallel_loop3A_84 : i32 to index
        %parallel_loop3A_86 = arith.index_cast %parallel_loop3A_83 : i32 to index
        %parallel_loop3A_87 = tpu.vector_load %arg4[%parallel_loop3A_85, %parallel_loop3A_86] {strides = array<i32>} : memref<8x2048xi32, #tpu.memory_space<vmem>>, vector<16xi32>,
        %parallel_loop3A_88 = arith.constant 16 : i32
        %parallel_loop3A_89 = vector.broadcast %parallel_loop3A_88 : i32 to vector<16xi32>
        %parallel_loop3A_90 = arith.shrsi %parallel_loop3A_87, %parallel_loop3A_89 : vector<16xi32>
        %parallel_loop3A_91 = arith.constant 32768 : i32
        %parallel_loop3A_92 = vector.broadcast %parallel_loop3A_91 : i32 to vector<16xi32>
        %parallel_loop3A_93 = arith.addi %parallel_loop3A_90, %parallel_loop3A_92 : vector<16xi32>
        %parallel_loop3A_94 = arith.constant 7 : i32
        %parallel_loop3A_95 = vector.broadcast %parallel_loop3A_94 : i32 to vector<16xi32>
        %parallel_loop3A_96 = arith.shrsi %parallel_loop3A_93, %parallel_loop3A_95 : vector<16xi32>
        %parallel_loop3A_97 = arith.constant 127 : i32
        %parallel_loop3A_98 = vector.broadcast %parallel_loop3A_97 : i32 to vector<16xi32>
        %parallel_loop3A_99 = arith.andi %parallel_loop3A_93, %parallel_loop3A_98 : vector<16xi32>
        tpu.vector_store_idx %arg8[%parallel_loop3A_96, %parallel_loop3A_99], %broadcast_in_dim3A_5 {add = true} : memref<512x128xi32, #tpu.memory_space<vmem>>[vector<16xi32>, vector<16xi32>], vector<16xi32>,
        %parallel_loop3A_100 = arith.constant 16 : i32
        %parallel_loop3A_101 = arith.muli %parallel_loop3A_45, %parallel_loop3A_100 : i32
        %parallel_loop3A_102 = arith.constant 3 : i32
        %parallel_loop3A_103 = arith.index_cast %parallel_loop3A_102 : i32 to index
        %parallel_loop3A_104 = arith.index_cast %parallel_loop3A_101 : i32 to index
        %parallel_loop3A_105 = tpu.vector_load %arg4[%parallel_loop3A_103, %parallel_loop3A_104] {strides = array<i32>} : memref<8x2048xi32, #tpu.memory_space<vmem>>, vector<16xi32>,
        %parallel_loop3A_106 = arith.constant 16 : i32
        %parallel_loop3A_107 = vector.broadcast %parallel_loop3A_106 : i32 to vector<16xi32>
        %parallel_loop3A_108 = arith.shrsi %parallel_loop3A_105, %parallel_loop3A_107 : vector<16xi32>
        %parallel_loop3A_109 = arith.constant 32768 : i32
        %parallel_loop3A_110 = vector.broadcast %parallel_loop3A_109 : i32 to vector<16xi32>
        %parallel_loop3A_111 = arith.addi %parallel_loop3A_108, %parallel_loop3A_110 : vector<16xi32>
        %parallel_loop3A_112 = arith.constant 7 : i32
        %parallel_loop3A_113 = vector.broadcast %parallel_loop3A_112 : i32 to vector<16xi32>
        %parallel_loop3A_114 = arith.shrsi %parallel_loop3A_111, %parallel_loop3A_113 : vector<16xi32>
        %parallel_loop3A_115 = arith.constant 127 : i32
        %parallel_loop3A_116 = vector.broadcast %parallel_loop3A_115 : i32 to vector<16xi32>
        %parallel_loop3A_117 = arith.andi %parallel_loop3A_111, %parallel_loop3A_116 : vector<16xi32>
        tpu.vector_store_idx %arg8[%parallel_loop3A_114, %parallel_loop3A_117], %broadcast_in_dim3A_5 {add = true} : memref<512x128xi32, #tpu.memory_space<vmem>>[vector<16xi32>, vector<16xi32>], vector<16xi32>,
        %parallel_loop3A_118 = arith.constant 16 : i32
        %parallel_loop3A_119 = arith.muli %parallel_loop3A_45, %parallel_loop3A_118 : i32
        %parallel_loop3A_120 = arith.constant 4 : i32
        %parallel_loop3A_121 = arith.index_cast %parallel_loop3A_120 : i32 to index
        %parallel_loop3A_122 = arith.index_cast %parallel_loop3A_119 : i32 to index
        %parallel_loop3A_123 = tpu.vector_load %arg4[%parallel_loop3A_121, %parallel_loop3A_122] {strides = array<i32>} : memref<8x2048xi32, #tpu.memory_space<vmem>>, vector<16xi32>,
        %parallel_loop3A_124 = arith.constant 16 : i32
        %parallel_loop3A_125 = vector.broadcast %parallel_loop3A_124 : i32 to vector<16xi32>
        %parallel_loop3A_126 = arith.shrsi %parallel_loop3A_123, %parallel_loop3A_125 : vector<16xi32>
        %parallel_loop3A_127 = arith.constant 32768 : i32
        %parallel_loop3A_128 = vector.broadcast %parallel_loop3A_127 : i32 to vector<16xi32>
        %parallel_loop3A_129 = arith.addi %parallel_loop3A_126, %parallel_loop3A_128 : vector<16xi32>
        %parallel_loop3A_130 = arith.constant 7 : i32
        %parallel_loop3A_131 = vector.broadcast %parallel_loop3A_130 : i32 to vector<16xi32>
        %parallel_loop3A_132 = arith.shrsi %parallel_loop3A_129, %parallel_loop3A_131 : vector<16xi32>
        %parallel_loop3A_133 = arith.constant 127 : i32
        %parallel_loop3A_134 = vector.broadcast %parallel_loop3A_133 : i32 to vector<16xi32>
        %parallel_loop3A_135 = arith.andi %parallel_loop3A_129, %parallel_loop3A_134 : vector<16xi32>
        tpu.vector_store_idx %arg8[%parallel_loop3A_132, %parallel_loop3A_135], %broadcast_in_dim3A_5 {add = true} : memref<512x128xi32, #tpu.memory_space<vmem>>[vector<16xi32>, vector<16xi32>], vector<16xi32>,
        %parallel_loop3A_136 = arith.constant 16 : i32
        %parallel_loop3A_137 = arith.muli %parallel_loop3A_45, %parallel_loop3A_136 : i32
        %parallel_loop3A_138 = arith.constant 5 : i32
        %parallel_loop3A_139 = arith.index_cast %parallel_loop3A_138 : i32 to index
        %parallel_loop3A_140 = arith.index_cast %parallel_loop3A_137 : i32 to index
        %parallel_loop3A_141 = tpu.vector_load %arg4[%parallel_loop3A_139, %parallel_loop3A_140] {strides = array<i32>} : memref<8x2048xi32, #tpu.memory_space<vmem>>, vector<16xi32>,
        %parallel_loop3A_142 = arith.constant 16 : i32
        %parallel_loop3A_143 = vector.broadcast %parallel_loop3A_142 : i32 to vector<16xi32>
        %parallel_loop3A_144 = arith.shrsi %parallel_loop3A_141, %parallel_loop3A_143 : vector<16xi32>
        %parallel_loop3A_145 = arith.constant 32768 : i32
        %parallel_loop3A_146 = vector.broadcast %parallel_loop3A_145 : i32 to vector<16xi32>
        %parallel_loop3A_147 = arith.addi %parallel_loop3A_144, %parallel_loop3A_146 : vector<16xi32>
        %parallel_loop3A_148 = arith.constant 7 : i32
        %parallel_loop3A_149 = vector.broadcast %parallel_loop3A_148 : i32 to vector<16xi32>
        %parallel_loop3A_150 = arith.shrsi %parallel_loop3A_147, %parallel_loop3A_149 : vector<16xi32>
        %parallel_loop3A_151 = arith.constant 127 : i32
        %parallel_loop3A_152 = vector.broadcast %parallel_loop3A_151 : i32 to vector<16xi32>
        %parallel_loop3A_153 = arith.andi %parallel_loop3A_147, %parallel_loop3A_152 : vector<16xi32>
        tpu.vector_store_idx %arg8[%parallel_loop3A_150, %parallel_loop3A_153], %broadcast_in_dim3A_5 {add = true} : memref<512x128xi32, #tpu.memory_space<vmem>>[vector<16xi32>, vector<16xi32>], vector<16xi32>,
        %parallel_loop3A_154 = arith.constant 16 : i32
        %parallel_loop3A_155 = arith.muli %parallel_loop3A_45, %parallel_loop3A_154 : i32
        %parallel_loop3A_156 = arith.constant 6 : i32
        %parallel_loop3A_157 = arith.index_cast %parallel_loop3A_156 : i32 to index
        %parallel_loop3A_158 = arith.index_cast %parallel_loop3A_155 : i32 to index
        %parallel_loop3A_159 = tpu.vector_load %arg4[%parallel_loop3A_157, %parallel_loop3A_158] {strides = array<i32>} : memref<8x2048xi32, #tpu.memory_space<vmem>>, vector<16xi32>,
        %parallel_loop3A_160 = arith.constant 16 : i32
        %parallel_loop3A_161 = vector.broadcast %parallel_loop3A_160 : i32 to vector<16xi32>
        %parallel_loop3A_162 = arith.shrsi %parallel_loop3A_159, %parallel_loop3A_161 : vector<16xi32>
        %parallel_loop3A_163 = arith.constant 32768 : i32
        %parallel_loop3A_164 = vector.broadcast %parallel_loop3A_163 : i32 to vector<16xi32>
        %parallel_loop3A_165 = arith.addi %parallel_loop3A_162, %parallel_loop3A_164 : vector<16xi32>
        %parallel_loop3A_166 = arith.constant 7 : i32
        %parallel_loop3A_167 = vector.broadcast %parallel_loop3A_166 : i32 to vector<16xi32>
        %parallel_loop3A_168 = arith.shrsi %parallel_loop3A_165, %parallel_loop3A_167 : vector<16xi32>
        %parallel_loop3A_169 = arith.constant 127 : i32
        %parallel_loop3A_170 = vector.broadcast %parallel_loop3A_169 : i32 to vector<16xi32>
        %parallel_loop3A_171 = arith.andi %parallel_loop3A_165, %parallel_loop3A_170 : vector<16xi32>
        tpu.vector_store_idx %arg8[%parallel_loop3A_168, %parallel_loop3A_171], %broadcast_in_dim3A_5 {add = true} : memref<512x128xi32, #tpu.memory_space<vmem>>[vector<16xi32>, vector<16xi32>], vector<16xi32>,
        %parallel_loop3A_172 = arith.constant 16 : i32
        %parallel_loop3A_173 = arith.muli %parallel_loop3A_45, %parallel_loop3A_172 : i32
        %parallel_loop3A_174 = arith.constant 7 : i32
        %parallel_loop3A_175 = arith.index_cast %parallel_loop3A_174 : i32 to index
        %parallel_loop3A_176 = arith.index_cast %parallel_loop3A_173 : i32 to index
        %parallel_loop3A_177 = tpu.vector_load %arg4[%parallel_loop3A_175, %parallel_loop3A_176] {strides = array<i32>} : memref<8x2048xi32, #tpu.memory_space<vmem>>, vector<16xi32>,
        %parallel_loop3A_178 = arith.constant 16 : i32
        %parallel_loop3A_179 = vector.broadcast %parallel_loop3A_178 : i32 to vector<16xi32>
        %parallel_loop3A_180 = arith.shrsi %parallel_loop3A_177, %parallel_loop3A_179 : vector<16xi32>
        %parallel_loop3A_181 = arith.constant 32768 : i32
        %parallel_loop3A_182 = vector.broadcast %parallel_loop3A_181 : i32 to vector<16xi32>
        %parallel_loop3A_183 = arith.addi %parallel_loop3A_180, %parallel_loop3A_182 : vector<16xi32>
        %parallel_loop3A_184 = arith.constant 7 : i32
        %parallel_loop3A_185 = vector.broadcast %parallel_loop3A_184 : i32 to vector<16xi32>
        %parallel_loop3A_186 = arith.shrsi %parallel_loop3A_183, %parallel_loop3A_185 : vector<16xi32>
        %parallel_loop3A_187 = arith.constant 127 : i32
        %parallel_loop3A_188 = vector.broadcast %parallel_loop3A_187 : i32 to vector<16xi32>
        %parallel_loop3A_189 = arith.andi %parallel_loop3A_183, %parallel_loop3A_188 : vector<16xi32>
        tpu.vector_store_idx %arg8[%parallel_loop3A_186, %parallel_loop3A_189], %broadcast_in_dim3A_5 {add = true} : memref<512x128xi32, #tpu.memory_space<vmem>>[vector<16xi32>, vector<16xi32>], vector<16xi32>,
      } {sc.loop_unroll_factor = 4 : i64, sc.parallel_access}
      %add3A_31 = arith.constant 2 : i32
      %add3A_32 = arith.addi %mul3A_20, %add3A_31 : i32
      %lt3A_33 = arith.constant 32 : i32
      %lt3A_34 = arith.cmpi slt, %add3A_32, %lt3A_33 : i32
      %convert_element_type3A_35 = arith.extui %lt3A_34 : i1 to i32
      %cond3A_36 = arith.constant 0 : i32
      %cond3A_37 = arith.cmpi ne, %convert_element_type3A_35, %cond3A_36 : i32
      scf.if %cond3A_37 {
        %add3A_45 = arith.constant 2 : i32
        %add3A_46 = arith.addi %mul3A_20, %add3A_45 : i32
        %mul3A_47 = arith.constant 8 : i32
        %mul3A_48 = arith.muli %add3A_46, %mul3A_47 : i32
        %add3A_49 = arith.addi %mul3A_7, %mul3A_48 : i32
        %dma_start3A_50 = arith.constant 0 : i32
        %dma_start3A_51 = tpu.memref_slice %arg2[%add3A_49, %dma_start3A_50] : memref<8192x2048xi32, #tpu.memory_space<hbm>> -> memref<8x2048xi32, #tpu.memory_space<hbm>>
        %dma_start3A_52 = arith.constant 0 : i32
        %dma_start3A_53 = tpu.memref_slice %arg2[%add3A_49, %dma_start3A_52] : memref<8192x2048xi32, #tpu.memory_space<hbm>> -> memref<8x2048xi32, #tpu.memory_space<hbm>>
        tpu.enqueue_dma source(%dma_start3A_53 : memref<8x2048xi32, #tpu.memory_space<hbm>>) target(%arg4 : memref<8x2048xi32, #tpu.memory_space<vmem>>) target_semaphore(%arg6 : memref<!tpu.dma_semaphore, #tpu.memory_space<semaphore_mem>>)
      } else {
      }
      %add3A_38 = arith.constant 1 : i32
      %add3A_39 = arith.addi %mul3A_20, %add3A_38 : i32
      %lt3A_40 = arith.constant 32 : i32
      %lt3A_41 = arith.cmpi slt, %add3A_39, %lt3A_40 : i32
      %convert_element_type3A_42 = arith.extui %lt3A_41 : i1 to i32
      %cond3A_43 = arith.constant 0 : i32
      %cond3A_44 = arith.cmpi ne, %convert_element_type3A_42, %cond3A_43 : i32
      scf.if %cond3A_44 {
        %dma_wait3A_45 = arith.constant 0 : i32
        %dma_wait3A_46 = tpu.memref_slice %arg2[%mul3A_7, %dma_wait3A_45] : memref<8192x2048xi32, #tpu.memory_space<hbm>> -> memref<8x2048xi32, #tpu.memory_space<hbm>>
        %dma_wait3A_47 = arith.constant 0 : i32
        %dma_wait3A_48 = tpu.memref_slice %arg2[%mul3A_7, %dma_wait3A_47] : memref<8192x2048xi32, #tpu.memory_space<hbm>> -> memref<8x2048xi32, #tpu.memory_space<hbm>>
        tpu.wait_dma2 semaphore(%arg7 : memref<!tpu.dma_semaphore, #tpu.memory_space<semaphore_mem>>) src(%dma_wait3A_48 : memref<8x2048xi32, #tpu.memory_space<hbm>>) dst(%arg5 : memref<8x2048xi32, #tpu.memory_space<vmem>>)
        %parallel_loop3A_49 = arith.constant 0 : i32
        %parallel_loop3A_50 = arith.constant 128 : i32
        %parallel_loop3A_51 = arith.constant 1 : i32
        scf.for %parallel_loop3A_52 = %parallel_loop3A_49 to %parallel_loop3A_50 step %parallel_loop3A_51  : i32 {
          %parallel_loop3A_53 = arith.constant 16 : i32
          %parallel_loop3A_54 = arith.muli %parallel_loop3A_52, %parallel_loop3A_53 : i32
          %parallel_loop3A_55 = arith.constant 0 : i32
          %parallel_loop3A_56 = arith.index_cast %parallel_loop3A_55 : i32 to index
          %parallel_loop3A_57 = arith.index_cast %parallel_loop3A_54 : i32 to index
          %parallel_loop3A_58 = tpu.vector_load %arg5[%parallel_loop3A_56, %parallel_loop3A_57] {strides = array<i32>} : memref<8x2048xi32, #tpu.memory_space<vmem>>, vector<16xi32>,
          %parallel_loop3A_59 = arith.constant 16 : i32
          %parallel_loop3A_60 = vector.broadcast %parallel_loop3A_59 : i32 to vector<16xi32>
          %parallel_loop3A_61 = arith.shrsi %parallel_loop3A_58, %parallel_loop3A_60 : vector<16xi32>
          %parallel_loop3A_62 = arith.constant 32768 : i32
          %parallel_loop3A_63 = vector.broadcast %parallel_loop3A_62 : i32 to vector<16xi32>
          %parallel_loop3A_64 = arith.addi %parallel_loop3A_61, %parallel_loop3A_63 : vector<16xi32>
          %parallel_loop3A_65 = arith.constant 7 : i32
          %parallel_loop3A_66 = vector.broadcast %parallel_loop3A_65 : i32 to vector<16xi32>
          %parallel_loop3A_67 = arith.shrsi %parallel_loop3A_64, %parallel_loop3A_66 : vector<16xi32>
          %parallel_loop3A_68 = arith.constant 127 : i32
          %parallel_loop3A_69 = vector.broadcast %parallel_loop3A_68 : i32 to vector<16xi32>
          %parallel_loop3A_70 = arith.andi %parallel_loop3A_64, %parallel_loop3A_69 : vector<16xi32>
          tpu.vector_store_idx %arg8[%parallel_loop3A_67, %parallel_loop3A_70], %broadcast_in_dim3A_5 {add = true} : memref<512x128xi32, #tpu.memory_space<vmem>>[vector<16xi32>, vector<16xi32>], vector<16xi32>,
          %parallel_loop3A_71 = arith.constant 16 : i32
          %parallel_loop3A_72 = arith.muli %parallel_loop3A_52, %parallel_loop3A_71 : i32
          %parallel_loop3A_73 = arith.constant 1 : i32
          %parallel_loop3A_74 = arith.index_cast %parallel_loop3A_73 : i32 to index
          %parallel_loop3A_75 = arith.index_cast %parallel_loop3A_72 : i32 to index
          %parallel_loop3A_76 = tpu.vector_load %arg5[%parallel_loop3A_74, %parallel_loop3A_75] {strides = array<i32>} : memref<8x2048xi32, #tpu.memory_space<vmem>>, vector<16xi32>,
          %parallel_loop3A_77 = arith.constant 16 : i32
          %parallel_loop3A_78 = vector.broadcast %parallel_loop3A_77 : i32 to vector<16xi32>
          %parallel_loop3A_79 = arith.shrsi %parallel_loop3A_76, %parallel_loop3A_78 : vector<16xi32>
          %parallel_loop3A_80 = arith.constant 32768 : i32
          %parallel_loop3A_81 = vector.broadcast %parallel_loop3A_80 : i32 to vector<16xi32>
          %parallel_loop3A_82 = arith.addi %parallel_loop3A_79, %parallel_loop3A_81 : vector<16xi32>
          %parallel_loop3A_83 = arith.constant 7 : i32
          %parallel_loop3A_84 = vector.broadcast %parallel_loop3A_83 : i32 to vector<16xi32>
          %parallel_loop3A_85 = arith.shrsi %parallel_loop3A_82, %parallel_loop3A_84 : vector<16xi32>
          %parallel_loop3A_86 = arith.constant 127 : i32
          %parallel_loop3A_87 = vector.broadcast %parallel_loop3A_86 : i32 to vector<16xi32>
          %parallel_loop3A_88 = arith.andi %parallel_loop3A_82, %parallel_loop3A_87 : vector<16xi32>
          tpu.vector_store_idx %arg8[%parallel_loop3A_85, %parallel_loop3A_88], %broadcast_in_dim3A_5 {add = true} : memref<512x128xi32, #tpu.memory_space<vmem>>[vector<16xi32>, vector<16xi32>], vector<16xi32>,
          %parallel_loop3A_89 = arith.constant 16 : i32
          %parallel_loop3A_90 = arith.muli %parallel_loop3A_52, %parallel_loop3A_89 : i32
          %parallel_loop3A_91 = arith.constant 2 : i32
          %parallel_loop3A_92 = arith.index_cast %parallel_loop3A_91 : i32 to index
          %parallel_loop3A_93 = arith.index_cast %parallel_loop3A_90 : i32 to index
          %parallel_loop3A_94 = tpu.vector_load %arg5[%parallel_loop3A_92, %parallel_loop3A_93] {strides = array<i32>} : memref<8x2048xi32, #tpu.memory_space<vmem>>, vector<16xi32>,
          %parallel_loop3A_95 = arith.constant 16 : i32
          %parallel_loop3A_96 = vector.broadcast %parallel_loop3A_95 : i32 to vector<16xi32>
          %parallel_loop3A_97 = arith.shrsi %parallel_loop3A_94, %parallel_loop3A_96 : vector<16xi32>
          %parallel_loop3A_98 = arith.constant 32768 : i32
          %parallel_loop3A_99 = vector.broadcast %parallel_loop3A_98 : i32 to vector<16xi32>
          %parallel_loop3A_100 = arith.addi %parallel_loop3A_97, %parallel_loop3A_99 : vector<16xi32>
          %parallel_loop3A_101 = arith.constant 7 : i32
          %parallel_loop3A_102 = vector.broadcast %parallel_loop3A_101 : i32 to vector<16xi32>
          %parallel_loop3A_103 = arith.shrsi %parallel_loop3A_100, %parallel_loop3A_102 : vector<16xi32>
          %parallel_loop3A_104 = arith.constant 127 : i32
          %parallel_loop3A_105 = vector.broadcast %parallel_loop3A_104 : i32 to vector<16xi32>
          %parallel_loop3A_106 = arith.andi %parallel_loop3A_100, %parallel_loop3A_105 : vector<16xi32>
          tpu.vector_store_idx %arg8[%parallel_loop3A_103, %parallel_loop3A_106], %broadcast_in_dim3A_5 {add = true} : memref<512x128xi32, #tpu.memory_space<vmem>>[vector<16xi32>, vector<16xi32>], vector<16xi32>,
          %parallel_loop3A_107 = arith.constant 16 : i32
          %parallel_loop3A_108 = arith.muli %parallel_loop3A_52, %parallel_loop3A_107 : i32
          %parallel_loop3A_109 = arith.constant 3 : i32
          %parallel_loop3A_110 = arith.index_cast %parallel_loop3A_109 : i32 to index
          %parallel_loop3A_111 = arith.index_cast %parallel_loop3A_108 : i32 to index
          %parallel_loop3A_112 = tpu.vector_load %arg5[%parallel_loop3A_110, %parallel_loop3A_111] {strides = array<i32>} : memref<8x2048xi32, #tpu.memory_space<vmem>>, vector<16xi32>,
          %parallel_loop3A_113 = arith.constant 16 : i32
          %parallel_loop3A_114 = vector.broadcast %parallel_loop3A_113 : i32 to vector<16xi32>
          %parallel_loop3A_115 = arith.shrsi %parallel_loop3A_112, %parallel_loop3A_114 : vector<16xi32>
          %parallel_loop3A_116 = arith.constant 32768 : i32
          %parallel_loop3A_117 = vector.broadcast %parallel_loop3A_116 : i32 to vector<16xi32>
          %parallel_loop3A_118 = arith.addi %parallel_loop3A_115, %parallel_loop3A_117 : vector<16xi32>
          %parallel_loop3A_119 = arith.constant 7 : i32
          %parallel_loop3A_120 = vector.broadcast %parallel_loop3A_119 : i32 to vector<16xi32>
          %parallel_loop3A_121 = arith.shrsi %parallel_loop3A_118, %parallel_loop3A_120 : vector<16xi32>
          %parallel_loop3A_122 = arith.constant 127 : i32
          %parallel_loop3A_123 = vector.broadcast %parallel_loop3A_122 : i32 to vector<16xi32>
          %parallel_loop3A_124 = arith.andi %parallel_loop3A_118, %parallel_loop3A_123 : vector<16xi32>
          tpu.vector_store_idx %arg8[%parallel_loop3A_121, %parallel_loop3A_124], %broadcast_in_dim3A_5 {add = true} : memref<512x128xi32, #tpu.memory_space<vmem>>[vector<16xi32>, vector<16xi32>], vector<16xi32>,
          %parallel_loop3A_125 = arith.constant 16 : i32
          %parallel_loop3A_126 = arith.muli %parallel_loop3A_52, %parallel_loop3A_125 : i32
          %parallel_loop3A_127 = arith.constant 4 : i32
          %parallel_loop3A_128 = arith.index_cast %parallel_loop3A_127 : i32 to index
          %parallel_loop3A_129 = arith.index_cast %parallel_loop3A_126 : i32 to index
          %parallel_loop3A_130 = tpu.vector_load %arg5[%parallel_loop3A_128, %parallel_loop3A_129] {strides = array<i32>} : memref<8x2048xi32, #tpu.memory_space<vmem>>, vector<16xi32>,
          %parallel_loop3A_131 = arith.constant 16 : i32
          %parallel_loop3A_132 = vector.broadcast %parallel_loop3A_131 : i32 to vector<16xi32>
          %parallel_loop3A_133 = arith.shrsi %parallel_loop3A_130, %parallel_loop3A_132 : vector<16xi32>
          %parallel_loop3A_134 = arith.constant 32768 : i32
          %parallel_loop3A_135 = vector.broadcast %parallel_loop3A_134 : i32 to vector<16xi32>
          %parallel_loop3A_136 = arith.addi %parallel_loop3A_133, %parallel_loop3A_135 : vector<16xi32>
          %parallel_loop3A_137 = arith.constant 7 : i32
          %parallel_loop3A_138 = vector.broadcast %parallel_loop3A_137 : i32 to vector<16xi32>
          %parallel_loop3A_139 = arith.shrsi %parallel_loop3A_136, %parallel_loop3A_138 : vector<16xi32>
          %parallel_loop3A_140 = arith.constant 127 : i32
          %parallel_loop3A_141 = vector.broadcast %parallel_loop3A_140 : i32 to vector<16xi32>
          %parallel_loop3A_142 = arith.andi %parallel_loop3A_136, %parallel_loop3A_141 : vector<16xi32>
          tpu.vector_store_idx %arg8[%parallel_loop3A_139, %parallel_loop3A_142], %broadcast_in_dim3A_5 {add = true} : memref<512x128xi32, #tpu.memory_space<vmem>>[vector<16xi32>, vector<16xi32>], vector<16xi32>,
          %parallel_loop3A_143 = arith.constant 16 : i32
          %parallel_loop3A_144 = arith.muli %parallel_loop3A_52, %parallel_loop3A_143 : i32
          %parallel_loop3A_145 = arith.constant 5 : i32
          %parallel_loop3A_146 = arith.index_cast %parallel_loop3A_145 : i32 to index
          %parallel_loop3A_147 = arith.index_cast %parallel_loop3A_144 : i32 to index
          %parallel_loop3A_148 = tpu.vector_load %arg5[%parallel_loop3A_146, %parallel_loop3A_147] {strides = array<i32>} : memref<8x2048xi32, #tpu.memory_space<vmem>>, vector<16xi32>,
          %parallel_loop3A_149 = arith.constant 16 : i32
          %parallel_loop3A_150 = vector.broadcast %parallel_loop3A_149 : i32 to vector<16xi32>
          %parallel_loop3A_151 = arith.shrsi %parallel_loop3A_148, %parallel_loop3A_150 : vector<16xi32>
          %parallel_loop3A_152 = arith.constant 32768 : i32
          %parallel_loop3A_153 = vector.broadcast %parallel_loop3A_152 : i32 to vector<16xi32>
          %parallel_loop3A_154 = arith.addi %parallel_loop3A_151, %parallel_loop3A_153 : vector<16xi32>
          %parallel_loop3A_155 = arith.constant 7 : i32
          %parallel_loop3A_156 = vector.broadcast %parallel_loop3A_155 : i32 to vector<16xi32>
          %parallel_loop3A_157 = arith.shrsi %parallel_loop3A_154, %parallel_loop3A_156 : vector<16xi32>
          %parallel_loop3A_158 = arith.constant 127 : i32
          %parallel_loop3A_159 = vector.broadcast %parallel_loop3A_158 : i32 to vector<16xi32>
          %parallel_loop3A_160 = arith.andi %parallel_loop3A_154, %parallel_loop3A_159 : vector<16xi32>
          tpu.vector_store_idx %arg8[%parallel_loop3A_157, %parallel_loop3A_160], %broadcast_in_dim3A_5 {add = true} : memref<512x128xi32, #tpu.memory_space<vmem>>[vector<16xi32>, vector<16xi32>], vector<16xi32>,
          %parallel_loop3A_161 = arith.constant 16 : i32
          %parallel_loop3A_162 = arith.muli %parallel_loop3A_52, %parallel_loop3A_161 : i32
          %parallel_loop3A_163 = arith.constant 6 : i32
          %parallel_loop3A_164 = arith.index_cast %parallel_loop3A_163 : i32 to index
          %parallel_loop3A_165 = arith.index_cast %parallel_loop3A_162 : i32 to index
          %parallel_loop3A_166 = tpu.vector_load %arg5[%parallel_loop3A_164, %parallel_loop3A_165] {strides = array<i32>} : memref<8x2048xi32, #tpu.memory_space<vmem>>, vector<16xi32>,
          %parallel_loop3A_167 = arith.constant 16 : i32
          %parallel_loop3A_168 = vector.broadcast %parallel_loop3A_167 : i32 to vector<16xi32>
          %parallel_loop3A_169 = arith.shrsi %parallel_loop3A_166, %parallel_loop3A_168 : vector<16xi32>
          %parallel_loop3A_170 = arith.constant 32768 : i32
          %parallel_loop3A_171 = vector.broadcast %parallel_loop3A_170 : i32 to vector<16xi32>
          %parallel_loop3A_172 = arith.addi %parallel_loop3A_169, %parallel_loop3A_171 : vector<16xi32>
          %parallel_loop3A_173 = arith.constant 7 : i32
          %parallel_loop3A_174 = vector.broadcast %parallel_loop3A_173 : i32 to vector<16xi32>
          %parallel_loop3A_175 = arith.shrsi %parallel_loop3A_172, %parallel_loop3A_174 : vector<16xi32>
          %parallel_loop3A_176 = arith.constant 127 : i32
          %parallel_loop3A_177 = vector.broadcast %parallel_loop3A_176 : i32 to vector<16xi32>
          %parallel_loop3A_178 = arith.andi %parallel_loop3A_172, %parallel_loop3A_177 : vector<16xi32>
          tpu.vector_store_idx %arg8[%parallel_loop3A_175, %parallel_loop3A_178], %broadcast_in_dim3A_5 {add = true} : memref<512x128xi32, #tpu.memory_space<vmem>>[vector<16xi32>, vector<16xi32>], vector<16xi32>,
          %parallel_loop3A_179 = arith.constant 16 : i32
          %parallel_loop3A_180 = arith.muli %parallel_loop3A_52, %parallel_loop3A_179 : i32
          %parallel_loop3A_181 = arith.constant 7 : i32
          %parallel_loop3A_182 = arith.index_cast %parallel_loop3A_181 : i32 to index
          %parallel_loop3A_183 = arith.index_cast %parallel_loop3A_180 : i32 to index
          %parallel_loop3A_184 = tpu.vector_load %arg5[%parallel_loop3A_182, %parallel_loop3A_183] {strides = array<i32>} : memref<8x2048xi32, #tpu.memory_space<vmem>>, vector<16xi32>,
          %parallel_loop3A_185 = arith.constant 16 : i32
          %parallel_loop3A_186 = vector.broadcast %parallel_loop3A_185 : i32 to vector<16xi32>
          %parallel_loop3A_187 = arith.shrsi %parallel_loop3A_184, %parallel_loop3A_186 : vector<16xi32>
          %parallel_loop3A_188 = arith.constant 32768 : i32
          %parallel_loop3A_189 = vector.broadcast %parallel_loop3A_188 : i32 to vector<16xi32>
          %parallel_loop3A_190 = arith.addi %parallel_loop3A_187, %parallel_loop3A_189 : vector<16xi32>
          %parallel_loop3A_191 = arith.constant 7 : i32
          %parallel_loop3A_192 = vector.broadcast %parallel_loop3A_191 : i32 to vector<16xi32>
          %parallel_loop3A_193 = arith.shrsi %parallel_loop3A_190, %parallel_loop3A_192 : vector<16xi32>
          %parallel_loop3A_194 = arith.constant 127 : i32
          %parallel_loop3A_195 = vector.broadcast %parallel_loop3A_194 : i32 to vector<16xi32>
          %parallel_loop3A_196 = arith.andi %parallel_loop3A_190, %parallel_loop3A_195 : vector<16xi32>
          tpu.vector_store_idx %arg8[%parallel_loop3A_193, %parallel_loop3A_196], %broadcast_in_dim3A_5 {add = true} : memref<512x128xi32, #tpu.memory_space<vmem>>[vector<16xi32>, vector<16xi32>], vector<16xi32>,
        } {sc.loop_unroll_factor = 4 : i64, sc.parallel_access}
      } else {
      }
    }
    %scan3A_17 = arith.constant 16 : i32
    "tpu.region"() ({
      %run_scoped3A = tpu.sem_alloc : memref<!tpu.dma_semaphore, #tpu.memory_space<semaphore_mem>>
      %dma_start3A_18 = arith.constant 0 : i32
      %dma_start3A_19 = arith.constant 0 : i32
      %dma_start3A_20 = tpu.memref_slice %arg3[%add3A, %dma_start3A_18, %dma_start3A_19] : memref<32x512x128xi32, #tpu.memory_space<hbm>> -> memref<1x512x128xi32, #tpu.memory_space<hbm>>
      %dma_start3A_21 = tpu.memref_squeeze %dma_start3A_20 : memref<1x512x128xi32, #tpu.memory_space<hbm>> -> memref<512x128xi32, #tpu.memory_space<hbm>>
      %dma_start3A_22 = arith.constant 0 : i32
      %dma_start3A_23 = arith.constant 0 : i32
      %dma_start3A_24 = tpu.memref_slice %arg3[%add3A, %dma_start3A_22, %dma_start3A_23] : memref<32x512x128xi32, #tpu.memory_space<hbm>> -> memref<1x512x128xi32, #tpu.memory_space<hbm>>
      %dma_start3A_25 = tpu.memref_squeeze %dma_start3A_24 : memref<1x512x128xi32, #tpu.memory_space<hbm>> -> memref<512x128xi32, #tpu.memory_space<hbm>>
      tpu.enqueue_dma source(%arg8 : memref<512x128xi32, #tpu.memory_space<vmem>>) target(%dma_start3A_25 : memref<512x128xi32, #tpu.memory_space<hbm>>) target_semaphore(%run_scoped3A : memref<!tpu.dma_semaphore, #tpu.memory_space<semaphore_mem>>)
      %dma_wait3A = arith.constant 0 : i32
      %dma_wait3A_26 = arith.constant 0 : i32
      %dma_wait3A_27 = tpu.memref_slice %arg3[%add3A, %dma_wait3A, %dma_wait3A_26] : memref<32x512x128xi32, #tpu.memory_space<hbm>> -> memref<1x512x128xi32, #tpu.memory_space<hbm>>
      %dma_wait3A_28 = tpu.memref_squeeze %dma_wait3A_27 : memref<1x512x128xi32, #tpu.memory_space<hbm>> -> memref<512x128xi32, #tpu.memory_space<hbm>>
      %dma_wait3A_29 = arith.constant 0 : i32
      %dma_wait3A_30 = arith.constant 0 : i32
      %dma_wait3A_31 = tpu.memref_slice %arg3[%add3A, %dma_wait3A_29, %dma_wait3A_30] : memref<32x512x128xi32, #tpu.memory_space<hbm>> -> memref<1x512x128xi32, #tpu.memory_space<hbm>>
      %dma_wait3A_32 = tpu.memref_squeeze %dma_wait3A_31 : memref<1x512x128xi32, #tpu.memory_space<hbm>> -> memref<512x128xi32, #tpu.memory_space<hbm>>
      tpu.wait_dma2 semaphore(%run_scoped3A : memref<!tpu.dma_semaphore, #tpu.memory_space<semaphore_mem>>) src(%arg8 : memref<512x128xi32, #tpu.memory_space<vmem>>) dst(%dma_wait3A_32 : memref<512x128xi32, #tpu.memory_space<hbm>>)
      tpu.yield
    }) : () -> ()
    return
  }
}

#map = affine_map<(d0, d1) -> (0, 0)>
#map1 = affine_map<(d0, d1) -> (0)>
#map2 = affine_map<(d0, d1) -> (0, 0, 0)>
module attributes {stable_mosaic.version = 14 : i64} {
  func.func @_hist_lo(%arg0: i32, %arg1: i32, %arg2: memref<8192x2048xi32, #tpu.memory_space<hbm>>, %arg3: memref<16xi32, #tpu.memory_space<hbm>>, %arg4: memref<32x512x128xi32, #tpu.memory_space<hbm>>, %arg5: memref<8x2048xi32, #tpu.memory_space<vmem>>, %arg6: memref<8x2048xi32, #tpu.memory_space<vmem>>, %arg7: memref<!tpu.dma_semaphore, #tpu.memory_space<semaphore_mem>>, %arg8: memref<!tpu.dma_semaphore, #tpu.memory_space<semaphore_mem>>, %arg9: memref<512x128xi32, #tpu.memory_space<vmem>>, %arg10: memref<16xi32, #tpu.memory_space<vmem>>) attributes {dimension_semantics = [#tpu.dimension_semantics<core_parallel>, #tpu.dimension_semantics<subcore_parallel>], iteration_bounds = array<i64: 2, 16>, scalar_prefetch = 0 : i64, scratch_operands = 6 : i64, tpu.core_type = #tpu.core_type<sc_vector_subcore>, window_params = [{transform_indices = #map}, {transform_indices = #map1}, {transform_indices = #map2}]} {
    %mul3A = arith.constant 2 : i32
    %mul3A_0 = arith.muli %arg1, %mul3A : i32
    %add3A = arith.addi %mul3A_0, %arg0 : i32
    %broadcast_in_dim3A = arith.constant 0 : i32
    %broadcast_in_dim3A_1 = vector.broadcast %broadcast_in_dim3A : i32 to vector<16xi32>
    %parallel_loop3A = arith.constant 0 : i32
    %parallel_loop3A_2 = arith.constant 512 : i32
    %parallel_loop3A_3 = arith.constant 1 : i32
    scf.for %parallel_loop3A_19 = %parallel_loop3A to %parallel_loop3A_2 step %parallel_loop3A_3  : i32 {
      %parallel_loop3A_20 = arith.index_cast %parallel_loop3A_19 : i32 to index
      %parallel_loop3A_21 = arith.constant 0 : index
      %parallel_loop3A_22 = tpu.vector_load %arg9[%parallel_loop3A_20, %parallel_loop3A_21] {strides = array<i32>} : memref<512x128xi32, #tpu.memory_space<vmem>>, vector<16xi32>,
      tpu.vector_store %arg9[%parallel_loop3A_20, %parallel_loop3A_21], %broadcast_in_dim3A_1 {strides = array<i32>} : memref<512x128xi32, #tpu.memory_space<vmem>>, vector<16xi32>,
      %parallel_loop3A_23 = arith.index_cast %parallel_loop3A_19 : i32 to index
      %parallel_loop3A_24 = arith.constant 16 : index
      %parallel_loop3A_25 = tpu.vector_load %arg9[%parallel_loop3A_23, %parallel_loop3A_24] {strides = array<i32>} : memref<512x128xi32, #tpu.memory_space<vmem>>, vector<16xi32>,
      tpu.vector_store %arg9[%parallel_loop3A_23, %parallel_loop3A_24], %broadcast_in_dim3A_1 {strides = array<i32>} : memref<512x128xi32, #tpu.memory_space<vmem>>, vector<16xi32>,
      %parallel_loop3A_26 = arith.index_cast %parallel_loop3A_19 : i32 to index
      %parallel_loop3A_27 = arith.constant 32 : index
      %parallel_loop3A_28 = tpu.vector_load %arg9[%parallel_loop3A_26, %parallel_loop3A_27] {strides = array<i32>} : memref<512x128xi32, #tpu.memory_space<vmem>>, vector<16xi32>,
      tpu.vector_store %arg9[%parallel_loop3A_26, %parallel_loop3A_27], %broadcast_in_dim3A_1 {strides = array<i32>} : memref<512x128xi32, #tpu.memory_space<vmem>>, vector<16xi32>,
      %parallel_loop3A_29 = arith.index_cast %parallel_loop3A_19 : i32 to index
      %parallel_loop3A_30 = arith.constant 48 : index
      %parallel_loop3A_31 = tpu.vector_load %arg9[%parallel_loop3A_29, %parallel_loop3A_30] {strides = array<i32>} : memref<512x128xi32, #tpu.memory_space<vmem>>, vector<16xi32>,
      tpu.vector_store %arg9[%parallel_loop3A_29, %parallel_loop3A_30], %broadcast_in_dim3A_1 {strides = array<i32>} : memref<512x128xi32, #tpu.memory_space<vmem>>, vector<16xi32>,
      %parallel_loop3A_32 = arith.index_cast %parallel_loop3A_19 : i32 to index
      %parallel_loop3A_33 = arith.constant 64 : index
      %parallel_loop3A_34 = tpu.vector_load %arg9[%parallel_loop3A_32, %parallel_loop3A_33] {strides = array<i32>} : memref<512x128xi32, #tpu.memory_space<vmem>>, vector<16xi32>,
      tpu.vector_store %arg9[%parallel_loop3A_32, %parallel_loop3A_33], %broadcast_in_dim3A_1 {strides = array<i32>} : memref<512x128xi32, #tpu.memory_space<vmem>>, vector<16xi32>,
      %parallel_loop3A_35 = arith.index_cast %parallel_loop3A_19 : i32 to index
      %parallel_loop3A_36 = arith.constant 80 : index
      %parallel_loop3A_37 = tpu.vector_load %arg9[%parallel_loop3A_35, %parallel_loop3A_36] {strides = array<i32>} : memref<512x128xi32, #tpu.memory_space<vmem>>, vector<16xi32>,
      tpu.vector_store %arg9[%parallel_loop3A_35, %parallel_loop3A_36], %broadcast_in_dim3A_1 {strides = array<i32>} : memref<512x128xi32, #tpu.memory_space<vmem>>, vector<16xi32>,
      %parallel_loop3A_38 = arith.index_cast %parallel_loop3A_19 : i32 to index
      %parallel_loop3A_39 = arith.constant 96 : index
      %parallel_loop3A_40 = tpu.vector_load %arg9[%parallel_loop3A_38, %parallel_loop3A_39] {strides = array<i32>} : memref<512x128xi32, #tpu.memory_space<vmem>>, vector<16xi32>,
      tpu.vector_store %arg9[%parallel_loop3A_38, %parallel_loop3A_39], %broadcast_in_dim3A_1 {strides = array<i32>} : memref<512x128xi32, #tpu.memory_space<vmem>>, vector<16xi32>,
      %parallel_loop3A_41 = arith.index_cast %parallel_loop3A_19 : i32 to index
      %parallel_loop3A_42 = arith.constant 112 : index
      %parallel_loop3A_43 = tpu.vector_load %arg9[%parallel_loop3A_41, %parallel_loop3A_42] {strides = array<i32>} : memref<512x128xi32, #tpu.memory_space<vmem>>, vector<16xi32>,
      tpu.vector_store %arg9[%parallel_loop3A_41, %parallel_loop3A_42], %broadcast_in_dim3A_1 {strides = array<i32>} : memref<512x128xi32, #tpu.memory_space<vmem>>, vector<16xi32>,
    } {sc.loop_unroll_factor = 1 : i64, sc.parallel_access}
    "tpu.region"() ({
      %run_scoped3A = tpu.sem_alloc : memref<!tpu.dma_semaphore, #tpu.memory_space<semaphore_mem>>
      tpu.enqueue_dma source(%arg3 : memref<16xi32, #tpu.memory_space<hbm>>) target(%arg10 : memref<16xi32, #tpu.memory_space<vmem>>) target_semaphore(%run_scoped3A : memref<!tpu.dma_semaphore, #tpu.memory_space<semaphore_mem>>)
      tpu.wait_dma2 semaphore(%run_scoped3A : memref<!tpu.dma_semaphore, #tpu.memory_space<semaphore_mem>>) src(%arg3 : memref<16xi32, #tpu.memory_space<hbm>>) dst(%arg10 : memref<16xi32, #tpu.memory_space<vmem>>)
      tpu.yield
    }) : () -> ()
    %get3A = arith.constant 0 : index
    %get3A_4 = tpu.vector_load %arg10[%get3A] {strides = array<i32>} : memref<16xi32, #tpu.memory_space<vmem>>, vector<16xi32>,
    %broadcast_in_dim3A_5 = arith.constant 1 : i32
    %broadcast_in_dim3A_6 = vector.broadcast %broadcast_in_dim3A_5 : i32 to vector<16xi32>
    %mul3A_7 = arith.constant 256 : i32
    %mul3A_8 = arith.muli %add3A, %mul3A_7 : i32
    %add3A_9 = arith.constant 0 : i32
    %add3A_10 = arith.addi %mul3A_8, %add3A_9 : i32
    %dma_start3A = arith.constant 0 : i32
    %dma_start3A_11 = tpu.memref_slice %arg2[%add3A_10, %dma_start3A] : memref<8192x2048xi32, #tpu.memory_space<hbm>> -> memref<8x2048xi32, #tpu.memory_space<hbm>>
    %dma_start3A_12 = arith.constant 0 : i32
    %dma_start3A_13 = tpu.memref_slice %arg2[%add3A_10, %dma_start3A_12] : memref<8192x2048xi32, #tpu.memory_space<hbm>> -> memref<8x2048xi32, #tpu.memory_space<hbm>>
    tpu.enqueue_dma source(%dma_start3A_13 : memref<8x2048xi32, #tpu.memory_space<hbm>>) target(%arg5 : memref<8x2048xi32, #tpu.memory_space<vmem>>) target_semaphore(%arg7 : memref<!tpu.dma_semaphore, #tpu.memory_space<semaphore_mem>>)
    %scan3A = arith.constant 0 : i32
    %scan3A_14 = arith.constant 0 : i32
    %scan3A_15 = arith.constant 16 : i32
    %scan3A_16 = arith.addi %scan3A_14, %scan3A_15 : i32
    %scan3A_17 = arith.constant 1 : i32
    scf.for %scan3A_19 = %scan3A_14 to %scan3A_16 step %scan3A_17  : i32 {
      %mul3A_20 = arith.constant 2 : i32
      %mul3A_21 = arith.muli %mul3A_20, %scan3A_19 : i32
      %add3A_22 = arith.constant 1 : i32
      %add3A_23 = arith.addi %mul3A_21, %add3A_22 : i32
      %lt3A = arith.constant 32 : i32
      %lt3A_24 = arith.cmpi slt, %add3A_23, %lt3A : i32
      %convert_element_type3A = arith.extui %lt3A_24 : i1 to i32
      %cond3A = arith.constant 0 : i32
      %cond3A_25 = arith.cmpi ne, %convert_element_type3A, %cond3A : i32
      scf.if %cond3A_25 {
        %add3A_46 = arith.constant 1 : i32
        %add3A_47 = arith.addi %mul3A_21, %add3A_46 : i32
        %mul3A_48 = arith.constant 8 : i32
        %mul3A_49 = arith.muli %add3A_47, %mul3A_48 : i32
        %add3A_50 = arith.addi %mul3A_8, %mul3A_49 : i32
        %dma_start3A_51 = arith.constant 0 : i32
        %dma_start3A_52 = tpu.memref_slice %arg2[%add3A_50, %dma_start3A_51] : memref<8192x2048xi32, #tpu.memory_space<hbm>> -> memref<8x2048xi32, #tpu.memory_space<hbm>>
        %dma_start3A_53 = arith.constant 0 : i32
        %dma_start3A_54 = tpu.memref_slice %arg2[%add3A_50, %dma_start3A_53] : memref<8192x2048xi32, #tpu.memory_space<hbm>> -> memref<8x2048xi32, #tpu.memory_space<hbm>>
        tpu.enqueue_dma source(%dma_start3A_54 : memref<8x2048xi32, #tpu.memory_space<hbm>>) target(%arg6 : memref<8x2048xi32, #tpu.memory_space<vmem>>) target_semaphore(%arg8 : memref<!tpu.dma_semaphore, #tpu.memory_space<semaphore_mem>>)
      } else {
      }
      %dma_wait3A = arith.constant 0 : i32
      %dma_wait3A_26 = tpu.memref_slice %arg2[%mul3A_8, %dma_wait3A] : memref<8192x2048xi32, #tpu.memory_space<hbm>> -> memref<8x2048xi32, #tpu.memory_space<hbm>>
      %dma_wait3A_27 = arith.constant 0 : i32
      %dma_wait3A_28 = tpu.memref_slice %arg2[%mul3A_8, %dma_wait3A_27] : memref<8192x2048xi32, #tpu.memory_space<hbm>> -> memref<8x2048xi32, #tpu.memory_space<hbm>>
      tpu.wait_dma2 semaphore(%arg7 : memref<!tpu.dma_semaphore, #tpu.memory_space<semaphore_mem>>) src(%dma_wait3A_28 : memref<8x2048xi32, #tpu.memory_space<hbm>>) dst(%arg5 : memref<8x2048xi32, #tpu.memory_space<vmem>>)
      %parallel_loop3A_29 = arith.constant 0 : i32
      %parallel_loop3A_30 = arith.constant 128 : i32
      %parallel_loop3A_31 = arith.constant 1 : i32
      scf.for %parallel_loop3A_46 = %parallel_loop3A_29 to %parallel_loop3A_30 step %parallel_loop3A_31  : i32 {
        %parallel_loop3A_47 = arith.constant 16 : i32
        %parallel_loop3A_48 = arith.muli %parallel_loop3A_46, %parallel_loop3A_47 : i32
        %parallel_loop3A_49 = arith.constant 0 : i32
        %parallel_loop3A_50 = arith.index_cast %parallel_loop3A_49 : i32 to index
        %parallel_loop3A_51 = arith.index_cast %parallel_loop3A_48 : i32 to index
        %parallel_loop3A_52 = tpu.vector_load %arg5[%parallel_loop3A_50, %parallel_loop3A_51] {strides = array<i32>} : memref<8x2048xi32, #tpu.memory_space<vmem>>, vector<16xi32>,
        %parallel_loop3A_53 = arith.constant 16 : i32
        %parallel_loop3A_54 = vector.broadcast %parallel_loop3A_53 : i32 to vector<16xi32>
        %parallel_loop3A_55 = arith.shrsi %parallel_loop3A_52, %parallel_loop3A_54 : vector<16xi32>
        %parallel_loop3A_56 = arith.constant 32768 : i32
        %parallel_loop3A_57 = vector.broadcast %parallel_loop3A_56 : i32 to vector<16xi32>
        %parallel_loop3A_58 = arith.addi %parallel_loop3A_55, %parallel_loop3A_57 : vector<16xi32>
        %parallel_loop3A_59 = arith.constant 65535 : i32
        %parallel_loop3A_60 = vector.broadcast %parallel_loop3A_59 : i32 to vector<16xi32>
        %parallel_loop3A_61 = arith.andi %parallel_loop3A_52, %parallel_loop3A_60 : vector<16xi32>
        %parallel_loop3A_62 = arith.cmpi eq, %parallel_loop3A_58, %get3A_4 : vector<16xi32>
        %parallel_loop3A_63 = arith.constant 7 : i32
        %parallel_loop3A_64 = vector.broadcast %parallel_loop3A_63 : i32 to vector<16xi32>
        %parallel_loop3A_65 = arith.shrsi %parallel_loop3A_61, %parallel_loop3A_64 : vector<16xi32>
        %parallel_loop3A_66 = arith.constant 127 : i32
        %parallel_loop3A_67 = vector.broadcast %parallel_loop3A_66 : i32 to vector<16xi32>
        %parallel_loop3A_68 = arith.andi %parallel_loop3A_61, %parallel_loop3A_67 : vector<16xi32>
        tpu.vector_store_idx %arg9[%parallel_loop3A_65, %parallel_loop3A_68], %broadcast_in_dim3A_6 masked %parallel_loop3A_62 {add = true} : memref<512x128xi32, #tpu.memory_space<vmem>>[vector<16xi32>, vector<16xi32>], vector<16xi32>, vector<16xi1>
        %parallel_loop3A_69 = arith.constant 16 : i32
        %parallel_loop3A_70 = arith.muli %parallel_loop3A_46, %parallel_loop3A_69 : i32
        %parallel_loop3A_71 = arith.constant 1 : i32
        %parallel_loop3A_72 = arith.index_cast %parallel_loop3A_71 : i32 to index
        %parallel_loop3A_73 = arith.index_cast %parallel_loop3A_70 : i32 to index
        %parallel_loop3A_74 = tpu.vector_load %arg5[%parallel_loop3A_72, %parallel_loop3A_73] {strides = array<i32>} : memref<8x2048xi32, #tpu.memory_space<vmem>>, vector<16xi32>,
        %parallel_loop3A_75 = arith.constant 16 : i32
        %parallel_loop3A_76 = vector.broadcast %parallel_loop3A_75 : i32 to vector<16xi32>
        %parallel_loop3A_77 = arith.shrsi %parallel_loop3A_74, %parallel_loop3A_76 : vector<16xi32>
        %parallel_loop3A_78 = arith.constant 32768 : i32
        %parallel_loop3A_79 = vector.broadcast %parallel_loop3A_78 : i32 to vector<16xi32>
        %parallel_loop3A_80 = arith.addi %parallel_loop3A_77, %parallel_loop3A_79 : vector<16xi32>
        %parallel_loop3A_81 = arith.constant 65535 : i32
        %parallel_loop3A_82 = vector.broadcast %parallel_loop3A_81 : i32 to vector<16xi32>
        %parallel_loop3A_83 = arith.andi %parallel_loop3A_74, %parallel_loop3A_82 : vector<16xi32>
        %parallel_loop3A_84 = arith.cmpi eq, %parallel_loop3A_80, %get3A_4 : vector<16xi32>
        %parallel_loop3A_85 = arith.constant 7 : i32
        %parallel_loop3A_86 = vector.broadcast %parallel_loop3A_85 : i32 to vector<16xi32>
        %parallel_loop3A_87 = arith.shrsi %parallel_loop3A_83, %parallel_loop3A_86 : vector<16xi32>
        %parallel_loop3A_88 = arith.constant 127 : i32
        %parallel_loop3A_89 = vector.broadcast %parallel_loop3A_88 : i32 to vector<16xi32>
        %parallel_loop3A_90 = arith.andi %parallel_loop3A_83, %parallel_loop3A_89 : vector<16xi32>
        tpu.vector_store_idx %arg9[%parallel_loop3A_87, %parallel_loop3A_90], %broadcast_in_dim3A_6 masked %parallel_loop3A_84 {add = true} : memref<512x128xi32, #tpu.memory_space<vmem>>[vector<16xi32>, vector<16xi32>], vector<16xi32>, vector<16xi1>
        %parallel_loop3A_91 = arith.constant 16 : i32
        %parallel_loop3A_92 = arith.muli %parallel_loop3A_46, %parallel_loop3A_91 : i32
        %parallel_loop3A_93 = arith.constant 2 : i32
        %parallel_loop3A_94 = arith.index_cast %parallel_loop3A_93 : i32 to index
        %parallel_loop3A_95 = arith.index_cast %parallel_loop3A_92 : i32 to index
        %parallel_loop3A_96 = tpu.vector_load %arg5[%parallel_loop3A_94, %parallel_loop3A_95] {strides = array<i32>} : memref<8x2048xi32, #tpu.memory_space<vmem>>, vector<16xi32>,
        %parallel_loop3A_97 = arith.constant 16 : i32
        %parallel_loop3A_98 = vector.broadcast %parallel_loop3A_97 : i32 to vector<16xi32>
        %parallel_loop3A_99 = arith.shrsi %parallel_loop3A_96, %parallel_loop3A_98 : vector<16xi32>
        %parallel_loop3A_100 = arith.constant 32768 : i32
        %parallel_loop3A_101 = vector.broadcast %parallel_loop3A_100 : i32 to vector<16xi32>
        %parallel_loop3A_102 = arith.addi %parallel_loop3A_99, %parallel_loop3A_101 : vector<16xi32>
        %parallel_loop3A_103 = arith.constant 65535 : i32
        %parallel_loop3A_104 = vector.broadcast %parallel_loop3A_103 : i32 to vector<16xi32>
        %parallel_loop3A_105 = arith.andi %parallel_loop3A_96, %parallel_loop3A_104 : vector<16xi32>
        %parallel_loop3A_106 = arith.cmpi eq, %parallel_loop3A_102, %get3A_4 : vector<16xi32>
        %parallel_loop3A_107 = arith.constant 7 : i32
        %parallel_loop3A_108 = vector.broadcast %parallel_loop3A_107 : i32 to vector<16xi32>
        %parallel_loop3A_109 = arith.shrsi %parallel_loop3A_105, %parallel_loop3A_108 : vector<16xi32>
        %parallel_loop3A_110 = arith.constant 127 : i32
        %parallel_loop3A_111 = vector.broadcast %parallel_loop3A_110 : i32 to vector<16xi32>
        %parallel_loop3A_112 = arith.andi %parallel_loop3A_105, %parallel_loop3A_111 : vector<16xi32>
        tpu.vector_store_idx %arg9[%parallel_loop3A_109, %parallel_loop3A_112], %broadcast_in_dim3A_6 masked %parallel_loop3A_106 {add = true} : memref<512x128xi32, #tpu.memory_space<vmem>>[vector<16xi32>, vector<16xi32>], vector<16xi32>, vector<16xi1>
        %parallel_loop3A_113 = arith.constant 16 : i32
        %parallel_loop3A_114 = arith.muli %parallel_loop3A_46, %parallel_loop3A_113 : i32
        %parallel_loop3A_115 = arith.constant 3 : i32
        %parallel_loop3A_116 = arith.index_cast %parallel_loop3A_115 : i32 to index
        %parallel_loop3A_117 = arith.index_cast %parallel_loop3A_114 : i32 to index
        %parallel_loop3A_118 = tpu.vector_load %arg5[%parallel_loop3A_116, %parallel_loop3A_117] {strides = array<i32>} : memref<8x2048xi32, #tpu.memory_space<vmem>>, vector<16xi32>,
        %parallel_loop3A_119 = arith.constant 16 : i32
        %parallel_loop3A_120 = vector.broadcast %parallel_loop3A_119 : i32 to vector<16xi32>
        %parallel_loop3A_121 = arith.shrsi %parallel_loop3A_118, %parallel_loop3A_120 : vector<16xi32>
        %parallel_loop3A_122 = arith.constant 32768 : i32
        %parallel_loop3A_123 = vector.broadcast %parallel_loop3A_122 : i32 to vector<16xi32>
        %parallel_loop3A_124 = arith.addi %parallel_loop3A_121, %parallel_loop3A_123 : vector<16xi32>
        %parallel_loop3A_125 = arith.constant 65535 : i32
        %parallel_loop3A_126 = vector.broadcast %parallel_loop3A_125 : i32 to vector<16xi32>
        %parallel_loop3A_127 = arith.andi %parallel_loop3A_118, %parallel_loop3A_126 : vector<16xi32>
        %parallel_loop3A_128 = arith.cmpi eq, %parallel_loop3A_124, %get3A_4 : vector<16xi32>
        %parallel_loop3A_129 = arith.constant 7 : i32
        %parallel_loop3A_130 = vector.broadcast %parallel_loop3A_129 : i32 to vector<16xi32>
        %parallel_loop3A_131 = arith.shrsi %parallel_loop3A_127, %parallel_loop3A_130 : vector<16xi32>
        %parallel_loop3A_132 = arith.constant 127 : i32
        %parallel_loop3A_133 = vector.broadcast %parallel_loop3A_132 : i32 to vector<16xi32>
        %parallel_loop3A_134 = arith.andi %parallel_loop3A_127, %parallel_loop3A_133 : vector<16xi32>
        tpu.vector_store_idx %arg9[%parallel_loop3A_131, %parallel_loop3A_134], %broadcast_in_dim3A_6 masked %parallel_loop3A_128 {add = true} : memref<512x128xi32, #tpu.memory_space<vmem>>[vector<16xi32>, vector<16xi32>], vector<16xi32>, vector<16xi1>
        %parallel_loop3A_135 = arith.constant 16 : i32
        %parallel_loop3A_136 = arith.muli %parallel_loop3A_46, %parallel_loop3A_135 : i32
        %parallel_loop3A_137 = arith.constant 4 : i32
        %parallel_loop3A_138 = arith.index_cast %parallel_loop3A_137 : i32 to index
        %parallel_loop3A_139 = arith.index_cast %parallel_loop3A_136 : i32 to index
        %parallel_loop3A_140 = tpu.vector_load %arg5[%parallel_loop3A_138, %parallel_loop3A_139] {strides = array<i32>} : memref<8x2048xi32, #tpu.memory_space<vmem>>, vector<16xi32>,
        %parallel_loop3A_141 = arith.constant 16 : i32
        %parallel_loop3A_142 = vector.broadcast %parallel_loop3A_141 : i32 to vector<16xi32>
        %parallel_loop3A_143 = arith.shrsi %parallel_loop3A_140, %parallel_loop3A_142 : vector<16xi32>
        %parallel_loop3A_144 = arith.constant 32768 : i32
        %parallel_loop3A_145 = vector.broadcast %parallel_loop3A_144 : i32 to vector<16xi32>
        %parallel_loop3A_146 = arith.addi %parallel_loop3A_143, %parallel_loop3A_145 : vector<16xi32>
        %parallel_loop3A_147 = arith.constant 65535 : i32
        %parallel_loop3A_148 = vector.broadcast %parallel_loop3A_147 : i32 to vector<16xi32>
        %parallel_loop3A_149 = arith.andi %parallel_loop3A_140, %parallel_loop3A_148 : vector<16xi32>
        %parallel_loop3A_150 = arith.cmpi eq, %parallel_loop3A_146, %get3A_4 : vector<16xi32>
        %parallel_loop3A_151 = arith.constant 7 : i32
        %parallel_loop3A_152 = vector.broadcast %parallel_loop3A_151 : i32 to vector<16xi32>
        %parallel_loop3A_153 = arith.shrsi %parallel_loop3A_149, %parallel_loop3A_152 : vector<16xi32>
        %parallel_loop3A_154 = arith.constant 127 : i32
        %parallel_loop3A_155 = vector.broadcast %parallel_loop3A_154 : i32 to vector<16xi32>
        %parallel_loop3A_156 = arith.andi %parallel_loop3A_149, %parallel_loop3A_155 : vector<16xi32>
        tpu.vector_store_idx %arg9[%parallel_loop3A_153, %parallel_loop3A_156], %broadcast_in_dim3A_6 masked %parallel_loop3A_150 {add = true} : memref<512x128xi32, #tpu.memory_space<vmem>>[vector<16xi32>, vector<16xi32>], vector<16xi32>, vector<16xi1>
        %parallel_loop3A_157 = arith.constant 16 : i32
        %parallel_loop3A_158 = arith.muli %parallel_loop3A_46, %parallel_loop3A_157 : i32
        %parallel_loop3A_159 = arith.constant 5 : i32
        %parallel_loop3A_160 = arith.index_cast %parallel_loop3A_159 : i32 to index
        %parallel_loop3A_161 = arith.index_cast %parallel_loop3A_158 : i32 to index
        %parallel_loop3A_162 = tpu.vector_load %arg5[%parallel_loop3A_160, %parallel_loop3A_161] {strides = array<i32>} : memref<8x2048xi32, #tpu.memory_space<vmem>>, vector<16xi32>,
        %parallel_loop3A_163 = arith.constant 16 : i32
        %parallel_loop3A_164 = vector.broadcast %parallel_loop3A_163 : i32 to vector<16xi32>
        %parallel_loop3A_165 = arith.shrsi %parallel_loop3A_162, %parallel_loop3A_164 : vector<16xi32>
        %parallel_loop3A_166 = arith.constant 32768 : i32
        %parallel_loop3A_167 = vector.broadcast %parallel_loop3A_166 : i32 to vector<16xi32>
        %parallel_loop3A_168 = arith.addi %parallel_loop3A_165, %parallel_loop3A_167 : vector<16xi32>
        %parallel_loop3A_169 = arith.constant 65535 : i32
        %parallel_loop3A_170 = vector.broadcast %parallel_loop3A_169 : i32 to vector<16xi32>
        %parallel_loop3A_171 = arith.andi %parallel_loop3A_162, %parallel_loop3A_170 : vector<16xi32>
        %parallel_loop3A_172 = arith.cmpi eq, %parallel_loop3A_168, %get3A_4 : vector<16xi32>
        %parallel_loop3A_173 = arith.constant 7 : i32
        %parallel_loop3A_174 = vector.broadcast %parallel_loop3A_173 : i32 to vector<16xi32>
        %parallel_loop3A_175 = arith.shrsi %parallel_loop3A_171, %parallel_loop3A_174 : vector<16xi32>
        %parallel_loop3A_176 = arith.constant 127 : i32
        %parallel_loop3A_177 = vector.broadcast %parallel_loop3A_176 : i32 to vector<16xi32>
        %parallel_loop3A_178 = arith.andi %parallel_loop3A_171, %parallel_loop3A_177 : vector<16xi32>
        tpu.vector_store_idx %arg9[%parallel_loop3A_175, %parallel_loop3A_178], %broadcast_in_dim3A_6 masked %parallel_loop3A_172 {add = true} : memref<512x128xi32, #tpu.memory_space<vmem>>[vector<16xi32>, vector<16xi32>], vector<16xi32>, vector<16xi1>
        %parallel_loop3A_179 = arith.constant 16 : i32
        %parallel_loop3A_180 = arith.muli %parallel_loop3A_46, %parallel_loop3A_179 : i32
        %parallel_loop3A_181 = arith.constant 6 : i32
        %parallel_loop3A_182 = arith.index_cast %parallel_loop3A_181 : i32 to index
        %parallel_loop3A_183 = arith.index_cast %parallel_loop3A_180 : i32 to index
        %parallel_loop3A_184 = tpu.vector_load %arg5[%parallel_loop3A_182, %parallel_loop3A_183] {strides = array<i32>} : memref<8x2048xi32, #tpu.memory_space<vmem>>, vector<16xi32>,
        %parallel_loop3A_185 = arith.constant 16 : i32
        %parallel_loop3A_186 = vector.broadcast %parallel_loop3A_185 : i32 to vector<16xi32>
        %parallel_loop3A_187 = arith.shrsi %parallel_loop3A_184, %parallel_loop3A_186 : vector<16xi32>
        %parallel_loop3A_188 = arith.constant 32768 : i32
        %parallel_loop3A_189 = vector.broadcast %parallel_loop3A_188 : i32 to vector<16xi32>
        %parallel_loop3A_190 = arith.addi %parallel_loop3A_187, %parallel_loop3A_189 : vector<16xi32>
        %parallel_loop3A_191 = arith.constant 65535 : i32
        %parallel_loop3A_192 = vector.broadcast %parallel_loop3A_191 : i32 to vector<16xi32>
        %parallel_loop3A_193 = arith.andi %parallel_loop3A_184, %parallel_loop3A_192 : vector<16xi32>
        %parallel_loop3A_194 = arith.cmpi eq, %parallel_loop3A_190, %get3A_4 : vector<16xi32>
        %parallel_loop3A_195 = arith.constant 7 : i32
        %parallel_loop3A_196 = vector.broadcast %parallel_loop3A_195 : i32 to vector<16xi32>
        %parallel_loop3A_197 = arith.shrsi %parallel_loop3A_193, %parallel_loop3A_196 : vector<16xi32>
        %parallel_loop3A_198 = arith.constant 127 : i32
        %parallel_loop3A_199 = vector.broadcast %parallel_loop3A_198 : i32 to vector<16xi32>
        %parallel_loop3A_200 = arith.andi %parallel_loop3A_193, %parallel_loop3A_199 : vector<16xi32>
        tpu.vector_store_idx %arg9[%parallel_loop3A_197, %parallel_loop3A_200], %broadcast_in_dim3A_6 masked %parallel_loop3A_194 {add = true} : memref<512x128xi32, #tpu.memory_space<vmem>>[vector<16xi32>, vector<16xi32>], vector<16xi32>, vector<16xi1>
        %parallel_loop3A_201 = arith.constant 16 : i32
        %parallel_loop3A_202 = arith.muli %parallel_loop3A_46, %parallel_loop3A_201 : i32
        %parallel_loop3A_203 = arith.constant 7 : i32
        %parallel_loop3A_204 = arith.index_cast %parallel_loop3A_203 : i32 to index
        %parallel_loop3A_205 = arith.index_cast %parallel_loop3A_202 : i32 to index
        %parallel_loop3A_206 = tpu.vector_load %arg5[%parallel_loop3A_204, %parallel_loop3A_205] {strides = array<i32>} : memref<8x2048xi32, #tpu.memory_space<vmem>>, vector<16xi32>,
        %parallel_loop3A_207 = arith.constant 16 : i32
        %parallel_loop3A_208 = vector.broadcast %parallel_loop3A_207 : i32 to vector<16xi32>
        %parallel_loop3A_209 = arith.shrsi %parallel_loop3A_206, %parallel_loop3A_208 : vector<16xi32>
        %parallel_loop3A_210 = arith.constant 32768 : i32
        %parallel_loop3A_211 = vector.broadcast %parallel_loop3A_210 : i32 to vector<16xi32>
        %parallel_loop3A_212 = arith.addi %parallel_loop3A_209, %parallel_loop3A_211 : vector<16xi32>
        %parallel_loop3A_213 = arith.constant 65535 : i32
        %parallel_loop3A_214 = vector.broadcast %parallel_loop3A_213 : i32 to vector<16xi32>
        %parallel_loop3A_215 = arith.andi %parallel_loop3A_206, %parallel_loop3A_214 : vector<16xi32>
        %parallel_loop3A_216 = arith.cmpi eq, %parallel_loop3A_212, %get3A_4 : vector<16xi32>
        %parallel_loop3A_217 = arith.constant 7 : i32
        %parallel_loop3A_218 = vector.broadcast %parallel_loop3A_217 : i32 to vector<16xi32>
        %parallel_loop3A_219 = arith.shrsi %parallel_loop3A_215, %parallel_loop3A_218 : vector<16xi32>
        %parallel_loop3A_220 = arith.constant 127 : i32
        %parallel_loop3A_221 = vector.broadcast %parallel_loop3A_220 : i32 to vector<16xi32>
        %parallel_loop3A_222 = arith.andi %parallel_loop3A_215, %parallel_loop3A_221 : vector<16xi32>
        tpu.vector_store_idx %arg9[%parallel_loop3A_219, %parallel_loop3A_222], %broadcast_in_dim3A_6 masked %parallel_loop3A_216 {add = true} : memref<512x128xi32, #tpu.memory_space<vmem>>[vector<16xi32>, vector<16xi32>], vector<16xi32>, vector<16xi1>
      } {sc.loop_unroll_factor = 4 : i64, sc.parallel_access}
      %add3A_32 = arith.constant 2 : i32
      %add3A_33 = arith.addi %mul3A_21, %add3A_32 : i32
      %lt3A_34 = arith.constant 32 : i32
      %lt3A_35 = arith.cmpi slt, %add3A_33, %lt3A_34 : i32
      %convert_element_type3A_36 = arith.extui %lt3A_35 : i1 to i32
      %cond3A_37 = arith.constant 0 : i32
      %cond3A_38 = arith.cmpi ne, %convert_element_type3A_36, %cond3A_37 : i32
      scf.if %cond3A_38 {
        %add3A_46 = arith.constant 2 : i32
        %add3A_47 = arith.addi %mul3A_21, %add3A_46 : i32
        %mul3A_48 = arith.constant 8 : i32
        %mul3A_49 = arith.muli %add3A_47, %mul3A_48 : i32
        %add3A_50 = arith.addi %mul3A_8, %mul3A_49 : i32
        %dma_start3A_51 = arith.constant 0 : i32
        %dma_start3A_52 = tpu.memref_slice %arg2[%add3A_50, %dma_start3A_51] : memref<8192x2048xi32, #tpu.memory_space<hbm>> -> memref<8x2048xi32, #tpu.memory_space<hbm>>
        %dma_start3A_53 = arith.constant 0 : i32
        %dma_start3A_54 = tpu.memref_slice %arg2[%add3A_50, %dma_start3A_53] : memref<8192x2048xi32, #tpu.memory_space<hbm>> -> memref<8x2048xi32, #tpu.memory_space<hbm>>
        tpu.enqueue_dma source(%dma_start3A_54 : memref<8x2048xi32, #tpu.memory_space<hbm>>) target(%arg5 : memref<8x2048xi32, #tpu.memory_space<vmem>>) target_semaphore(%arg7 : memref<!tpu.dma_semaphore, #tpu.memory_space<semaphore_mem>>)
      } else {
      }
      %add3A_39 = arith.constant 1 : i32
      %add3A_40 = arith.addi %mul3A_21, %add3A_39 : i32
      %lt3A_41 = arith.constant 32 : i32
      %lt3A_42 = arith.cmpi slt, %add3A_40, %lt3A_41 : i32
      %convert_element_type3A_43 = arith.extui %lt3A_42 : i1 to i32
      %cond3A_44 = arith.constant 0 : i32
      %cond3A_45 = arith.cmpi ne, %convert_element_type3A_43, %cond3A_44 : i32
      scf.if %cond3A_45 {
        %dma_wait3A_46 = arith.constant 0 : i32
        %dma_wait3A_47 = tpu.memref_slice %arg2[%mul3A_8, %dma_wait3A_46] : memref<8192x2048xi32, #tpu.memory_space<hbm>> -> memref<8x2048xi32, #tpu.memory_space<hbm>>
        %dma_wait3A_48 = arith.constant 0 : i32
        %dma_wait3A_49 = tpu.memref_slice %arg2[%mul3A_8, %dma_wait3A_48] : memref<8192x2048xi32, #tpu.memory_space<hbm>> -> memref<8x2048xi32, #tpu.memory_space<hbm>>
        tpu.wait_dma2 semaphore(%arg8 : memref<!tpu.dma_semaphore, #tpu.memory_space<semaphore_mem>>) src(%dma_wait3A_49 : memref<8x2048xi32, #tpu.memory_space<hbm>>) dst(%arg6 : memref<8x2048xi32, #tpu.memory_space<vmem>>)
        %parallel_loop3A_50 = arith.constant 0 : i32
        %parallel_loop3A_51 = arith.constant 128 : i32
        %parallel_loop3A_52 = arith.constant 1 : i32
        scf.for %parallel_loop3A_53 = %parallel_loop3A_50 to %parallel_loop3A_51 step %parallel_loop3A_52  : i32 {
          %parallel_loop3A_54 = arith.constant 16 : i32
          %parallel_loop3A_55 = arith.muli %parallel_loop3A_53, %parallel_loop3A_54 : i32
          %parallel_loop3A_56 = arith.constant 0 : i32
          %parallel_loop3A_57 = arith.index_cast %parallel_loop3A_56 : i32 to index
          %parallel_loop3A_58 = arith.index_cast %parallel_loop3A_55 : i32 to index
          %parallel_loop3A_59 = tpu.vector_load %arg6[%parallel_loop3A_57, %parallel_loop3A_58] {strides = array<i32>} : memref<8x2048xi32, #tpu.memory_space<vmem>>, vector<16xi32>,
          %parallel_loop3A_60 = arith.constant 16 : i32
          %parallel_loop3A_61 = vector.broadcast %parallel_loop3A_60 : i32 to vector<16xi32>
          %parallel_loop3A_62 = arith.shrsi %parallel_loop3A_59, %parallel_loop3A_61 : vector<16xi32>
          %parallel_loop3A_63 = arith.constant 32768 : i32
          %parallel_loop3A_64 = vector.broadcast %parallel_loop3A_63 : i32 to vector<16xi32>
          %parallel_loop3A_65 = arith.addi %parallel_loop3A_62, %parallel_loop3A_64 : vector<16xi32>
          %parallel_loop3A_66 = arith.constant 65535 : i32
          %parallel_loop3A_67 = vector.broadcast %parallel_loop3A_66 : i32 to vector<16xi32>
          %parallel_loop3A_68 = arith.andi %parallel_loop3A_59, %parallel_loop3A_67 : vector<16xi32>
          %parallel_loop3A_69 = arith.cmpi eq, %parallel_loop3A_65, %get3A_4 : vector<16xi32>
          %parallel_loop3A_70 = arith.constant 7 : i32
          %parallel_loop3A_71 = vector.broadcast %parallel_loop3A_70 : i32 to vector<16xi32>
          %parallel_loop3A_72 = arith.shrsi %parallel_loop3A_68, %parallel_loop3A_71 : vector<16xi32>
          %parallel_loop3A_73 = arith.constant 127 : i32
          %parallel_loop3A_74 = vector.broadcast %parallel_loop3A_73 : i32 to vector<16xi32>
          %parallel_loop3A_75 = arith.andi %parallel_loop3A_68, %parallel_loop3A_74 : vector<16xi32>
          tpu.vector_store_idx %arg9[%parallel_loop3A_72, %parallel_loop3A_75], %broadcast_in_dim3A_6 masked %parallel_loop3A_69 {add = true} : memref<512x128xi32, #tpu.memory_space<vmem>>[vector<16xi32>, vector<16xi32>], vector<16xi32>, vector<16xi1>
          %parallel_loop3A_76 = arith.constant 16 : i32
          %parallel_loop3A_77 = arith.muli %parallel_loop3A_53, %parallel_loop3A_76 : i32
          %parallel_loop3A_78 = arith.constant 1 : i32
          %parallel_loop3A_79 = arith.index_cast %parallel_loop3A_78 : i32 to index
          %parallel_loop3A_80 = arith.index_cast %parallel_loop3A_77 : i32 to index
          %parallel_loop3A_81 = tpu.vector_load %arg6[%parallel_loop3A_79, %parallel_loop3A_80] {strides = array<i32>} : memref<8x2048xi32, #tpu.memory_space<vmem>>, vector<16xi32>,
          %parallel_loop3A_82 = arith.constant 16 : i32
          %parallel_loop3A_83 = vector.broadcast %parallel_loop3A_82 : i32 to vector<16xi32>
          %parallel_loop3A_84 = arith.shrsi %parallel_loop3A_81, %parallel_loop3A_83 : vector<16xi32>
          %parallel_loop3A_85 = arith.constant 32768 : i32
          %parallel_loop3A_86 = vector.broadcast %parallel_loop3A_85 : i32 to vector<16xi32>
          %parallel_loop3A_87 = arith.addi %parallel_loop3A_84, %parallel_loop3A_86 : vector<16xi32>
          %parallel_loop3A_88 = arith.constant 65535 : i32
          %parallel_loop3A_89 = vector.broadcast %parallel_loop3A_88 : i32 to vector<16xi32>
          %parallel_loop3A_90 = arith.andi %parallel_loop3A_81, %parallel_loop3A_89 : vector<16xi32>
          %parallel_loop3A_91 = arith.cmpi eq, %parallel_loop3A_87, %get3A_4 : vector<16xi32>
          %parallel_loop3A_92 = arith.constant 7 : i32
          %parallel_loop3A_93 = vector.broadcast %parallel_loop3A_92 : i32 to vector<16xi32>
          %parallel_loop3A_94 = arith.shrsi %parallel_loop3A_90, %parallel_loop3A_93 : vector<16xi32>
          %parallel_loop3A_95 = arith.constant 127 : i32
          %parallel_loop3A_96 = vector.broadcast %parallel_loop3A_95 : i32 to vector<16xi32>
          %parallel_loop3A_97 = arith.andi %parallel_loop3A_90, %parallel_loop3A_96 : vector<16xi32>
          tpu.vector_store_idx %arg9[%parallel_loop3A_94, %parallel_loop3A_97], %broadcast_in_dim3A_6 masked %parallel_loop3A_91 {add = true} : memref<512x128xi32, #tpu.memory_space<vmem>>[vector<16xi32>, vector<16xi32>], vector<16xi32>, vector<16xi1>
          %parallel_loop3A_98 = arith.constant 16 : i32
          %parallel_loop3A_99 = arith.muli %parallel_loop3A_53, %parallel_loop3A_98 : i32
          %parallel_loop3A_100 = arith.constant 2 : i32
          %parallel_loop3A_101 = arith.index_cast %parallel_loop3A_100 : i32 to index
          %parallel_loop3A_102 = arith.index_cast %parallel_loop3A_99 : i32 to index
          %parallel_loop3A_103 = tpu.vector_load %arg6[%parallel_loop3A_101, %parallel_loop3A_102] {strides = array<i32>} : memref<8x2048xi32, #tpu.memory_space<vmem>>, vector<16xi32>,
          %parallel_loop3A_104 = arith.constant 16 : i32
          %parallel_loop3A_105 = vector.broadcast %parallel_loop3A_104 : i32 to vector<16xi32>
          %parallel_loop3A_106 = arith.shrsi %parallel_loop3A_103, %parallel_loop3A_105 : vector<16xi32>
          %parallel_loop3A_107 = arith.constant 32768 : i32
          %parallel_loop3A_108 = vector.broadcast %parallel_loop3A_107 : i32 to vector<16xi32>
          %parallel_loop3A_109 = arith.addi %parallel_loop3A_106, %parallel_loop3A_108 : vector<16xi32>
          %parallel_loop3A_110 = arith.constant 65535 : i32
          %parallel_loop3A_111 = vector.broadcast %parallel_loop3A_110 : i32 to vector<16xi32>
          %parallel_loop3A_112 = arith.andi %parallel_loop3A_103, %parallel_loop3A_111 : vector<16xi32>
          %parallel_loop3A_113 = arith.cmpi eq, %parallel_loop3A_109, %get3A_4 : vector<16xi32>
          %parallel_loop3A_114 = arith.constant 7 : i32
          %parallel_loop3A_115 = vector.broadcast %parallel_loop3A_114 : i32 to vector<16xi32>
          %parallel_loop3A_116 = arith.shrsi %parallel_loop3A_112, %parallel_loop3A_115 : vector<16xi32>
          %parallel_loop3A_117 = arith.constant 127 : i32
          %parallel_loop3A_118 = vector.broadcast %parallel_loop3A_117 : i32 to vector<16xi32>
          %parallel_loop3A_119 = arith.andi %parallel_loop3A_112, %parallel_loop3A_118 : vector<16xi32>
          tpu.vector_store_idx %arg9[%parallel_loop3A_116, %parallel_loop3A_119], %broadcast_in_dim3A_6 masked %parallel_loop3A_113 {add = true} : memref<512x128xi32, #tpu.memory_space<vmem>>[vector<16xi32>, vector<16xi32>], vector<16xi32>, vector<16xi1>
          %parallel_loop3A_120 = arith.constant 16 : i32
          %parallel_loop3A_121 = arith.muli %parallel_loop3A_53, %parallel_loop3A_120 : i32
          %parallel_loop3A_122 = arith.constant 3 : i32
          %parallel_loop3A_123 = arith.index_cast %parallel_loop3A_122 : i32 to index
          %parallel_loop3A_124 = arith.index_cast %parallel_loop3A_121 : i32 to index
          %parallel_loop3A_125 = tpu.vector_load %arg6[%parallel_loop3A_123, %parallel_loop3A_124] {strides = array<i32>} : memref<8x2048xi32, #tpu.memory_space<vmem>>, vector<16xi32>,
          %parallel_loop3A_126 = arith.constant 16 : i32
          %parallel_loop3A_127 = vector.broadcast %parallel_loop3A_126 : i32 to vector<16xi32>
          %parallel_loop3A_128 = arith.shrsi %parallel_loop3A_125, %parallel_loop3A_127 : vector<16xi32>
          %parallel_loop3A_129 = arith.constant 32768 : i32
          %parallel_loop3A_130 = vector.broadcast %parallel_loop3A_129 : i32 to vector<16xi32>
          %parallel_loop3A_131 = arith.addi %parallel_loop3A_128, %parallel_loop3A_130 : vector<16xi32>
          %parallel_loop3A_132 = arith.constant 65535 : i32
          %parallel_loop3A_133 = vector.broadcast %parallel_loop3A_132 : i32 to vector<16xi32>
          %parallel_loop3A_134 = arith.andi %parallel_loop3A_125, %parallel_loop3A_133 : vector<16xi32>
          %parallel_loop3A_135 = arith.cmpi eq, %parallel_loop3A_131, %get3A_4 : vector<16xi32>
          %parallel_loop3A_136 = arith.constant 7 : i32
          %parallel_loop3A_137 = vector.broadcast %parallel_loop3A_136 : i32 to vector<16xi32>
          %parallel_loop3A_138 = arith.shrsi %parallel_loop3A_134, %parallel_loop3A_137 : vector<16xi32>
          %parallel_loop3A_139 = arith.constant 127 : i32
          %parallel_loop3A_140 = vector.broadcast %parallel_loop3A_139 : i32 to vector<16xi32>
          %parallel_loop3A_141 = arith.andi %parallel_loop3A_134, %parallel_loop3A_140 : vector<16xi32>
          tpu.vector_store_idx %arg9[%parallel_loop3A_138, %parallel_loop3A_141], %broadcast_in_dim3A_6 masked %parallel_loop3A_135 {add = true} : memref<512x128xi32, #tpu.memory_space<vmem>>[vector<16xi32>, vector<16xi32>], vector<16xi32>, vector<16xi1>
          %parallel_loop3A_142 = arith.constant 16 : i32
          %parallel_loop3A_143 = arith.muli %parallel_loop3A_53, %parallel_loop3A_142 : i32
          %parallel_loop3A_144 = arith.constant 4 : i32
          %parallel_loop3A_145 = arith.index_cast %parallel_loop3A_144 : i32 to index
          %parallel_loop3A_146 = arith.index_cast %parallel_loop3A_143 : i32 to index
          %parallel_loop3A_147 = tpu.vector_load %arg6[%parallel_loop3A_145, %parallel_loop3A_146] {strides = array<i32>} : memref<8x2048xi32, #tpu.memory_space<vmem>>, vector<16xi32>,
          %parallel_loop3A_148 = arith.constant 16 : i32
          %parallel_loop3A_149 = vector.broadcast %parallel_loop3A_148 : i32 to vector<16xi32>
          %parallel_loop3A_150 = arith.shrsi %parallel_loop3A_147, %parallel_loop3A_149 : vector<16xi32>
          %parallel_loop3A_151 = arith.constant 32768 : i32
          %parallel_loop3A_152 = vector.broadcast %parallel_loop3A_151 : i32 to vector<16xi32>
          %parallel_loop3A_153 = arith.addi %parallel_loop3A_150, %parallel_loop3A_152 : vector<16xi32>
          %parallel_loop3A_154 = arith.constant 65535 : i32
          %parallel_loop3A_155 = vector.broadcast %parallel_loop3A_154 : i32 to vector<16xi32>
          %parallel_loop3A_156 = arith.andi %parallel_loop3A_147, %parallel_loop3A_155 : vector<16xi32>
          %parallel_loop3A_157 = arith.cmpi eq, %parallel_loop3A_153, %get3A_4 : vector<16xi32>
          %parallel_loop3A_158 = arith.constant 7 : i32
          %parallel_loop3A_159 = vector.broadcast %parallel_loop3A_158 : i32 to vector<16xi32>
          %parallel_loop3A_160 = arith.shrsi %parallel_loop3A_156, %parallel_loop3A_159 : vector<16xi32>
          %parallel_loop3A_161 = arith.constant 127 : i32
          %parallel_loop3A_162 = vector.broadcast %parallel_loop3A_161 : i32 to vector<16xi32>
          %parallel_loop3A_163 = arith.andi %parallel_loop3A_156, %parallel_loop3A_162 : vector<16xi32>
          tpu.vector_store_idx %arg9[%parallel_loop3A_160, %parallel_loop3A_163], %broadcast_in_dim3A_6 masked %parallel_loop3A_157 {add = true} : memref<512x128xi32, #tpu.memory_space<vmem>>[vector<16xi32>, vector<16xi32>], vector<16xi32>, vector<16xi1>
          %parallel_loop3A_164 = arith.constant 16 : i32
          %parallel_loop3A_165 = arith.muli %parallel_loop3A_53, %parallel_loop3A_164 : i32
          %parallel_loop3A_166 = arith.constant 5 : i32
          %parallel_loop3A_167 = arith.index_cast %parallel_loop3A_166 : i32 to index
          %parallel_loop3A_168 = arith.index_cast %parallel_loop3A_165 : i32 to index
          %parallel_loop3A_169 = tpu.vector_load %arg6[%parallel_loop3A_167, %parallel_loop3A_168] {strides = array<i32>} : memref<8x2048xi32, #tpu.memory_space<vmem>>, vector<16xi32>,
          %parallel_loop3A_170 = arith.constant 16 : i32
          %parallel_loop3A_171 = vector.broadcast %parallel_loop3A_170 : i32 to vector<16xi32>
          %parallel_loop3A_172 = arith.shrsi %parallel_loop3A_169, %parallel_loop3A_171 : vector<16xi32>
          %parallel_loop3A_173 = arith.constant 32768 : i32
          %parallel_loop3A_174 = vector.broadcast %parallel_loop3A_173 : i32 to vector<16xi32>
          %parallel_loop3A_175 = arith.addi %parallel_loop3A_172, %parallel_loop3A_174 : vector<16xi32>
          %parallel_loop3A_176 = arith.constant 65535 : i32
          %parallel_loop3A_177 = vector.broadcast %parallel_loop3A_176 : i32 to vector<16xi32>
          %parallel_loop3A_178 = arith.andi %parallel_loop3A_169, %parallel_loop3A_177 : vector<16xi32>
          %parallel_loop3A_179 = arith.cmpi eq, %parallel_loop3A_175, %get3A_4 : vector<16xi32>
          %parallel_loop3A_180 = arith.constant 7 : i32
          %parallel_loop3A_181 = vector.broadcast %parallel_loop3A_180 : i32 to vector<16xi32>
          %parallel_loop3A_182 = arith.shrsi %parallel_loop3A_178, %parallel_loop3A_181 : vector<16xi32>
          %parallel_loop3A_183 = arith.constant 127 : i32
          %parallel_loop3A_184 = vector.broadcast %parallel_loop3A_183 : i32 to vector<16xi32>
          %parallel_loop3A_185 = arith.andi %parallel_loop3A_178, %parallel_loop3A_184 : vector<16xi32>
          tpu.vector_store_idx %arg9[%parallel_loop3A_182, %parallel_loop3A_185], %broadcast_in_dim3A_6 masked %parallel_loop3A_179 {add = true} : memref<512x128xi32, #tpu.memory_space<vmem>>[vector<16xi32>, vector<16xi32>], vector<16xi32>, vector<16xi1>
          %parallel_loop3A_186 = arith.constant 16 : i32
          %parallel_loop3A_187 = arith.muli %parallel_loop3A_53, %parallel_loop3A_186 : i32
          %parallel_loop3A_188 = arith.constant 6 : i32
          %parallel_loop3A_189 = arith.index_cast %parallel_loop3A_188 : i32 to index
          %parallel_loop3A_190 = arith.index_cast %parallel_loop3A_187 : i32 to index
          %parallel_loop3A_191 = tpu.vector_load %arg6[%parallel_loop3A_189, %parallel_loop3A_190] {strides = array<i32>} : memref<8x2048xi32, #tpu.memory_space<vmem>>, vector<16xi32>,
          %parallel_loop3A_192 = arith.constant 16 : i32
          %parallel_loop3A_193 = vector.broadcast %parallel_loop3A_192 : i32 to vector<16xi32>
          %parallel_loop3A_194 = arith.shrsi %parallel_loop3A_191, %parallel_loop3A_193 : vector<16xi32>
          %parallel_loop3A_195 = arith.constant 32768 : i32
          %parallel_loop3A_196 = vector.broadcast %parallel_loop3A_195 : i32 to vector<16xi32>
          %parallel_loop3A_197 = arith.addi %parallel_loop3A_194, %parallel_loop3A_196 : vector<16xi32>
          %parallel_loop3A_198 = arith.constant 65535 : i32
          %parallel_loop3A_199 = vector.broadcast %parallel_loop3A_198 : i32 to vector<16xi32>
          %parallel_loop3A_200 = arith.andi %parallel_loop3A_191, %parallel_loop3A_199 : vector<16xi32>
          %parallel_loop3A_201 = arith.cmpi eq, %parallel_loop3A_197, %get3A_4 : vector<16xi32>
          %parallel_loop3A_202 = arith.constant 7 : i32
          %parallel_loop3A_203 = vector.broadcast %parallel_loop3A_202 : i32 to vector<16xi32>
          %parallel_loop3A_204 = arith.shrsi %parallel_loop3A_200, %parallel_loop3A_203 : vector<16xi32>
          %parallel_loop3A_205 = arith.constant 127 : i32
          %parallel_loop3A_206 = vector.broadcast %parallel_loop3A_205 : i32 to vector<16xi32>
          %parallel_loop3A_207 = arith.andi %parallel_loop3A_200, %parallel_loop3A_206 : vector<16xi32>
          tpu.vector_store_idx %arg9[%parallel_loop3A_204, %parallel_loop3A_207], %broadcast_in_dim3A_6 masked %parallel_loop3A_201 {add = true} : memref<512x128xi32, #tpu.memory_space<vmem>>[vector<16xi32>, vector<16xi32>], vector<16xi32>, vector<16xi1>
          %parallel_loop3A_208 = arith.constant 16 : i32
          %parallel_loop3A_209 = arith.muli %parallel_loop3A_53, %parallel_loop3A_208 : i32
          %parallel_loop3A_210 = arith.constant 7 : i32
          %parallel_loop3A_211 = arith.index_cast %parallel_loop3A_210 : i32 to index
          %parallel_loop3A_212 = arith.index_cast %parallel_loop3A_209 : i32 to index
          %parallel_loop3A_213 = tpu.vector_load %arg6[%parallel_loop3A_211, %parallel_loop3A_212] {strides = array<i32>} : memref<8x2048xi32, #tpu.memory_space<vmem>>, vector<16xi32>,
          %parallel_loop3A_214 = arith.constant 16 : i32
          %parallel_loop3A_215 = vector.broadcast %parallel_loop3A_214 : i32 to vector<16xi32>
          %parallel_loop3A_216 = arith.shrsi %parallel_loop3A_213, %parallel_loop3A_215 : vector<16xi32>
          %parallel_loop3A_217 = arith.constant 32768 : i32
          %parallel_loop3A_218 = vector.broadcast %parallel_loop3A_217 : i32 to vector<16xi32>
          %parallel_loop3A_219 = arith.addi %parallel_loop3A_216, %parallel_loop3A_218 : vector<16xi32>
          %parallel_loop3A_220 = arith.constant 65535 : i32
          %parallel_loop3A_221 = vector.broadcast %parallel_loop3A_220 : i32 to vector<16xi32>
          %parallel_loop3A_222 = arith.andi %parallel_loop3A_213, %parallel_loop3A_221 : vector<16xi32>
          %parallel_loop3A_223 = arith.cmpi eq, %parallel_loop3A_219, %get3A_4 : vector<16xi32>
          %parallel_loop3A_224 = arith.constant 7 : i32
          %parallel_loop3A_225 = vector.broadcast %parallel_loop3A_224 : i32 to vector<16xi32>
          %parallel_loop3A_226 = arith.shrsi %parallel_loop3A_222, %parallel_loop3A_225 : vector<16xi32>
          %parallel_loop3A_227 = arith.constant 127 : i32
          %parallel_loop3A_228 = vector.broadcast %parallel_loop3A_227 : i32 to vector<16xi32>
          %parallel_loop3A_229 = arith.andi %parallel_loop3A_222, %parallel_loop3A_228 : vector<16xi32>
          tpu.vector_store_idx %arg9[%parallel_loop3A_226, %parallel_loop3A_229], %broadcast_in_dim3A_6 masked %parallel_loop3A_223 {add = true} : memref<512x128xi32, #tpu.memory_space<vmem>>[vector<16xi32>, vector<16xi32>], vector<16xi32>, vector<16xi1>
        } {sc.loop_unroll_factor = 4 : i64, sc.parallel_access}
      } else {
      }
    }
    %scan3A_18 = arith.constant 16 : i32
    "tpu.region"() ({
      %run_scoped3A = tpu.sem_alloc : memref<!tpu.dma_semaphore, #tpu.memory_space<semaphore_mem>>
      %dma_start3A_19 = arith.constant 0 : i32
      %dma_start3A_20 = arith.constant 0 : i32
      %dma_start3A_21 = tpu.memref_slice %arg4[%add3A, %dma_start3A_19, %dma_start3A_20] : memref<32x512x128xi32, #tpu.memory_space<hbm>> -> memref<1x512x128xi32, #tpu.memory_space<hbm>>
      %dma_start3A_22 = tpu.memref_squeeze %dma_start3A_21 : memref<1x512x128xi32, #tpu.memory_space<hbm>> -> memref<512x128xi32, #tpu.memory_space<hbm>>
      %dma_start3A_23 = arith.constant 0 : i32
      %dma_start3A_24 = arith.constant 0 : i32
      %dma_start3A_25 = tpu.memref_slice %arg4[%add3A, %dma_start3A_23, %dma_start3A_24] : memref<32x512x128xi32, #tpu.memory_space<hbm>> -> memref<1x512x128xi32, #tpu.memory_space<hbm>>
      %dma_start3A_26 = tpu.memref_squeeze %dma_start3A_25 : memref<1x512x128xi32, #tpu.memory_space<hbm>> -> memref<512x128xi32, #tpu.memory_space<hbm>>
      tpu.enqueue_dma source(%arg9 : memref<512x128xi32, #tpu.memory_space<vmem>>) target(%dma_start3A_26 : memref<512x128xi32, #tpu.memory_space<hbm>>) target_semaphore(%run_scoped3A : memref<!tpu.dma_semaphore, #tpu.memory_space<semaphore_mem>>)
      %dma_wait3A = arith.constant 0 : i32
      %dma_wait3A_27 = arith.constant 0 : i32
      %dma_wait3A_28 = tpu.memref_slice %arg4[%add3A, %dma_wait3A, %dma_wait3A_27] : memref<32x512x128xi32, #tpu.memory_space<hbm>> -> memref<1x512x128xi32, #tpu.memory_space<hbm>>
      %dma_wait3A_29 = tpu.memref_squeeze %dma_wait3A_28 : memref<1x512x128xi32, #tpu.memory_space<hbm>> -> memref<512x128xi32, #tpu.memory_space<hbm>>
      %dma_wait3A_30 = arith.constant 0 : i32
      %dma_wait3A_31 = arith.constant 0 : i32
      %dma_wait3A_32 = tpu.memref_slice %arg4[%add3A, %dma_wait3A_30, %dma_wait3A_31] : memref<32x512x128xi32, #tpu.memory_space<hbm>> -> memref<1x512x128xi32, #tpu.memory_space<hbm>>
      %dma_wait3A_33 = tpu.memref_squeeze %dma_wait3A_32 : memref<1x512x128xi32, #tpu.memory_space<hbm>> -> memref<512x128xi32, #tpu.memory_space<hbm>>
      tpu.wait_dma2 semaphore(%run_scoped3A : memref<!tpu.dma_semaphore, #tpu.memory_space<semaphore_mem>>) src(%arg9 : memref<512x128xi32, #tpu.memory_space<vmem>>) dst(%dma_wait3A_33 : memref<512x128xi32, #tpu.memory_space<hbm>>)
      tpu.yield
    }) : () -> ()
    return
  }
}

module attributes {stable_mosaic.version = 14 : i64} {
  func.func @_key_body(%arg0: i32, %arg1: memref<512x2048xf32, #tpu.memory_space<vmem>>, %arg2: memref<512x2048xf32, #tpu.memory_space<vmem>>, %arg3: memref<512x2048xi32, #tpu.memory_space<vmem>>) attributes {dimension_semantics = [#tpu.dimension_semantics<arbitrary>], iteration_bounds = array<i64: 16>, scalar_prefetch = 0 : i64, scratch_operands = 0 : i64, tpu.core_type = #tpu.core_type<tc>, window_params = [{transform_indices = @transform_0, window_bounds = array<i64: 512, 2048>}, {transform_indices = @transform_1, window_bounds = array<i64: 512, 2048>}, {transform_indices = @transform_2, window_bounds = array<i64: 512, 2048>}]} {
    %get3A = arith.constant 0 : index
    %get3A_0 = arith.constant 0 : index
    %get3A_1 = vector.load %arg2[%get3A, %get3A_0] : memref<512x2048xf32, #tpu.memory_space<vmem>>, vector<512x2048xf32>
    %add3A = arith.constant 1.000000e-10 : f32
    %add3A_2 = vector.broadcast %add3A : f32 to vector<512x2048xf32>
    %add3A_3 = arith.addf %get3A_1, %add3A_2 : vector<512x2048xf32>
    %log3A = math.log %add3A_3 : vector<512x2048xf32>
    %neg3A = arith.constant 0.000000e+00 : f32
    %neg3A_4 = vector.broadcast %neg3A : f32 to vector<512x2048xf32>
    %neg3A_5 = arith.subf %neg3A_4, %log3A : vector<512x2048xf32>
    %log3A_6 = math.log %neg3A_5 : vector<512x2048xf32>
    %neg3A_7 = arith.constant 0.000000e+00 : f32
    %neg3A_8 = vector.broadcast %neg3A_7 : f32 to vector<512x2048xf32>
    %neg3A_9 = arith.subf %neg3A_8, %log3A_6 : vector<512x2048xf32>
    %get3A_10 = arith.constant 0 : index
    %get3A_11 = arith.constant 0 : index
    %get3A_12 = vector.load %arg1[%get3A_10, %get3A_11] : memref<512x2048xf32, #tpu.memory_space<vmem>>, vector<512x2048xf32>
    %add3A_13 = arith.addf %get3A_12, %neg3A_9 : vector<512x2048xf32>
    %bitcast_convert_type3A = tpu.bitcast %add3A_13 : vector<512x2048xf32> -> vector<512x2048xi32>
    %ge3A = arith.constant 0 : i32
    %ge3A_14 = vector.broadcast %ge3A : i32 to vector<512x2048xi32>
    %ge3A_15 = arith.cmpi sge, %bitcast_convert_type3A, %ge3A_14 : vector<512x2048xi32>
    %xor3A = arith.constant 2147483647 : i32
    %xor3A_16 = vector.broadcast %xor3A : i32 to vector<512x2048xi32>
    %xor3A_17 = arith.xori %bitcast_convert_type3A, %xor3A_16 : vector<512x2048xi32>
    %select_n3A = arith.select %ge3A_15, %bitcast_convert_type3A, %xor3A_17 : vector<512x2048xi1>, vector<512x2048xi32>
    %swap3A = arith.constant 0 : index
    %swap3A_18 = arith.constant 0 : index
    %swap3A_19 = vector.load %arg3[%swap3A, %swap3A_18] : memref<512x2048xi32, #tpu.memory_space<vmem>>, vector<512x2048xi32>
    tpu.vector_store %arg3[%swap3A, %swap3A_18], %select_n3A {strides = array<i32>} : memref<512x2048xi32, #tpu.memory_space<vmem>>, vector<512x2048xi32>,
    return
  }
  func.func @transform_0(%arg0: i32) -> (i32, i32) {
    %c0_i32 = arith.constant 0 : i32
    %c0_i32_0 = arith.constant 0 : i32
    return %arg0, %c0_i32 : i32, i32
  }
  func.func @transform_1(%arg0: i32) -> (i32, i32) {
    %c0_i32 = arith.constant 0 : i32
    %c0_i32_0 = arith.constant 0 : i32
    return %arg0, %c0_i32 : i32, i32
  }
  func.func @transform_2(%arg0: i32) -> (i32, i32) {
    %c0_i32 = arith.constant 0 : i32
    %c0_i32_0 = arith.constant 0 : i32
    return %arg0, %c0_i32 : i32, i32
  }
}

module attributes {stable_mosaic.version = 14 : i64} {
  func.func @_select_hi_body(%arg0: memref<32x512x128xi32, #tpu.memory_space<vmem>>, %arg1: memref<8x128xi32, #tpu.memory_space<vmem>>, %arg2: memref<8x128xi32, #tpu.memory_space<vmem>>) attributes {dimension_semantics = [], scalar_prefetch = 0 : i64, scratch_operands = 0 : i64, tpu.core_type = #tpu.core_type<tc>} {
    %get3A = arith.constant 0 : index
    %get3A_0 = arith.constant 0 : index
    %get3A_1 = arith.constant 0 : index
    %get3A_2 = vector.load %arg0[%get3A, %get3A_0, %get3A_1] : memref<32x512x128xi32, #tpu.memory_space<vmem>>, vector<32x512x128xi32>
    %convert_element_type3A = arith.sitofp %get3A_2 : vector<32x512x128xi32> to vector<32x512x128xf32>
    %reduce_sum3A = arith.constant dense<0.000000e+00> : vector<512x128xf32>
    %reduce_sum3A_3 = vector.multi_reduction <add>, %convert_element_type3A, %reduce_sum3A [0] : vector<32x512x128xf32> to vector<512x128xf32>
    %iota3A = tpu.iota {dimensions = array<i32: 0>} : vector<128x128xi32>
    %iota3A_4 = tpu.iota {dimensions = array<i32: 1>} : vector<128x128xi32>
    %le3A = arith.cmpi sle, %iota3A, %iota3A_4 : vector<128x128xi32>
    %convert_element_type3A_5 = arith.extui %le3A : vector<128x128xi1> to vector<128x128xi32>
    %convert_element_type3A_6 = arith.sitofp %convert_element_type3A_5 : vector<128x128xi32> to vector<128x128xf32>
    %dot_general3A = arith.constant dense<0.000000e+00> : vector<512x128xf32>
    %dot_general3A_7 = tpu.matmul %reduce_sum3A_3, %convert_element_type3A_6, %dot_general3A {dimension_numbers = #tpu.dot_dimension_numbers<[1], [0], [0], [1], [0, 0, 1, 1], [], []>, precision = #tpu.contract_precision<fp32>, transpose_lhs_hint = false} : vector<512x128xf32>, vector<128x128xf32>, vector<512x128xf32> -> vector<512x128xf32>
    %iota3A_8 = tpu.iota {dimensions = array<i32: 0>} : vector<512x512xi32>
    %iota3A_9 = tpu.iota {dimensions = array<i32: 1>} : vector<512x512xi32>
    %lt3A = arith.cmpi slt, %iota3A_9, %iota3A_8 : vector<512x512xi32>
    %convert_element_type3A_10 = arith.extui %lt3A : vector<512x512xi1> to vector<512x512xi32>
    %convert_element_type3A_11 = arith.sitofp %convert_element_type3A_10 : vector<512x512xi32> to vector<512x512xf32>
    %reduce_sum3A_12 = arith.constant dense<0.000000e+00> : vector<512xf32>
    %reduce_sum3A_13 = vector.multi_reduction <add>, %reduce_sum3A_3, %reduce_sum3A_12 [1] : vector<512x128xf32> to vector<512xf32>
    %broadcast_in_dim3A = vector.shape_cast %reduce_sum3A_13 : vector<512xf32> to vector<512x1xf32>
    %broadcast_in_dim3A_14 = vector.shape_cast %broadcast_in_dim3A : vector<512x1xf32> to vector<512x1xf32>
    %broadcast_in_dim3A_15 = vector.broadcast %broadcast_in_dim3A_14 : vector<512x1xf32> to vector<512x128xf32>
    %dot_general3A_16 = arith.constant dense<0.000000e+00> : vector<512x128xf32>
    %dot_general3A_17 = tpu.matmul %convert_element_type3A_11, %broadcast_in_dim3A_15, %dot_general3A_16 {dimension_numbers = #tpu.dot_dimension_numbers<[1], [0], [0], [1], [0, 0, 1, 1], [], []>, precision = #tpu.contract_precision<fp32>, transpose_lhs_hint = false} : vector<512x512xf32>, vector<512x128xf32>, vector<512x128xf32> -> vector<512x128xf32>
    %add3A = arith.addf %dot_general3A_7, %dot_general3A_17 : vector<512x128xf32>
    %le3A_18 = arith.constant 0x4A4CCCD0 : f32
    %le3A_19 = vector.broadcast %le3A_18 : f32 to vector<512x128xf32>
    %le3A_20 = arith.cmpf ole, %add3A, %le3A_19 : vector<512x128xf32>
    %convert_element_type3A_21 = arith.extui %le3A_20 : vector<512x128xi1> to vector<512x128xi32>
    %convert_element_type3A_22 = arith.sitofp %convert_element_type3A_21 : vector<512x128xi32> to vector<512x128xf32>
    %reduce_sum3A_23 = vector.shape_cast %convert_element_type3A_22 : vector<512x128xf32> to vector<1x512x128xf32>
    %reduce_sum3A_24 = arith.constant dense<0.000000e+00> : vector<1xf32>
    %reduce_sum3A_25 = vector.multi_reduction <add>, %reduce_sum3A_23, %reduce_sum3A_24 [1, 2] : vector<1x512x128xf32> to vector<1xf32>
    %reduce_sum3A_26 = vector.shape_cast %reduce_sum3A_25 : vector<1xf32> to vector<1x1x1xf32>
    %reduce_sum3A_27 = vector.extract %reduce_sum3A_26[0, 0, 0] : f32 from vector<1x1x1xf32>
    %convert_element_type3A_28 = arith.fptosi %reduce_sum3A_27 : f32 to i32
    %jit3A = arith.constant 0.000000e+00 : f32
    %broadcast_in_dim3A_29 = vector.broadcast %jit3A : f32 to vector<512x128xf32>
    %select_n3A = arith.select %le3A_20, %add3A, %broadcast_in_dim3A_29 : vector<512x128xi1>, vector<512x128xf32>
    %reduce_max3A = vector.shape_cast %select_n3A : vector<512x128xf32> to vector<1x512x128xf32>
    %reduce_max3A_30 = arith.constant dense<0xFF800000> : vector<1xf32>
    %reduce_max3A_31 = vector.multi_reduction <maximumf>, %reduce_max3A, %reduce_max3A_30 [1, 2] : vector<1x512x128xf32> to vector<1xf32>
    %reduce_max3A_32 = vector.shape_cast %reduce_max3A_31 : vector<1xf32> to vector<1x1x1xf32>
    %reduce_max3A_33 = vector.extract %reduce_max3A_32[0, 0, 0] : f32 from vector<1x1x1xf32>
    %convert_element_type3A_34 = arith.fptosi %reduce_max3A_33 : f32 to i32
    %sub3A = arith.constant 3355444 : i32
    %sub3A_35 = arith.subi %sub3A, %convert_element_type3A_34 : i32
    %broadcast_in_dim3A_36 = arith.constant 0 : i32
    %broadcast_in_dim3A_37 = vector.broadcast %broadcast_in_dim3A_36 : i32 to vector<8x128xi32>
    %add3A_38 = vector.broadcast %convert_element_type3A_28 : i32 to vector<8x128xi32>
    %add3A_39 = arith.addi %broadcast_in_dim3A_37, %add3A_38 : vector<8x128xi32>
    %swap3A = arith.constant 0 : index
    %swap3A_40 = arith.constant 0 : index
    %swap3A_41 = vector.load %arg1[%swap3A, %swap3A_40] : memref<8x128xi32, #tpu.memory_space<vmem>>, vector<8x128xi32>
    tpu.vector_store %arg1[%swap3A, %swap3A_40], %add3A_39 {strides = array<i32>} : memref<8x128xi32, #tpu.memory_space<vmem>>, vector<8x128xi32>,
    %broadcast_in_dim3A_42 = arith.constant 0 : i32
    %broadcast_in_dim3A_43 = vector.broadcast %broadcast_in_dim3A_42 : i32 to vector<8x128xi32>
    %add3A_44 = vector.broadcast %sub3A_35 : i32 to vector<8x128xi32>
    %add3A_45 = arith.addi %broadcast_in_dim3A_43, %add3A_44 : vector<8x128xi32>
    %swap3A_46 = arith.constant 0 : index
    %swap3A_47 = arith.constant 0 : index
    %swap3A_48 = vector.load %arg2[%swap3A_46, %swap3A_47] : memref<8x128xi32, #tpu.memory_space<vmem>>, vector<8x128xi32>
    tpu.vector_store %arg2[%swap3A_46, %swap3A_47], %add3A_45 {strides = array<i32>} : memref<8x128xi32, #tpu.memory_space<vmem>>, vector<8x128xi32>,
    return
  }
}

module attributes {stable_mosaic.version = 14 : i64} {
  func.func @_mask_body(%arg0: i32, %arg1: memref<512x2048xi32, #tpu.memory_space<vmem>>, %arg2: memref<32x512x128xi32, #tpu.memory_space<vmem>>, %arg3: memref<1xi32, #tpu.memory_space<smem>>, %arg4: memref<1xi32, #tpu.memory_space<smem>>, %arg5: memref<512x2048xf32, #tpu.memory_space<vmem>>, %arg6: memref<1xi32, #tpu.memory_space<smem>>) attributes {dimension_semantics = [#tpu.dimension_semantics<arbitrary>], iteration_bounds = array<i64: 16>, scalar_prefetch = 0 : i64, scratch_operands = 1 : i64, tpu.core_type = #tpu.core_type<tc>, window_params = [{transform_indices = @transform_0, window_bounds = array<i64: 512, 2048>}, {pipeline_mode = #tpu.pipeline_mode<synchronous>, transform_indices = @transform_1, window_bounds = array<i64: 32, 512, 128>}, {transform_indices = @transform_2, window_bounds = array<i64: 1>}, {transform_indices = @transform_3, window_bounds = array<i64: 1>}, {transform_indices = @transform_4, window_bounds = array<i64: 512, 2048>}]} {
    %eq3A = arith.constant 0 : i32
    %eq3A_0 = arith.cmpi eq, %arg0, %eq3A : i32
    %convert_element_type3A = arith.extui %eq3A_0 : i1 to i32
    %cond3A = arith.constant 0 : i32
    %cond3A_1 = arith.cmpi ne, %convert_element_type3A, %cond3A : i32
    scf.if %cond3A_1 {
      %get3A_11 = arith.constant 0 : index
      %get3A_12 = arith.constant 0 : index
      %get3A_13 = arith.constant 0 : index
      %get3A_14 = vector.load %arg2[%get3A_11, %get3A_12, %get3A_13] : memref<32x512x128xi32, #tpu.memory_space<vmem>>, vector<32x512x128xi32>
      %get3A_15 = arith.constant 0 : index
      %get3A_16 = memref.load %arg4[%get3A_15] : memref<1xi32, #tpu.memory_space<smem>>
      %convert_element_type3A_17 = arith.sitofp %get3A_16 : i32 to f32
      %convert_element_type3A_18 = arith.sitofp %get3A_14 : vector<32x512x128xi32> to vector<32x512x128xf32>
      %reduce_sum3A = arith.constant dense<0.000000e+00> : vector<512x128xf32>
      %reduce_sum3A_19 = vector.multi_reduction <add>, %convert_element_type3A_18, %reduce_sum3A [0] : vector<32x512x128xf32> to vector<512x128xf32>
      %iota3A = tpu.iota {dimensions = array<i32: 0>} : vector<128x128xi32>
      %iota3A_20 = tpu.iota {dimensions = array<i32: 1>} : vector<128x128xi32>
      %le3A = arith.cmpi sle, %iota3A, %iota3A_20 : vector<128x128xi32>
      %convert_element_type3A_21 = arith.extui %le3A : vector<128x128xi1> to vector<128x128xi32>
      %convert_element_type3A_22 = arith.sitofp %convert_element_type3A_21 : vector<128x128xi32> to vector<128x128xf32>
      %dot_general3A = arith.constant dense<0.000000e+00> : vector<512x128xf32>
      %dot_general3A_23 = tpu.matmul %reduce_sum3A_19, %convert_element_type3A_22, %dot_general3A {dimension_numbers = #tpu.dot_dimension_numbers<[1], [0], [0], [1], [0, 0, 1, 1], [], []>, precision = #tpu.contract_precision<fp32>, transpose_lhs_hint = false} : vector<512x128xf32>, vector<128x128xf32>, vector<512x128xf32> -> vector<512x128xf32>
      %iota3A_24 = tpu.iota {dimensions = array<i32: 0>} : vector<512x512xi32>
      %iota3A_25 = tpu.iota {dimensions = array<i32: 1>} : vector<512x512xi32>
      %lt3A = arith.cmpi slt, %iota3A_25, %iota3A_24 : vector<512x512xi32>
      %convert_element_type3A_26 = arith.extui %lt3A : vector<512x512xi1> to vector<512x512xi32>
      %convert_element_type3A_27 = arith.sitofp %convert_element_type3A_26 : vector<512x512xi32> to vector<512x512xf32>
      %reduce_sum3A_28 = arith.constant dense<0.000000e+00> : vector<512xf32>
      %reduce_sum3A_29 = vector.multi_reduction <add>, %reduce_sum3A_19, %reduce_sum3A_28 [1] : vector<512x128xf32> to vector<512xf32>
      %broadcast_in_dim3A = vector.shape_cast %reduce_sum3A_29 : vector<512xf32> to vector<512x1xf32>
      %broadcast_in_dim3A_30 = vector.shape_cast %broadcast_in_dim3A : vector<512x1xf32> to vector<512x1xf32>
      %broadcast_in_dim3A_31 = vector.broadcast %broadcast_in_dim3A_30 : vector<512x1xf32> to vector<512x128xf32>
      %dot_general3A_32 = arith.constant dense<0.000000e+00> : vector<512x128xf32>
      %dot_general3A_33 = tpu.matmul %convert_element_type3A_27, %broadcast_in_dim3A_31, %dot_general3A_32 {dimension_numbers = #tpu.dot_dimension_numbers<[1], [0], [0], [1], [0, 0, 1, 1], [], []>, precision = #tpu.contract_precision<fp32>, transpose_lhs_hint = false} : vector<512x512xf32>, vector<512x128xf32>, vector<512x128xf32> -> vector<512x128xf32>
      %add3A = arith.addf %dot_general3A_23, %dot_general3A_33 : vector<512x128xf32>
      %le3A_34 = vector.broadcast %convert_element_type3A_17 : f32 to vector<512x128xf32>
      %le3A_35 = arith.cmpf ole, %add3A, %le3A_34 : vector<512x128xf32>
      %convert_element_type3A_36 = arith.extui %le3A_35 : vector<512x128xi1> to vector<512x128xi32>
      %convert_element_type3A_37 = arith.sitofp %convert_element_type3A_36 : vector<512x128xi32> to vector<512x128xf32>
      %reduce_sum3A_38 = vector.shape_cast %convert_element_type3A_37 : vector<512x128xf32> to vector<1x512x128xf32>
      %reduce_sum3A_39 = arith.constant dense<0.000000e+00> : vector<1xf32>
      %reduce_sum3A_40 = vector.multi_reduction <add>, %reduce_sum3A_38, %reduce_sum3A_39 [1, 2] : vector<1x512x128xf32> to vector<1xf32>
      %reduce_sum3A_41 = vector.shape_cast %reduce_sum3A_40 : vector<1xf32> to vector<1x1x1xf32>
      %reduce_sum3A_42 = vector.extract %reduce_sum3A_41[0, 0, 0] : f32 from vector<1x1x1xf32>
      %convert_element_type3A_43 = arith.fptosi %reduce_sum3A_42 : f32 to i32
      %get3A_44 = arith.constant 0 : index
      %get3A_45 = memref.load %arg3[%get3A_44] : memref<1xi32, #tpu.memory_space<smem>>
      %sub3A = arith.constant 32768 : i32
      %sub3A_46 = arith.subi %get3A_45, %sub3A : i32
      %shift_left3A = arith.constant 16 : i32
      %shift_left3A_47 = arith.shli %sub3A_46, %shift_left3A : i32
      %or3A = arith.ori %shift_left3A_47, %convert_element_type3A_43 : i32
      %swap3A_48 = arith.constant 0 : index
      %swap3A_49 = memref.load %arg6[%swap3A_48] : memref<1xi32, #tpu.memory_space<smem>>
      memref.store %or3A, %arg6[%swap3A_48] : memref<1xi32, #tpu.memory_space<smem>>
    } else {
    }
    %get3A = arith.constant 0 : index
    %get3A_2 = arith.constant 0 : index
    %get3A_3 = vector.load %arg1[%get3A, %get3A_2] : memref<512x2048xi32, #tpu.memory_space<vmem>>, vector<512x2048xi32>
    %get3A_4 = arith.constant 0 : index
    %get3A_5 = memref.load %arg6[%get3A_4] : memref<1xi32, #tpu.memory_space<smem>>
    %ge3A = vector.broadcast %get3A_5 : i32 to vector<512x2048xi32>
    %ge3A_6 = arith.cmpi sge, %get3A_3, %ge3A : vector<512x2048xi32>
    %convert_element_type3A_7 = arith.extui %ge3A_6 : vector<512x2048xi1> to vector<512x2048xi32>
    %convert_element_type3A_8 = arith.sitofp %convert_element_type3A_7 : vector<512x2048xi32> to vector<512x2048xf32>
    %swap3A = arith.constant 0 : index
    %swap3A_9 = arith.constant 0 : index
    %swap3A_10 = vector.load %arg5[%swap3A, %swap3A_9] : memref<512x2048xf32, #tpu.memory_space<vmem>>, vector<512x2048xf32>
    tpu.vector_store %arg5[%swap3A, %swap3A_9], %convert_element_type3A_8 {strides = array<i32>} : memref<512x2048xf32, #tpu.memory_space<vmem>>, vector<512x2048xf32>,
    return
  }
  func.func @transform_0(%arg0: i32) -> (i32, i32) {
    %c0_i32 = arith.constant 0 : i32
    %c0_i32_0 = arith.constant 0 : i32
    return %arg0, %c0_i32 : i32, i32
  }
  func.func @transform_1(%arg0: i32) -> (i32, i32, i32) {
    %c0_i32 = arith.constant 0 : i32
    %c0_i32_0 = arith.constant 0 : i32
    %c0_i32_1 = arith.constant 0 : i32
    %c0_i32_2 = arith.constant 0 : i32
    return %c0_i32, %c0_i32_0, %c0_i32_1 : i32, i32, i32
  }
  func.func @transform_2(%arg0: i32) -> i32 {
    %c0_i32 = arith.constant 0 : i32
    %c0_i32_0 = arith.constant 0 : i32
    return %c0_i32 : i32
  }
  func.func @transform_3(%arg0: i32) -> i32 {
    %c0_i32 = arith.constant 0 : i32
    %c0_i32_0 = arith.constant 0 : i32
    return %c0_i32 : i32
  }
  func.func @transform_4(%arg0: i32) -> (i32, i32) {
    %c0_i32 = arith.constant 0 : i32
    %c0_i32_0 = arith.constant 0 : i32
    return %arg0, %c0_i32 : i32, i32
  }
}

</mosaic_0001>

<sc_bundles>
// kernel: kernel.10.cloned.1.call-start
scs
__scs_entry_jumppad:
0x0: {  	(pc) =	sbr.rel $0x88, $3  }
0x1: {  	(tag) =	ssettag $0x0;
	lr =	simm.s32 $0x1  }
0x2: {  	[smem:$0x3F9F] =	sst lr;
	_ =	strace $0xD0000000  }
0x3: {  	_ = 	snop  }
0x4: {  	_ = 	snop  }
0x5: {  	_ = 	snop  }
0x6: {  	_ = 	snop  }
0x7: {  	_ = 	snop  }
__scs_overlays_trampoline_lowered:
0x8: {  	[smem:$0x3FAE] =	sst s0  }
0x9: {  	[smem:$0x3FAF] =	sst s1  }
0xa: {  	[smem:$0x3FB0] =	sst s2  }
0xb: {  	[smem:$0x3FB1] =	sst s3  }
0xc: {  	[smem:$0x3FB2] =	sst s4  }
0xd: {  	[smem:$0x3FB3] =	sst s5  }
0xe: {  	[smem:$0x3FB4] =	sst s6  }
0xf: {  	[smem:$0x3FB5] =	sst s7  }
0x10: {  	[smem:$0x3FB6] =	sst s8  }
0x11: {  	[smem:$0x3FB7] =	sst s9;
	s0 =	simm.s32 @!p0 $0x0  }
0x12: {  	s1 =	sld [smem:$0x3F9D];
	s0 =	simm.s32 @p0 $0x1  }
0x13: {  	[smem:$0x3FB8] =	sst s0;
	s0 =	simm.s32 @!p1 $0x0  }
0x14: {  	s2 =	sld [smem:$0x3F9C];
	s0 =	simm.s32 @p1 $0x1  }
0x15: {  	[smem:$0x3FB9] =	sst s0;
	s0 =	simm.s32 @!p2 $0x0  }
0x16: {  	s3 =	sld [smem:$0x3FDB];
	s0 =	simm.s32 @p2 $0x1  }
0x17: {  	s4 =	simm.s32 $0x1BF5;
	[smem:$0x3FBB] =	sst s0  }
0x18: {  	s0 =	sld [smem:$0x3F9E];
	_ =	swait.ge [sflag:s4], $0x0  }
0x19: {  	s7 =	sld [smem:$0x3F9F]  }
0x1a: {  	s8 =	sadd.s32 $0xFFFFE003, lr  }
0x1b: {  	s9 =	sadd.s32 $0xFFFFFEF7, lr;
	s5 =	simm.s32 $0xFFFFFFFF;
	p2 =	slt.u32 s8, $0xFFFFF086  }
0x1c: {  	p1 =	slt.u32 s9, $0xF7A;
	s5 =	simm.s32 @!p2 $0x0  }
0x1d: {  	s5 =	simm.s32 @p1 $0x1;
	p0 =	seq.s32 s7, s2  }
0x1e: {  	s7 =	smul.u32 @!p0 $0xF7A, s2;
	p2 =	seq.s32 @!p0 s5, $0x0  }
0x1f: {  	s9 =	smul.u32 $0xF7A, s1;
	s8 =	simm.s32 @!p0 $0x1BF5;
	p2 =	por !p2, p0  }
0x20: {  	[sflag:s8] =	ssyncset.s32 @!p0 $0xFFFFF086;
	s6 =	sadd.s32 @!p0 s3, s7;
	s7 =	simm.s32 @!p0 $0x108  }
0x21: {  	s3 =	sadd.s32 s3, s9;
	s6 =	sadd.s32 @!p0 $0x88, s6;
	s7 =	simm.s32 @p2 $0x1082  }
0x22: {  	[simem:s7], [sflag:s8] =	dma.local @!p0 [hbm:s6], $0xF7A  }
0x23: {  	s9 =	sor.u32 $0xD0000000, s2;
	s6 =	simm.s32 $0x108;
	_ =	swait.ge @!p0 [sflag:s8], $0x0  }
0x24: {  	s3 =	sadd.s32 $0x88, s3;
	s6 =	simm.s32 @!p1 $0x1082;
	[sflag:s4] =	ssyncset.s32 $0xFFFFF086  }
0x25: {  	[simem:s6], [sflag:s4] =	dma.local [hbm:s3], $0xF7A  }
0x26: {  	[smem:$0x3F9F] =	sst s1;
	(tag) =	ssettag s2;
	_ =	strace s9  }
0x27: {  	s1 =	sld [smem:$0x3FAF]  }
0x28: {  	s2 =	sld [smem:$0x3FB0]  }
0x29: {  	s4 =	sld [smem:$0x3FB2]  }
0x2a: {  	p0 =	seq.s32 s5, $0x0;
	s5 =	sld [smem:$0x3FB3]  }
0x2b: {  	s6 =	sld [smem:$0x3FB4]  }
0x2c: {  	s7 =	sld [smem:$0x3FB5]  }
0x2d: {  	s3 =	simm.s32 $0x108;
	s8 =	sld [smem:$0x3FB6]  }
0x2e: {  	s3 =	simm.s32 @!p0 $0x1082;
	s9 =	sld [smem:$0x3FB7]  }
0x2f: {  	lr =	sadd.s32 s0, s3;
	s0 =	sld [smem:$0x3FAE]  }
0x30: {  	s3 =	sld [smem:$0x3FB1]  }
0x31: {  	[smem:$0x3FBA] =	sst s10  }
0x32: {  	s10 =	sld [smem:$0x3FB8];
	_ =	sdelay $0x3  }
0x33: {  	p0 =	seq.s32 s10, $0x1;
	s10 =	sld [smem:$0x3FBA];
	_ =	sdelay $0x3  }
0x34: {  	[smem:$0x3FBA] =	sst s10  }
0x35: {  	s10 =	sld [smem:$0x3FB9];
	_ =	sdelay $0x3  }
0x36: {  	p1 =	seq.s32 s10, $0x1;
	s10 =	sld [smem:$0x3FBA];
	_ =	sdelay $0x3  }
0x37: {  	[smem:$0x3FBA] =	sst s10  }
0x38: {  	s10 =	sld [smem:$0x3FBB]  }
0x39: {  	_ = 	snop;
	(pc) =	sbr.ind lr, $3  }
0x3a: {  	_ = 	snop  }
0x3b: {  	_ = 	snop  }
0x3c: {  	p2 =	seq.s32 s10, $0x1;
	s10 =	sld [smem:$0x3FBA]  }
0x3d: {  	_ =	shalt  }
0x3e: {  	_ =	shalt  }
0x3f: {  	_ =	shalt  }
0x40: {  	_ =	shalt  }
0x41: {  	_ =	shalt  }
0x42: {  	_ =	shalt  }
0x43: {  	_ =	shalt  }
0x44: {  	_ =	shalt  }
0x45: {  	_ =	shalt  }
0x46: {  	_ =	shalt  }
0x47: {  	_ =	shalt  }
0x48: {  	_ =	shalt  }
0x49: {  	_ =	shalt  }
0x4a: {  	_ =	shalt  }
0x4b: {  	_ =	shalt  }
0x4c: {  	_ =	shalt  }
0x4d: {  	_ =	shalt  }
0x4e: {  	_ =	shalt  }
0x4f: {  	_ =	shalt  }
0x50: {  	_ =	shalt  }
0x51: {  	_ =	shalt  }
0x52: {  	_ =	shalt  }
0x53: {  	_ =	shalt  }
0x54: {  	_ =	shalt  }
0x55: {  	_ =	shalt  }
0x56: {  	_ =	shalt  }
0x57: {  	_ =	shalt  }
0x58: {  	_ =	shalt  }
0x59: {  	_ =	shalt  }
0x5a: {  	_ =	shalt  }
0x5b: {  	_ =	shalt  }
0x5c: {  	_ =	shalt  }
0x5d: {  	_ =	shalt  }
0x5e: {  	_ =	shalt  }
0x5f: {  	_ =	shalt  }
0x60: {  	_ =	shalt  }
0x61: {  	_ =	shalt  }
0x62: {  	_ =	shalt  }
0x63: {  	_ =	shalt  }
0x64: {  	_ =	shalt  }
0x65: {  	_ =	shalt  }
0x66: {  	_ =	shalt  }
0x67: {  	_ =	shalt  }
0x68: {  	_ =	shalt  }
0x69: {  	_ =	shalt  }
0x6a: {  	_ =	shalt  }
0x6b: {  	_ =	shalt  }
0x6c: {  	_ =	shalt  }
0x6d: {  	_ =	shalt  }
0x6e: {  	_ =	shalt  }
0x6f: {  	_ =	shalt  }
0x70: {  	_ =	shalt  }
0x71: {  	_ =	shalt  }
0x72: {  	_ =	shalt  }
0x73: {  	_ =	shalt  }
0x74: {  	_ =	shalt  }
0x75: {  	_ =	shalt  }
0x76: {  	_ =	shalt  }
0x77: {  	_ =	shalt  }
0x78: {  	_ =	shalt  }
0x79: {  	_ =	shalt  }
0x7a: {  	_ =	shalt  }
0x7b: {  	_ =	shalt  }
0x7c: {  	_ =	shalt  }
0x7d: {  	_ =	shalt  }
0x7e: {  	_ =	shalt  }
0x7f: {  	_ =	shalt  }
0x80: {  	_ =	shalt  }
0x81: {  	_ =	shalt  }
0x82: {  	_ =	shalt  }
0x83: {  	_ =	shalt  }
0x84: {  	_ =	shalt  }
0x85: {  	_ =	shalt  }
0x86: {  	_ =	shalt  }
0x87: {  	_ =	shalt  }
.Lfunc_end0:
.L_simem_size_0:
called_computation.1_lowered:
.L_overlay_start_0:
0x88: {  	s2 =	sld [smem:$0x3FD9]  }
0x89: {  	s3 =	sld [smem:$0x3FFE];
	_ =	sdelay $0x1  }
0x8a: {  	s1 =	srdreg.scid  }
0x8b: {  	s0 =	sand.u32 $0x1, s1  }
0x8c: {  	s17 =	sshll.u32 s0, $0xA;
	s2 =	sadd.s32 s3, s2  }
0x8d: {  	s2 =	sadd.s32 s2, s17  }
0x8e: {  	[smem:$0x3FC6] =	sst s2  }
0x8f: {  	_ = 	snop  }
0x90: {  	s2 =	sld [smem:$0x3FD0];
	(tm) =	ssettm $0x1  }
0x91: {  	s18 =	sld [smem:$0x3FFB];
	_ =	sdelay $0x3  }
0x92: {  	_ =	strace s18  }
0x93: {  	s3 =	sld [smem:$0x3FFC];
	_ =	sdelay $0x3  }
0x94: {  	_ =	strace s3  }
0x95: {  	s3 =	sld [smem:$0x3FFD];
	_ =	sdelay $0x3  }
0x96: {  	_ =	strace s3  }
0x97: {  	_ =	strace $0x8FFFFFFF  }
0x98: {  	s19 =	sld [smem:$0x3FDB];
	_ =	sdelay $0x1  }
0x99: {  	s4 =	simm.s32 $_scs_section_size  }
0x9a: {  	s5 =	simm.s32 $_size__tile_overlayer_lowered;
	s6 =	simm.s32 $_tile_overlayer_lowered  }
0x9b: {  	s22 =	simm.s32 $0x1BFF;
	s21 =	sshll.u32 s6, $0x1;
	s3 =	sadd.s32 s4, s19  }
0x9c: {  	s7 =	simm.s32 $0x0;
	s20 =	sshll.u32 s5, $0x1;
	s5 =	sadd.s32 s21, s3  }
0x9d: {  	[timem:s7], [sflag:s22] =	dma.local [hbm:s5], s20  }
0x9e: {  	_ =	swait.ge [sflag:s22], s20  }
0x9f: {  	s4 =	ssub.s32 $0x0, s20;
	[sflag:s22] =	ssyncset.done $0x0  }
0xa0: {  	[sflag:s22] =	ssyncadd.s32 s4;
	_ =	sdelay $0x1  }
0xa1: {  	s23 =	simm.s32 $0x1B8B  }
0xa2: {  	_ =	swait.ge [sflag:s23], $0x1  }
0xa3: {  	[sflag:s23] =	ssyncset.done $0x0  }
0xa4: {  	s25 =	simm.s32 $0x1B8E;
	s24 =	sld [smem:$0x3FFE];
	[sflag:s23] =	ssyncadd.s32 $0xFFFFFFFF  }
0xa5: {  	s26 =	simm.s32 $execute0_lowered;
	[smem:$0x3FD2] =	sst s25  }
0xa6: {  	s5 =	sshll.u32 s26, $0x1;
	_ =	strace $0x80000049;
	[dreg:$0x1] =	wrdreg $0xFFFFFFFF  }
0xa7: {  	s28 =	simm.s32 $_size_execute0_lowered;
	s3 =	sadd.s32 s3, s5;
	[dreg:$0x0] =	wrdreg $0x0  }
0xa8: {  	s5 =	sshll.u32 s28, $0x1;
	[dreg:$0x2] =	wrdreg s3  }
0xa9: {  	[dreg:$0x3] =	wrdreg s5  }
0xaa: {  	[dreg:$0x4] =	wrdreg $0xC0  }
0xab: {  	_ =	task [dreg:s7], $0x5FFFF  }
0xac: {  	[dreg:$0x1] =	wrdreg $0xFFFFFFFF  }
0xad: {  	[dreg:$0x0] =	wrdreg $0x60  }
0xae: {  	[dreg:$0x2] =	wrdreg s24  }
0xaf: {  	[dreg:$0x3] =	wrdreg s2  }
0xb0: {  	[dreg:$0x4] =	wrdreg $0x9  }
0xb1: {  	_ =	task.clear_ibuf [dreg:s7], $0x5FFFF;
	_ =	strace $0x90000049  }
0xb2: {  	s29 =	simm.s32 $0x9;
	_ =	strace $0x8000004B  }
0xb3: {  	_ =	swait.ge [sflag:s29], $0x1  }
0xb4: {  	[sflag:s29] =	ssyncadd.s32 $0xFFFFFFFF  }
0xb5: {  	_ =	strace $0x9000004B  }
0xb6: {  	_ =	sfence  }
0xb7: {  	s30 =	sld [smem:$0x0];
	_ =	sdelay $0x2  }
0xb8: {  	s31 =	sshll.u32 s1, $0xD;
	s1 =	sshrl.u32 s1, $0x2  }
0xb9: {  	s3 =	sand.u32 $0x4000, s31;
	s1 =	sadd.s32 s1, s30  }
0xba: {  	s0 =	sor.u32 s3, s0;
	s1 =	sshll.u32 s1, $0x11  }
0xbb: {  	s0 =	sor.u32 s1, s0  }
0xbc: {  	s0 =	sadd.s32 $0x8F2B, s0  }
0xbd: {  	[sflag:s0] =	ssyncadd.remote.s32 $0x1  }
0xbe: {  	_ =	sfence.sel $0xFFFF  }
0xbf: {  	[dreg:$0x0] =	wrdreg $0xFFFFFFFF;
	(pc) =	sbr.abs _section_cstart, $3  }
0xc0: {  	[dreg:$0x1] =	wrdreg $0xFFFFFFFF  }
0xc1: {  	_ =	task.clear_ibuf [dreg:s7], $0x2FFFF;
	_ =	strace $0x9FFFFFFF  }
0xc2: {  	(tm) =	ssettm $0x7FFFFFFF  }
0xc3: {  	_ =	shalt  }
tec
execute0_lowered:
.L_overlay_start_1:
0x0: {  	(tag) =	ssettag $0x1  }
0x1: {  	s0 =	rddreg [dreg:$0x0]  }
0x2: {  	s1 =	rddreg [dreg:$0x1];
	s2 =	srdreg.scid  }
0x3: {  	s3 =	stileid.u32;
	s4 =	simm.s32 $0x0;
	s9 =	simm.s32 $0x3  }
0x4: {  	s10 =	simm.s32 $0x4000;
	s11 =	simm.s32 $0x1;
	s12 =	simm.s32 $0x8000  }
0x5: {  	s13 =	simm.s32 $0x2;
	s14 =	simm.s32 $0x0;
	s15 =	simm.s32 $0x0  }
0x6: {  	s2 =	sand.u32 $0x1, s2;
	s3 =	sshll.u32 s3, $0x1;
	[smem:$0x7FF] =	sst s4  }
0x7: {  	s6 =	sor.u32 s2, s3;
	s2 =	ssub.s32 $0x2, s2;
	_ =	strace $0x8000004A  }
0x8: {  	s3 =	sshll.u32 s6, $0x10;
	s29 =	sshrl.u32 s2, $0x1;
	s31 =	sshll.u32 s6, $0xD  }
0x9: {  	s5 =	sadd.s32 s3, s0;
	s0 =	sadd.s32 $0x200E00, s0;
	s30 =	ssub.s32 s2, s29  }
0xa: {  	s1 =	sadd.s32 s1, s31;
	[dreg:$0x3] =	wrdreg s0;
	s4 =	sadd.s32 $0xE00, s5  }
0xb: {  	v0 =	vimm.s32 $0x0;
	v1 =	vimm.s32 $0x1;
	s5 =	sadd.s32 $0x1E00, s5;
	[dreg:$0x4] =	wrdreg s1;
	s7 =	smax.u32 s30, $0x1  }
.LBB2_1:
0xc: {  	s0 =	simm.s32 $0x0;
	s1 =	simm.s32 $0x200  }
.LBB2_2:
0xd: {  	p0 =	sne.s32 s1, $0x3FE00;
	[tilespmem:s0+$0x8070] =	vst v0  }
0xe: {  	[tilespmem:s0+$0x8000] =	vst v0  }
0xf: {  	[tilespmem:s0+$0x8010] =	vst v0  }
.Ltmp0:
0x10: {  	[tilespmem:s0+$0x8020] =	vst v0;
	(pc) =	sbr.rel @p0 .LBB2_2-.Ltmp0, $4  }
0x11: {  	[tilespmem:s0+$0x8030] =	vst v0  }
0x12: {  	[tilespmem:s0+$0x8040] =	vst v0  }
0x13: {  	[tilespmem:s0+$0x8050] =	vst v0  }
0x14: {  	[tilespmem:s0+$0x8060] =	vst v0;
	s0 =	sshra.s32 s1, $0x2;
	s1 =	sadd.s32 $0x200, s1  }
0x15: {  	[tilespmem:s0+$0x8070] =	vst v0  }
0x16: {  	[tilespmem:s0+$0x8000] =	vst v0  }
0x17: {  	[tilespmem:s0+$0x8010] =	vst v0  }
0x18: {  	[tilespmem:s0+$0x8020] =	vst v0  }
0x19: {  	[tilespmem:s0+$0x8030] =	vst v0  }
0x1a: {  	[tilespmem:s0+$0x8040] =	vst v0  }
0x1b: {  	[tilespmem:s0+$0x8050] =	vst v0  }
0x1c: {  	[tilespmem:s0+$0x8060] =	vst v0  }
0x1d: {  	s1 =	simm.s32 $0x18000;
	s0 =	rddreg [dreg:$0x3]  }
0x1e: {  	[tilespmem:s1], [sflag:$0x3] =	stream.linear.gather [hbm4b:s0+s15], $0x80, $0x38;
	[tilespmem:$0x18080] =	vst v63  }
0x1f: {  	_ =	swait.ge [sflag:s9], $0x80  }
0x20: {  	[sflag:s9] =	ssyncset.done $0x0  }
0x21: {  	[sflag:s9] =	ssyncadd.s32 $0xFFFFFF80  }
0x22: {  	v2 =	vld [tilespmem:$0x18000];
	_ =	sdelay $0x1  }
0x23: {  	s16 =	simm.s32 $0x0  }
0x24: {  	[tilespmem:s15], [sflag:$0x1] =	stream.linear.gather [hbm4b:s4+s15], $0x4000, $0x38;
	[tilespmem:$0x18080] =	vst v63  }
.LBB2_4:
0x25: {  	s17 =	sshll.u32 s16, $0xC  }
0x26: {  	s0 =	sadd.s32 s17, s4  }
0x27: {  	s0 =	sadd.s32 $0x800, s0  }
0x28: {  	[tilespmem:s10], [sflag:$0x2] =	stream.linear.gather [hbm4b:s0+s15], $0x4000, $0x38;
	[tilespmem:$0x18080] =	vst v63  }
0x29: {  	_ =	swait.ge [sflag:s11], $0x4000  }
0x2a: {  	s24 =	sand.u32 $0x40, s15;
	s1 =	sand.u32 $0x3C00, s15;
	[sflag:s11] =	ssyncset.done $0x0  }
0x2b: {  	s1 =	sor.u32 s24, s1;
	[sflag:s11] =	ssyncadd.s32 $0xFFFFC000  }
0x2c: {  	v3 =	vld [tilespmem:s1+$0x30];
	_ =	sdelay $0x4  }
0x2d: {  	v4 =	vshra.s32 v3, $0x10  }
0x2e: {  	v5 =	vld [tilespmem:s1+$0x0];
	v4 =	vadd.s32 $0x8000, v4  }
0x2f: {  	vm0 =	veq.s32 v4, v2  }
0x30: {  	v3 =	vand.u32 $0xFFFF, v3;
	_ =	sdelay $0x2  }
0x31: {  	v4 =	vshra.s32 v5, $0x10  }
0x32: {  	v6 =	vld [tilespmem:s1+$0x10];
	v4 =	vadd.s32 $0x8000, v4  }
0x33: {  	vm1 =	veq.s32 v4, v2;
	[tilespmem:v3+s12+$0x0] =	vst.idx.add.s32.msk vm0, v1  }
0x34: {  	v3 =	vand.u32 $0xFFFF, v5;
	v4 =	vld [tilespmem:s1+$0xB0];
	_ =	sdelay $0x1  }
0x35: {  	v5 =	vld [tilespmem:s1+$0x20]  }
0x36: {  	v7 =	vshra.s32 v6, $0x10  }
0x37: {  	v7 =	vadd.s32 $0x8000, v7  }
0x38: {  	vm0 =	veq.s32 v7, v2;
	[tilespmem:v3+s12+$0x0] =	vst.idx.add.s32.msk vm1, v1;
	v3 =	vshra.s32 v4, $0x10  }
0x39: {  	v6 =	vand.u32 $0xFFFF, v6;
	v7 =	vld [tilespmem:s1+$0x80];
	v3 =	vadd.s32 $0x8000, v3  }
0x3a: {  	v8 =	vshra.s32 v5, $0x10;
	vm1 =	veq.s32 v3, v2  }
0x3b: {  	v4 =	vand.u32 $0xFFFF, v4;
	v3 =	vadd.s32 $0x8000, v8  }
0x3c: {  	vm2 =	veq.s32 v3, v2  }
0x3d: {  	v3 =	vand.u32 $0xFFFF, v5  }
0x3e: {  	[tilespmem:v6+s12+$0x0] =	vst.idx.add.s32.msk vm0, v1;
	v5 =	vshra.s32 v7, $0x10  }
0x3f: {  	v6 =	vld [tilespmem:s1+$0x90];
	v5 =	vadd.s32 $0x8000, v5  }
0x40: {  	vm0 =	veq.s32 v5, v2;
	[tilespmem:v4+s12+$0x0] =	vst.idx.add.s32.msk vm1, v1  }
0x41: {  	v4 =	vand.u32 $0xFFFF, v7;
	v5 =	vld [tilespmem:s1+$0x130]  }
0x42: {  	[tilespmem:v3+s12+$0x0] =	vst.idx.add.s32.msk vm2, v1  }
0x43: {  	v3 =	vld [tilespmem:s1+$0xA0]  }
0x44: {  	v7 =	vshra.s32 v6, $0x10  }
0x45: {  	v7 =	vadd.s32 $0x8000, v7  }
0x46: {  	vm1 =	veq.s32 v7, v2;
	[tilespmem:v4+s12+$0x0] =	vst.idx.add.s32.msk vm0, v1;
	v4 =	vshra.s32 v5, $0x10  }
0x47: {  	v6 =	vand.u32 $0xFFFF, v6;
	v7 =	vld [tilespmem:s1+$0x100];
	v4 =	vadd.s32 $0x8000, v4  }
0x48: {  	v8 =	vshra.s32 v3, $0x10;
	vm0 =	veq.s32 v4, v2  }
0x49: {  	v5 =	vand.u32 $0xFFFF, v5;
	v4 =	vadd.s32 $0x8000, v8  }
0x4a: {  	vm2 =	veq.s32 v4, v2  }
0x4b: {  	v3 =	vand.u32 $0xFFFF, v3  }
0x4c: {  	[tilespmem:v6+s12+$0x0] =	vst.idx.add.s32.msk vm1, v1;
	v4 =	vshra.s32 v7, $0x10  }
0x4d: {  	v6 =	vld [tilespmem:s1+$0x110];
	v4 =	vadd.s32 $0x8000, v4  }
0x4e: {  	vm1 =	veq.s32 v4, v2;
	[tilespmem:v5+s12+$0x0] =	vst.idx.add.s32.msk vm0, v1  }
0x4f: {  	v4 =	vand.u32 $0xFFFF, v7;
	v5 =	vld [tilespmem:s1+$0x1B0]  }
0x50: {  	[tilespmem:v3+s12+$0x0] =	vst.idx.add.s32.msk vm2, v1  }
0x51: {  	v3 =	vld [tilespmem:s1+$0x120];
	_ =	sdelay $0x1  }
0x52: {  	v7 =	vshra.s32 v6, $0x10  }
0x53: {  	v7 =	vadd.s32 $0x8000, v7;
	[tilespmem:v4+s12+$0x0] =	vst.idx.add.s32.msk vm1, v1;
	v4 =	vshra.s32 v5, $0x10  }
0x54: {  	vm0 =	veq.s32 v7, v2;
	v7 =	vld [tilespmem:s1+$0x180];
	v4 =	vadd.s32 $0x8000, v4  }
0x55: {  	v6 =	vand.u32 $0xFFFF, v6;
	v8 =	vshra.s32 v3, $0x10;
	vm1 =	veq.s32 v4, v2  }
0x56: {  	p0 =	por $0x0, $0x0;
	s0 =	simm.s32 $0x1;
	v5 =	vand.u32 $0xFFFF, v5;
	v4 =	vadd.s32 $0x8000, v8  }
0x57: {  	s0 =	simm.s32 @!p0 $0x0;
	vm2 =	veq.s32 v4, v2  }
0x58: {  	s0 =	sshll.u32 s0, $0x6;
	v3 =	vand.u32 $0xFFFF, v3  }
0x59: {  	s19 =	sadd.s32 $0x0, s0;
	v4 =	vshra.s32 v7, $0x10  }
0x5a: {  	s0 =	sadd.s32 $0x30, s19;
	[tilespmem:v6+s12+$0x0] =	vst.idx.add.s32.msk vm0, v1;
	v4 =	vadd.s32 $0x8000, v4  }
0x5b: {  	s2 =	sor.u32 $0x200, s0;
	vm0 =	veq.s32 v4, v2;
	[tilespmem:v5+s12+$0x0] =	vst.idx.add.s32.msk vm1, v1  }
0x5c: {  	v4 =	vand.u32 $0xFFFF, v7;
	v5 =	vld [tilespmem:s2+$0x0]  }
0x5d: {  	[tilespmem:v3+s12+$0x0] =	vst.idx.add.s32.msk vm2, v1  }
0x5e: {  	v3 =	vld [tilespmem:s1+$0x190]  }
0x5f: {  	v6 =	vld [tilespmem:s1+$0x1A0];
	_ =	sdelay $0x1  }
0x60: {  	s26 =	simm.s32 $0x200;
	s8 =	simm.s32 $0x40;
	s25 =	sor.u32 $0x200, s19;
	[tilespmem:v4+s12+$0x0] =	vst.idx.add.s32.msk vm0, v1;
	v4 =	vshra.s32 v5, $0x10  }
0x61: {  	s28 =	sand.u32 $0x40, s8;
	s2 =	sand.u32 $0x3C00, s26;
	v7 =	vld [tilespmem:s25+$0x0];
	v4 =	vadd.s32 $0x8000, v4  }
0x62: {  	s18 =	sor.u32 s28, s2;
	v8 =	vshra.s32 v3, $0x10;
	vm0 =	veq.s32 v4, v2  }
0x63: {  	v9 =	vld [tilespmem:s18+$0x30];
	v5 =	vand.u32 $0xFFFF, v5;
	v4 =	vadd.s32 $0x8000, v8;
	v8 =	vshra.s32 v6, $0x10  }
0x64: {  	vm1 =	veq.s32 v4, v2;
	v4 =	vadd.s32 $0x8000, v8  }
0x65: {  	v3 =	vand.u32 $0xFFFF, v3;
	vm2 =	veq.s32 v4, v2;
	v4 =	vld [tilespmem:s18+$0x0]  }
0x66: {  	v10 =	vld [tilespmem:s18+$0x10];
	v6 =	vand.u32 $0xFFFF, v6;
	v8 =	vshra.s32 v7, $0x10  }
0x67: {  	v11 =	vld [tilespmem:s18+$0x20];
	v8 =	vadd.s32 $0x8000, v8  }
0x68: {  	s2 =	sor.u32 $0x280, s0;
	vm3 =	veq.s32 v8, v2;
	v8 =	vshra.s32 v9, $0x10;
	[tilespmem:v5+s12+$0x0] =	vst.idx.add.s32.msk vm0, v1  }
0x69: {  	v5 =	vand.u32 $0xFFFF, v7;
	v7 =	vadd.s32 $0x8000, v8;
	v8 =	vld [tilespmem:s2+$0x0]  }
0x6a: {  	s20 =	sadd.s32 $0x10, s19;
	[tilespmem:v3+s12+$0x0] =	vst.idx.add.s32.msk vm1, v1;
	v3 =	vshra.s32 v4, $0x10;
	vm0 =	veq.s32 v7, v2  }
0x6b: {  	s22 =	sadd.s32 $0x20, s19;
	s3 =	sor.u32 $0x200, s20;
	v7 =	vshra.s32 v10, $0x10;
	v3 =	vadd.s32 $0x8000, v3;
	[tilespmem:v6+s12+$0x0] =	vst.idx.add.s32.msk vm2, v1;
	v6 =	vand.u32 $0xFFFF, v9  }
0x6c: {  	s6 =	sor.u32 $0x200, s22;
	v7 =	vadd.s32 $0x8000, v7;
	v9 =	vshra.s32 v11, $0x10;
	v12 =	vld [tilespmem:s3+$0x0];
	vm1 =	veq.s32 v3, v2  }
0x6d: {  	v3 =	vand.u32 $0xFFFF, v4;
	vm2 =	veq.s32 v7, v2;
	v4 =	vadd.s32 $0x8000, v9;
	v7 =	vld [tilespmem:s6+$0x0]  }
0x6e: {  	s8 =	sor.u32 $0x280, s19;
	v9 =	vand.u32 $0xFFFF, v10;
	vm4 =	veq.s32 v4, v2;
	[tilespmem:v5+s12+$0x0] =	vst.idx.add.s32.msk vm3, v1;
	v4 =	vshra.s32 v8, $0x10  }
0x6f: {  	v5 =	vand.u32 $0xFFFF, v11;
	v10 =	vld [tilespmem:s8+$0x0];
	v4 =	vadd.s32 $0x8000, v4  }
0x70: {  	[tilespmem:v6+s12+$0x0] =	vst.idx.add.s32.msk vm0, v1;
	vm0 =	veq.s32 v4, v2  }
0x71: {  	v6 =	vand.u32 $0xFFFF, v8;
	v4 =	vld [tilespmem:s18+$0xB0]  }
0x72: {  	v8 =	vshra.s32 v12, $0x10;
	[tilespmem:v3+s12+$0x0] =	vst.idx.add.s32.msk vm1, v1  }
0x73: {  	v3 =	vadd.s32 $0x8000, v8;
	v8 =	vshra.s32 v7, $0x10;
	[tilespmem:v9+s12+$0x0] =	vst.idx.add.s32.msk vm2, v1  }
0x74: {  	vm1 =	veq.s32 v3, v2;
	v3 =	vadd.s32 $0x8000, v8;
	[tilespmem:v5+s12+$0x0] =	vst.idx.add.s32.msk vm4, v1  }
0x75: {  	v5 =	vand.u32 $0xFFFF, v12;
	vm2 =	veq.s32 v3, v2;
	v3 =	vld [tilespmem:s18+$0x80]  }
0x76: {  	s21 =	sor.u32 $0x300, s0;
	v7 =	vand.u32 $0xFFFF, v7;
	v8 =	vshra.s32 v4, $0x10;
	[tilespmem:v6+s12+$0x0] =	vst.idx.add.s32.msk vm0, v1  }
0x77: {  	v6 =	vadd.s32 $0x8000, v8;
	v8 =	vld [tilespmem:s21+$0x0]  }
0x78: {  	v11 =	vld [tilespmem:s18+$0x90];
	v9 =	vshra.s32 v10, $0x10;
	vm0 =	veq.s32 v6, v2  }
0x79: {  	v4 =	vand.u32 $0xFFFF, v4;
	v6 =	vadd.s32 $0x8000, v9;
	v9 =	vld [tilespmem:s18+$0xA0]  }
0x7a: {  	vm3 =	veq.s32 v6, v2;
	v6 =	vshra.s32 v3, $0x10;
	[tilespmem:v5+s12+$0x0] =	vst.idx.add.s32.msk vm1, v1  }
0x7b: {  	s23 =	sor.u32 $0x280, s20;
	v5 =	vand.u32 $0xFFFF, v10;
	v6 =	vadd.s32 $0x8000, v6;
	[tilespmem:v7+s12+$0x0] =	vst.idx.add.s32.msk vm2, v1  }
0x7c: {  	s24 =	sor.u32 $0x280, s22;
	vm1 =	veq.s32 v6, v2;
	v6 =	vld [tilespmem:s23+$0x0];
	v7 =	vshra.s32 v8, $0x10  }
0x7d: {  	v61 =	vshra.s32 v11, $0x10;
	v3 =	vand.u32 $0xFFFF, v3;
	v10 =	vld [tilespmem:s24+$0x0];
	v7 =	vadd.s32 $0x8000, v7  }
0x7e: {  	[tilespmem:v4+s12+$0x0] =	vst.idx.add.s32.msk vm0, v1;
	v4 =	vadd.s32 $0x8000, v61;
	vm0 =	veq.s32 v7, v2  }
0x7f: {  	v8 =	vand.u32 $0xFFFF, v8;
	v7 =	vshra.s32 v9, $0x10;
	v62 =	vld [tilespmem:s18+$0x130];
	vm2 =	veq.s32 v4, v2  }
0x80: {  	s25 =	sor.u32 $0x300, s19;
	[tilespmem:v5+s12+$0x0] =	vst.idx.add.s32.msk vm3, v1;
	v5 =	vand.u32 $0xFFFF, v11;
	v4 =	vadd.s32 $0x8000, v7  }
0x81: {  	vm3 =	veq.s32 v4, v2;
	v4 =	vld [tilespmem:s25+$0x0]  }
0x82: {  	v7 =	vand.u32 $0xFFFF, v9;
	v9 =	vshra.s32 v6, $0x10;
	[tilespmem:v3+s12+$0x0] =	vst.idx.add.s32.msk vm1, v1  }
0x83: {  	v3 =	vadd.s32 $0x8000, v9;
	v9 =	vshra.s32 v10, $0x10;
	v11 =	vld [tilespmem:s18+$0x100]  }
0x84: {  	vm1 =	veq.s32 v3, v2;
	v3 =	vadd.s32 $0x8000, v9;
	v9 =	vshra.s32 v62, $0x10;
	[tilespmem:v8+s12+$0x0] =	vst.idx.add.s32.msk vm0, v1  }
0x85: {  	s0 =	sor.u32 $0x380, s0;
	v6 =	vand.u32 $0xFFFF, v6;
	vm0 =	veq.s32 v3, v2;
	v3 =	vadd.s32 $0x8000, v9;
	[tilespmem:v5+s12+$0x0] =	vst.idx.add.s32.msk vm2, v1  }
0x86: {  	v9 =	vand.u32 $0xFFFF, v10;
	v8 =	vld [tilespmem:s0+$0x0];
	vm2 =	veq.s32 v3, v2  }
0x87: {  	v3 =	vand.u32 $0xFFFF, v62;
	[tilespmem:v7+s12+$0x0] =	vst.idx.add.s32.msk vm3, v1  }
0x88: {  	v5 =	vshra.s32 v11, $0x10;
	v7 =	vld [tilespmem:s18+$0x110]  }
0x89: {  	v5 =	vadd.s32 $0x8000, v5;
	v10 =	vld [tilespmem:s18+$0x120]  }
0x8a: {  	[tilespmem:v6+s12+$0x0] =	vst.idx.add.s32.msk vm1, v1;
	vm3 =	veq.s32 v5, v2  }
0x8b: {  	v5 =	vand.u32 $0xFFFF, v11;
	v6 =	vshra.s32 v8, $0x10;
	[tilespmem:v9+s12+$0x0] =	vst.idx.add.s32.msk vm0, v1  }
0x8c: {  	v9 =	vshra.s32 v4, $0x10;
	v6 =	vadd.s32 $0x8000, v6;
	[tilespmem:v3+s12+$0x0] =	vst.idx.add.s32.msk vm2, v1  }
0x8d: {  	s26 =	sor.u32 $0x300, s20;
	v3 =	vadd.s32 $0x8000, v9;
	vm0 =	veq.s32 v6, v2;
	v6 =	vld [tilespmem:s18+$0x1B0]  }
0x8e: {  	s28 =	sor.u32 $0x300, s22;
	v8 =	vand.u32 $0xFFFF, v8;
	v9 =	vld [tilespmem:s26+$0x0];
	vm1 =	veq.s32 v3, v2;
	v3 =	vshra.s32 v7, $0x10  }
0x8f: {  	v4 =	vand.u32 $0xFFFF, v4;
	v63 =	vld [tilespmem:s28+$0x0];
	v11 =	vshra.s32 v10, $0x10;
	v3 =	vadd.s32 $0x8000, v3  }
0x90: {  	vm2 =	veq.s32 v3, v2;
	v3 =	vadd.s32 $0x8000, v11;
	[tilespmem:v5+s12+$0x0] =	vst.idx.add.s32.msk vm3, v1  }
0x91: {  	v5 =	vand.u32 $0xFFFF, v7;
	vm3 =	veq.s32 v3, v2;
	v3 =	vld [tilespmem:s18+$0x180]  }
0x92: {  	v7 =	vand.u32 $0xFFFF, v10;
	v10 =	vshra.s32 v6, $0x10  }
0x93: {  	[tilespmem:v8+s12+$0x0] =	vst.idx.add.s32.msk vm0, v1;
	v8 =	vadd.s32 $0x8000, v10  }
0x94: {  	s1 =	sor.u32 $0x380, s19;
	[tilespmem:v4+s12+$0x0] =	vst.idx.add.s32.msk vm1, v1;
	v4 =	vshra.s32 v9, $0x10;
	vm0 =	veq.s32 v8, v2  }
0x95: {  	p0 =	por !p0, !p0;
	s0 =	simm.s32 $0x1;
	v6 =	vand.u32 $0xFFFF, v6;
	v10 =	vshra.s32 v63, $0x10;
	v8 =	vld [tilespmem:s1+$0x0];
	v4 =	vadd.s32 $0x8000, v4  }
0x96: {  	s0 =	simm.s32 @!p0 $0x0;
	[tilespmem:v5+s12+$0x0] =	vst.idx.add.s32.msk vm2, v1;
	vm1 =	veq.s32 v4, v2;
	v4 =	vadd.s32 $0x8000, v10;
	v5 =	vshra.s32 v3, $0x10  }
0x97: {  	s0 =	sshll.u32 s0, $0x6;
	v9 =	vand.u32 $0xFFFF, v9;
	[tilespmem:v7+s12+$0x0] =	vst.idx.add.s32.msk vm3, v1;
	vm2 =	veq.s32 v4, v2;
	v4 =	vadd.s32 $0x8000, v5  }
0x98: {  	s24 =	sadd.s32 $0x200, s0;
	v10 =	vand.u32 $0xFFFF, v63;
	v7 =	vld [tilespmem:s18+$0x190];
	vm3 =	veq.s32 v4, v2  }
0x99: {  	s21 =	sadd.s32 $0x30, s24;
	v3 =	vand.u32 $0xFFFF, v3;
	v11 =	vld [tilespmem:s18+$0x1A0]  }
0x9a: {  	s3 =	sadd.s32 $0x10, s24;
	s2 =	sor.u32 $0x200, s21;
	v4 =	vshra.s32 v8, $0x10;
	[tilespmem:v6+s12+$0x0] =	vst.idx.add.s32.msk vm0, v1  }
0x9b: {  	s6 =	sadd.s32 $0x20, s24;
	s0 =	sor.u32 $0x280, s24;
	s29 =	sor.u32 $0x300, s24;
	v6 =	vadd.s32 $0x8000, v4;
	v5 =	vld [tilespmem:s2+$0x0]  }
0x9c: {  	s8 =	sor.u32 $0x200, s3;
	s31 =	sor.u32 $0x280, s3;
	s30 =	sor.u32 $0x280, s6;
	[tilespmem:v9+s12+$0x0] =	vst.idx.add.s32.msk vm1, v1;
	vm0 =	veq.s32 v6, v2  }
0x9d: {  	s25 =	sor.u32 $0x300, s3;
	s23 =	sor.u32 $0x300, s6;
	s19 =	sor.u32 $0x380, s3;
	v4 =	vand.u32 $0xFFFF, v8;
	[tilespmem:v10+s12+$0x0] =	vst.idx.add.s32.msk vm2, v1  }
0x9e: {  	s28 =	sor.u32 $0x380, s20;
	s20 =	simm.s32 $0x4;
	s26 =	sor.u32 $0x200, s24;
	v6 =	vshra.s32 v7, $0x10;
	v7 =	vand.u32 $0xFFFF, v7;
	v8 =	vshra.s32 v11, $0x10;
	[tilespmem:v3+s12+$0x0] =	vst.idx.add.s32.msk vm3, v1  }
0x9f: {  	s1 =	sor.u32 $0x200, s6;
	s18 =	sor.u32 $0x380, s22;
	s22 =	sor.u32 $0x380, s24;
	v3 =	vadd.s32 $0x8000, v6;
	v6 =	vand.u32 $0xFFFF, v11;
	v9 =	vadd.s32 $0x8000, v8;
	v8 =	vld [tilespmem:s26+$0x0]  }
0xa0: {  	s24 =	simm.s32 $0x400;
	s2 =	sor.u32 $0x380, s6;
	vm2 =	veq.s32 v3, v2;
	vm1 =	veq.s32 v9, v2;
	s26 =	simm.s32 $0x80;
	v3 =	vld [tilespmem:s28+$0x0];
	v9 =	vshra.s32 v5, $0x10  }
.LBB2_5:
0xa1: {  	s28 =	sand.u32 $0x40, s26;
	s3 =	sand.u32 $0x3C00, s24;
	s20 =	sadd.s32 $0x4, s20;
	v9 =	vadd.s32 $0x8000, v9;
	v10 =	vld [tilespmem:s18+$0x0]  }
0xa2: {  	s18 =	smov.u32 s2;
	s28 =	sor.u32 s28, s3;
	p1 =	slt.u32 s20, $0x7C;
	vm4 =	veq.s32 v9, v2;
	[tilespmem:v4+s12+$0x0] =	vst.idx.add.s32.msk vm0, v1  }
0xa3: {  	v5 =	vand.u32 $0xFFFF, v5;
	v4 =	vld [tilespmem:s28+$0x30]  }
0xa4: {  	v9 =	vld [tilespmem:s28+$0x0];
	v11 =	vshra.s32 v8, $0x10;
	v8 =	vand.u32 $0xFFFF, v8  }
0xa5: {  	v12 =	vld [tilespmem:s28+$0x10];
	v11 =	vadd.s32 $0x8000, v11;
	v13 =	vshra.s32 v3, $0x10;
	v14 =	vand.u32 $0xFFFF, v3  }
0xa6: {  	v15 =	vld [tilespmem:s28+$0x20];
	vm3 =	veq.s32 v11, v2;
	v3 =	vadd.s32 $0x8000, v13;
	v11 =	vshra.s32 v10, $0x10  }
0xa7: {  	[tilespmem:v7+s12+$0x0] =	vst.idx.add.s32.msk vm2, v1;
	vm2 =	veq.s32 v3, v2;
	v7 =	vadd.s32 $0x8000, v11;
	v3 =	vand.u32 $0xFFFF, v10  }
0xa8: {  	s2 =	sor.u32 $0x280, s21;
	v10 =	vshra.s32 v4, $0x10;
	[tilespmem:v5+s12+$0x0] =	vst.idx.add.s32.msk vm4, v1;
	vm0 =	veq.s32 v7, v2  }
0xa9: {  	v5 =	vshra.s32 v9, $0x10;
	v7 =	vand.u32 $0xFFFF, v9;
	v9 =	vadd.s32 $0x8000, v10;
	v10 =	vld [tilespmem:s2+$0x0]  }
0xaa: {  	v5 =	vadd.s32 $0x8000, v5;
	v11 =	vshra.s32 v12, $0x10;
	vm4 =	veq.s32 v9, v2;
	[tilespmem:v6+s12+$0x0] =	vst.idx.add.s32.msk vm1, v1  }
0xab: {  	v4 =	vand.u32 $0xFFFF, v4;
	v6 =	vadd.s32 $0x8000, v11;
	v9 =	vshra.s32 v15, $0x10;
	v11 =	vld [tilespmem:s8+$0x0]  }
0xac: {  	vm1 =	veq.s32 v5, v2;
	vm5 =	veq.s32 v6, v2;
	v5 =	vadd.s32 $0x8000, v9;
	v6 =	vld [tilespmem:s1+$0x0]  }
0xad: {  	v9 =	vand.u32 $0xFFFF, v12;
	vm6 =	veq.s32 v5, v2;
	v5 =	vand.u32 $0xFFFF, v15;
	[tilespmem:v8+s12+$0x0] =	vst.idx.add.s32.msk vm3, v1  }
0xae: {  	v8 =	vld [tilespmem:s0+$0x0];
	v12 =	vshra.s32 v10, $0x10  }
0xaf: {  	v12 =	vadd.s32 $0x8000, v12;
	[tilespmem:v14+s12+$0x0] =	vst.idx.add.s32.msk vm2, v1  }
0xb0: {  	[tilespmem:v4+s12+$0x0] =	vst.idx.add.s32.msk vm4, v1;
	v4 =	vshra.s32 v11, $0x10;
	v11 =	vand.u32 $0xFFFF, v11;
	vm2 =	veq.s32 v12, v2  }
0xb1: {  	v10 =	vand.u32 $0xFFFF, v10;
	v12 =	vld [tilespmem:s28+$0xB0];
	v4 =	vadd.s32 $0x8000, v4;
	v13 =	vshra.s32 v6, $0x10  }
0xb2: {  	v6 =	vand.u32 $0xFFFF, v6;
	[tilespmem:v7+s12+$0x0] =	vst.idx.add.s32.msk vm1, v1;
	vm3 =	veq.s32 v4, v2;
	v4 =	vadd.s32 $0x8000, v13  }
0xb3: {  	[tilespmem:v9+s12+$0x0] =	vst.idx.add.s32.msk vm5, v1;
	v7 =	vshra.s32 v8, $0x10;
	v8 =	vand.u32 $0xFFFF, v8;
	vm4 =	veq.s32 v4, v2  }
0xb4: {  	[tilespmem:v5+s12+$0x0] =	vst.idx.add.s32.msk vm6, v1;
	v4 =	vadd.s32 $0x8000, v7  }
0xb5: {  	v5 =	vld [tilespmem:s28+$0x80];
	vm1 =	veq.s32 v4, v2  }
0xb6: {  	s0 =	sor.u32 $0x300, s21;
	v4 =	vshra.s32 v12, $0x10;
	[tilespmem:v10+s12+$0x0] =	vst.idx.add.s32.msk vm2, v1  }
0xb7: {  	v4 =	vadd.s32 $0x8000, v4;
	v7 =	vld [tilespmem:s0+$0x0]  }
0xb8: {  	v9 =	vld [tilespmem:s28+$0x90];
	vm2 =	veq.s32 v4, v2  }
0xb9: {  	v10 =	vand.u32 $0xFFFF, v12;
	v4 =	vld [tilespmem:s28+$0xA0]  }
0xba: {  	v12 =	vshra.s32 v5, $0x10;
	v5 =	vand.u32 $0xFFFF, v5;
	[tilespmem:v11+s12+$0x0] =	vst.idx.add.s32.msk vm3, v1  }
0xbb: {  	v11 =	vadd.s32 $0x8000, v12;
	[tilespmem:v6+s12+$0x0] =	vst.idx.add.s32.msk vm4, v1  }
0xbc: {  	vm3 =	veq.s32 v11, v2;
	v6 =	vld [tilespmem:s31+$0x0];
	v11 =	vshra.s32 v7, $0x10  }
0xbd: {  	v12 =	vshra.s32 v9, $0x10;
	v9 =	vand.u32 $0xFFFF, v9;
	v13 =	vld [tilespmem:s30+$0x0];
	v11 =	vadd.s32 $0x8000, v11  }
0xbe: {  	v12 =	vadd.s32 $0x8000, v12;
	v14 =	vshra.s32 v4, $0x10;
	[tilespmem:v10+s12+$0x0] =	vst.idx.add.s32.msk vm2, v1;
	vm2 =	veq.s32 v11, v2  }
0xbf: {  	v7 =	vand.u32 $0xFFFF, v7;
	vm4 =	veq.s32 v12, v2;
	v10 =	vadd.s32 $0x8000, v14;
	v11 =	vld [tilespmem:s28+$0x130]  }
0xc0: {  	v4 =	vand.u32 $0xFFFF, v4;
	vm5 =	veq.s32 v10, v2;
	[tilespmem:v8+s12+$0x0] =	vst.idx.add.s32.msk vm1, v1  }
0xc1: {  	v8 =	vld [tilespmem:s29+$0x0];
	v10 =	vshra.s32 v6, $0x10;
	v6 =	vand.u32 $0xFFFF, v6  }
0xc2: {  	[tilespmem:v5+s12+$0x0] =	vst.idx.add.s32.msk vm3, v1;
	v5 =	vadd.s32 $0x8000, v10;
	v10 =	vshra.s32 v13, $0x10;
	v12 =	vand.u32 $0xFFFF, v13  }
0xc3: {  	v13 =	vld [tilespmem:s28+$0x100];
	vm3 =	veq.s32 v5, v2;
	v5 =	vadd.s32 $0x8000, v10  }
0xc4: {  	s0 =	sor.u32 $0x380, s21;
	v10 =	vshra.s32 v11, $0x10;
	vm6 =	veq.s32 v5, v2;
	[tilespmem:v7+s12+$0x0] =	vst.idx.add.s32.msk vm2, v1  }
0xc5: {  	v5 =	vadd.s32 $0x8000, v10;
	v7 =	vld [tilespmem:s0+$0x0]  }
0xc6: {  	[tilespmem:v9+s12+$0x0] =	vst.idx.add.s32.msk vm4, v1;
	vm2 =	veq.s32 v5, v2;
	v5 =	vshra.s32 v8, $0x10;
	v8 =	vand.u32 $0xFFFF, v8  }
0xc7: {  	[tilespmem:v4+s12+$0x0] =	vst.idx.add.s32.msk vm5, v1;
	v4 =	vand.u32 $0xFFFF, v11;
	v5 =	vadd.s32 $0x8000, v5  }
0xc8: {  	v9 =	vshra.s32 v13, $0x10;
	v10 =	vand.u32 $0xFFFF, v13;
	v11 =	vld [tilespmem:s28+$0x110];
	vm1 =	veq.s32 v5, v2  }
0xc9: {  	v5 =	vadd.s32 $0x8000, v9;
	v9 =	vld [tilespmem:s28+$0x120]  }
0xca: {  	vm4 =	veq.s32 v5, v2;
	[tilespmem:v6+s12+$0x0] =	vst.idx.add.s32.msk vm3, v1;
	v5 =	vshra.s32 v7, $0x10  }
0xcb: {  	[tilespmem:v12+s12+$0x0] =	vst.idx.add.s32.msk vm6, v1;
	v5 =	vadd.s32 $0x8000, v5  }
0xcc: {  	[tilespmem:v4+s12+$0x0] =	vst.idx.add.s32.msk vm2, v1;
	vm2 =	veq.s32 v5, v2  }
0xcd: {  	v7 =	vand.u32 $0xFFFF, v7;
	v4 =	vshra.s32 v11, $0x10;
	v5 =	vand.u32 $0xFFFF, v11;
	v6 =	vld [tilespmem:s28+$0x1B0]  }
0xce: {  	v4 =	vadd.s32 $0x8000, v4;
	v11 =	vshra.s32 v9, $0x10;
	v9 =	vand.u32 $0xFFFF, v9;
	v12 =	vld [tilespmem:s25+$0x0]  }
0xcf: {  	vm3 =	veq.s32 v4, v2;
	v4 =	vadd.s32 $0x8000, v11;
	v11 =	vld [tilespmem:s23+$0x0]  }
0xd0: {  	[tilespmem:v10+s12+$0x0] =	vst.idx.add.s32.msk vm4, v1;
	vm5 =	veq.s32 v4, v2  }
0xd1: {  	v4 =	vld [tilespmem:s28+$0x180]  }
0xd2: {  	v10 =	vshra.s32 v6, $0x10;
	[tilespmem:v7+s12+$0x0] =	vst.idx.add.s32.msk vm2, v1  }
0xd3: {  	v7 =	vadd.s32 $0x8000, v10;
	[tilespmem:v8+s12+$0x0] =	vst.idx.add.s32.msk vm1, v1;
	v8 =	vshra.s32 v12, $0x10;
	v10 =	vand.u32 $0xFFFF, v12  }
0xd4: {  	p0 =	por !p0, !p0;
	s0 =	simm.s32 $0x1;
	vm4 =	veq.s32 v7, v2;
	v7 =	vld [tilespmem:s22+$0x0];
	v8 =	vadd.s32 $0x8000, v8;
	v12 =	vshra.s32 v11, $0x10  }
0xd5: {  	s0 =	simm.s32 @!p0 $0x0;
	[tilespmem:v5+s12+$0x0] =	vst.idx.add.s32.msk vm3, v1;
	v5 =	vand.u32 $0xFFFF, v6;
	vm1 =	veq.s32 v8, v2;
	v6 =	vadd.s32 $0x8000, v12  }
0xd6: {  	s0 =	sshll.u32 s0, $0x6;
	v8 =	vshra.s32 v4, $0x10;
	v12 =	vand.u32 $0xFFFF, v4;
	[tilespmem:v9+s12+$0x0] =	vst.idx.add.s32.msk vm5, v1;
	vm2 =	veq.s32 v6, v2  }
0xd7: {  	s3 =	sadd.s32 s0, s24;
	v4 =	vadd.s32 $0x8000, v8;
	v6 =	vld [tilespmem:s28+$0x190];
	v8 =	vand.u32 $0xFFFF, v11  }
0xd8: {  	s2 =	sadd.s32 $0x10, s3;
	vm3 =	veq.s32 v4, v2;
	v9 =	vld [tilespmem:s28+$0x1A0]  }
0xd9: {  	s21 =	sadd.s32 $0x30, s3;
	s8 =	sor.u32 $0x200, s2;
	s22 =	sadd.s32 $0x20, s3;
	v11 =	vshra.s32 v7, $0x10;
	v4 =	vand.u32 $0xFFFF, v7;
	[tilespmem:v3+s12+$0x0] =	vst.idx.add.s32.msk vm0, v1  }
0xda: {  	s0 =	sor.u32 $0x200, s21;
	s31 =	sor.u32 $0x280, s2;
	s1 =	sor.u32 $0x200, s22;
	[tilespmem:v5+s12+$0x0] =	vst.idx.add.s32.msk vm4, v1;
	v3 =	vadd.s32 $0x8000, v11  }
0xdb: {  	s25 =	sor.u32 $0x300, s2;
	s30 =	sor.u32 $0x280, s22;
	s28 =	sor.u32 $0x200, s3;
	v5 =	vld [tilespmem:s0+$0x0];
	vm0 =	veq.s32 v3, v2  }
.Ltmp1:
0xdc: {  	s23 =	sor.u32 $0x300, s22;
	s0 =	sor.u32 $0x280, s3;
	v3 =	vshra.s32 v6, $0x10;
	v7 =	vand.u32 $0xFFFF, v6;
	[tilespmem:v10+s12+$0x0] =	vst.idx.add.s32.msk vm1, v1;
	(pc) =	sbr.rel @p1 .LBB2_5-.Ltmp1, $4  }
0xdd: {  	s29 =	sor.u32 $0x300, s3;
	s6 =	sor.u32 $0x380, s2;
	s2 =	sor.u32 $0x380, s22;
	v3 =	vadd.s32 $0x8000, v3;
	v10 =	vshra.s32 v9, $0x10;
	v6 =	vand.u32 $0xFFFF, v9;
	[tilespmem:v8+s12+$0x0] =	vst.idx.add.s32.msk vm2, v1  }
0xde: {  	s22 =	sor.u32 $0x380, s3;
	[tilespmem:v12+s12+$0x0] =	vst.idx.add.s32.msk vm3, v1;
	vm2 =	veq.s32 v3, v2;
	v3 =	vadd.s32 $0x8000, v10  }
0xdf: {  	v8 =	vld [tilespmem:s28+$0x0];
	vm1 =	veq.s32 v3, v2  }
0xe0: {  	s26 =	sadd.s32 $0x40, s26;
	s24 =	sadd.s32 $0x200, s24;
	v9 =	vshra.s32 v5, $0x10;
	v3 =	vld [tilespmem:s19+$0x0];
	s19 =	smov.u32 s6  }
0xe1: {  	_ =	sdelay $0x4  }
0xe2: {  	[tilespmem:v7+s12+$0x0] =	vst.idx.add.s32.msk vm2, v1  }
0xe3: {  	[tilespmem:v6+s12+$0x0] =	vst.idx.add.s32.msk vm1, v1  }
0xe4: {  	v6 =	vld [tilespmem:s8+$0x0]  }
0xe5: {  	v7 =	vld [tilespmem:s1+$0x0]  }
0xe6: {  	v9 =	vadd.s32 $0x8000, v9  }
0xe7: {  	vm1 =	veq.s32 v9, v2;
	v9 =	vshra.s32 v8, $0x10  }
0xe8: {  	v5 =	vand.u32 $0xFFFF, v5;
	v9 =	vadd.s32 $0x8000, v9  }
0xe9: {  	vm2 =	veq.s32 v9, v2;
	v9 =	vshra.s32 v6, $0x10  }
0xea: {  	v8 =	vand.u32 $0xFFFF, v8;
	v10 =	vshra.s32 v7, $0x10;
	v9 =	vadd.s32 $0x8000, v9  }
0xeb: {  	vm3 =	veq.s32 v9, v2;
	v9 =	vadd.s32 $0x8000, v10  }
0xec: {  	v6 =	vand.u32 $0xFFFF, v6;
	vm4 =	veq.s32 v9, v2  }
0xed: {  	s24 =	sor.u32 $0x280, s21;
	[tilespmem:v5+s12+$0x0] =	vst.idx.add.s32.msk vm1, v1;
	v5 =	vand.u32 $0xFFFF, v7  }
0xee: {  	v7 =	vld [tilespmem:s24+$0x0]  }
0xef: {  	[tilespmem:v8+s12+$0x0] =	vst.idx.add.s32.msk vm2, v1  }
0xf0: {  	v8 =	vld [tilespmem:s0+$0x0]  }
0xf1: {  	[tilespmem:v6+s12+$0x0] =	vst.idx.add.s32.msk vm3, v1  }
0xf2: {  	[tilespmem:v5+s12+$0x0] =	vst.idx.add.s32.msk vm4, v1  }
0xf3: {  	v5 =	vld [tilespmem:s31+$0x0]  }
0xf4: {  	v6 =	vshra.s32 v7, $0x10;
	v9 =	vld [tilespmem:s30+$0x0]  }
0xf5: {  	v6 =	vadd.s32 $0x8000, v6  }
0xf6: {  	vm1 =	veq.s32 v6, v2;
	v6 =	vshra.s32 v8, $0x10  }
0xf7: {  	v7 =	vand.u32 $0xFFFF, v7;
	v6 =	vadd.s32 $0x8000, v6  }
0xf8: {  	vm2 =	veq.s32 v6, v2;
	v6 =	vshra.s32 v5, $0x10  }
0xf9: {  	v8 =	vand.u32 $0xFFFF, v8;
	v6 =	vadd.s32 $0x8000, v6;
	v10 =	vshra.s32 v9, $0x10  }
0xfa: {  	vm3 =	veq.s32 v6, v2;
	v6 =	vadd.s32 $0x8000, v10  }
0xfb: {  	v5 =	vand.u32 $0xFFFF, v5;
	vm12 =	veq.s32 v6, v2  }
0xfc: {  	s26 =	sor.u32 $0x300, s21;
	[tilespmem:v7+s12+$0x0] =	vst.idx.add.s32.msk vm1, v1;
	v6 =	vand.u32 $0xFFFF, v9  }
0xfd: {  	v7 =	vld [tilespmem:s26+$0x0]  }
0xfe: {  	[tilespmem:v8+s12+$0x0] =	vst.idx.add.s32.msk vm2, v1  }
0xff: {  	v8 =	vld [tilespmem:s29+$0x0]  }
0x100: {  	[tilespmem:v5+s12+$0x0] =	vst.idx.add.s32.msk vm3, v1  }
0x101: {  	[tilespmem:v6+s12+$0x0] =	vst.idx.add.s32.msk vm12, v1  }
0x102: {  	v5 =	vld [tilespmem:s25+$0x0]  }
0x103: {  	v6 =	vshra.s32 v7, $0x10;
	v9 =	vld [tilespmem:s23+$0x0]  }
0x104: {  	v6 =	vadd.s32 $0x8000, v6  }
0x105: {  	vm1 =	veq.s32 v6, v2;
	v6 =	vshra.s32 v8, $0x10  }
0x106: {  	v7 =	vand.u32 $0xFFFF, v7;
	v6 =	vadd.s32 $0x8000, v6  }
0x107: {  	vm2 =	veq.s32 v6, v2;
	v6 =	vshra.s32 v5, $0x10  }
0x108: {  	v8 =	vand.u32 $0xFFFF, v8;
	v6 =	vadd.s32 $0x8000, v6;
	v10 =	vshra.s32 v9, $0x10  }
0x109: {  	vm3 =	veq.s32 v6, v2;
	v6 =	vadd.s32 $0x8000, v10  }
0x10a: {  	v5 =	vand.u32 $0xFFFF, v5;
	v10 =	vld [tilespmem:s18+$0x0];
	vm13 =	veq.s32 v6, v2  }
0x10b: {  	s31 =	sor.u32 $0x380, s21;
	[tilespmem:v7+s12+$0x0] =	vst.idx.add.s32.msk vm1, v1;
	v6 =	vand.u32 $0xFFFF, v9  }
0x10c: {  	v7 =	vld [tilespmem:s31+$0x0]  }
0x10d: {  	[tilespmem:v8+s12+$0x0] =	vst.idx.add.s32.msk vm2, v1  }
0x10e: {  	v8 =	vld [tilespmem:s22+$0x0]  }
0x10f: {  	[tilespmem:v5+s12+$0x0] =	vst.idx.add.s32.msk vm3, v1  }
0x110: {  	[tilespmem:v6+s12+$0x0] =	vst.idx.add.s32.msk vm13, v1  }
0x111: {  	v5 =	vshra.s32 v3, $0x10;
	v6 =	vld [tilespmem:s19+$0x0]  }
0x112: {  	v11 =	vshra.s32 v10, $0x10;
	v5 =	vadd.s32 $0x8000, v5;
	v9 =	vld [tilespmem:s2+$0x0]  }
0x113: {  	v10 =	vand.u32 $0xFFFF, v10;
	vm1 =	veq.s32 v5, v2;
	v5 =	vshra.s32 v7, $0x10  }
0x114: {  	v3 =	vand.u32 $0xFFFF, v3;
	v11 =	vadd.s32 $0x8000, v11;
	v5 =	vadd.s32 $0x8000, v5  }
0x115: {  	vm2 =	veq.s32 v11, v2;
	vm3 =	veq.s32 v5, v2;
	v5 =	vshra.s32 v8, $0x10  }
0x116: {  	v7 =	vand.u32 $0xFFFF, v7;
	v5 =	vadd.s32 $0x8000, v5;
	v11 =	vshra.s32 v6, $0x10  }
0x117: {  	vm14 =	veq.s32 v5, v2;
	v5 =	vadd.s32 $0x8000, v11;
	v11 =	vshra.s32 v9, $0x10  }
0x118: {  	v8 =	vand.u32 $0xFFFF, v8;
	vm5 =	veq.s32 v5, v2;
	v5 =	vadd.s32 $0x8000, v11  }
0x119: {  	[tilespmem:v4+s12+$0x0] =	vst.idx.add.s32.msk vm0, v1;
	v4 =	vand.u32 $0xFFFF, v6;
	vm0 =	veq.s32 v5, v2  }
0x11a: {  	[tilespmem:v3+s12+$0x0] =	vst.idx.add.s32.msk vm1, v1;
	v3 =	vand.u32 $0xFFFF, v9  }
0x11b: {  	[tilespmem:v10+s12+$0x0] =	vst.idx.add.s32.msk vm2, v1  }
0x11c: {  	[tilespmem:v7+s12+$0x0] =	vst.idx.add.s32.msk vm3, v1  }
0x11d: {  	[tilespmem:v8+s12+$0x0] =	vst.idx.add.s32.msk vm14, v1  }
0x11e: {  	p0 =	seq.s32 s16, $0xF;
	[tilespmem:v4+s12+$0x0] =	vst.idx.add.s32.msk vm5, v1  }
0x11f: {  	s1 =	simm.s32 @!p0 $0x0;
	s0 =	sadd.s32 @!p0 s17, s5;
	[tilespmem:v3+s12+$0x0] =	vst.idx.add.s32.msk vm0, v1  }
0x120: {  	[tilespmem:s1], [sflag:$0x1] =	stream.linear.gather @!p0 [hbm4b:s0+s1], $0x4000, $0x38;
	[tilespmem:$0x18080] =	vst v63  }
0x121: {  	s1 =	simm.s32 $0x0;
	_ =	swait.ge [sflag:s13], $0x4000  }
0x122: {  	s2 =	sand.u32 $0x40, s1;
	s0 =	sand.u32 $0x3C00, s1;
	[sflag:s13] =	ssyncset.done $0x0  }
0x123: {  	s1 =	sor.u32 s2, s0;
	[sflag:s13] =	ssyncadd.s32 $0xFFFFC000  }
0x124: {  	v3 =	vld [tilespmem:s1+$0x4030];
	_ =	sdelay $0x4  }
0x125: {  	v4 =	vshra.s32 v3, $0x10  }
0x126: {  	v5 =	vld [tilespmem:s1+$0x4000];
	v4 =	vadd.s32 $0x8000, v4  }
0x127: {  	vm0 =	veq.s32 v4, v2  }
0x128: {  	v3 =	vand.u32 $0xFFFF, v3;
	_ =	sdelay $0x2  }
0x129: {  	v4 =	vshra.s32 v5, $0x10  }
0x12a: {  	v6 =	vld [tilespmem:s1+$0x4010];
	v4 =	vadd.s32 $0x8000, v4  }
0x12b: {  	vm1 =	veq.s32 v4, v2;
	[tilespmem:v3+s12+$0x0] =	vst.idx.add.s32.msk vm0, v1  }
0x12c: {  	v3 =	vand.u32 $0xFFFF, v5;
	v4 =	vld [tilespmem:s1+$0x40B0];
	_ =	sdelay $0x1  }
0x12d: {  	v5 =	vld [tilespmem:s1+$0x4020]  }
0x12e: {  	v7 =	vshra.s32 v6, $0x10  }
0x12f: {  	v7 =	vadd.s32 $0x8000, v7  }
0x130: {  	vm0 =	veq.s32 v7, v2;
	[tilespmem:v3+s12+$0x0] =	vst.idx.add.s32.msk vm1, v1;
	v3 =	vshra.s32 v4, $0x10  }
0x131: {  	v6 =	vand.u32 $0xFFFF, v6;
	v7 =	vld [tilespmem:s1+$0x4080];
	v3 =	vadd.s32 $0x8000, v3  }
0x132: {  	v8 =	vshra.s32 v5, $0x10;
	vm1 =	veq.s32 v3, v2  }
0x133: {  	v4 =	vand.u32 $0xFFFF, v4;
	v3 =	vadd.s32 $0x8000, v8  }
0x134: {  	vm2 =	veq.s32 v3, v2  }
0x135: {  	v3 =	vand.u32 $0xFFFF, v5  }
0x136: {  	[tilespmem:v6+s12+$0x0] =	vst.idx.add.s32.msk vm0, v1;
	v5 =	vshra.s32 v7, $0x10  }
0x137: {  	v6 =	vld [tilespmem:s1+$0x4090];
	v5 =	vadd.s32 $0x8000, v5  }
0x138: {  	vm0 =	veq.s32 v5, v2;
	[tilespmem:v4+s12+$0x0] =	vst.idx.add.s32.msk vm1, v1  }
0x139: {  	v4 =	vand.u32 $0xFFFF, v7;
	v5 =	vld [tilespmem:s1+$0x4130]  }
0x13a: {  	[tilespmem:v3+s12+$0x0] =	vst.idx.add.s32.msk vm2, v1  }
0x13b: {  	v3 =	vld [tilespmem:s1+$0x40A0]  }
0x13c: {  	v7 =	vshra.s32 v6, $0x10  }
0x13d: {  	v7 =	vadd.s32 $0x8000, v7  }
0x13e: {  	vm1 =	veq.s32 v7, v2;
	[tilespmem:v4+s12+$0x0] =	vst.idx.add.s32.msk vm0, v1;
	v4 =	vshra.s32 v5, $0x10  }
0x13f: {  	v6 =	vand.u32 $0xFFFF, v6;
	v7 =	vld [tilespmem:s1+$0x4100];
	v4 =	vadd.s32 $0x8000, v4  }
0x140: {  	v8 =	vshra.s32 v3, $0x10;
	vm0 =	veq.s32 v4, v2  }
0x141: {  	v5 =	vand.u32 $0xFFFF, v5;
	v4 =	vadd.s32 $0x8000, v8  }
0x142: {  	vm2 =	veq.s32 v4, v2  }
0x143: {  	v3 =	vand.u32 $0xFFFF, v3  }
0x144: {  	[tilespmem:v6+s12+$0x0] =	vst.idx.add.s32.msk vm1, v1;
	v4 =	vshra.s32 v7, $0x10  }
0x145: {  	v6 =	vld [tilespmem:s1+$0x4110];
	v4 =	vadd.s32 $0x8000, v4  }
0x146: {  	vm1 =	veq.s32 v4, v2;
	[tilespmem:v5+s12+$0x0] =	vst.idx.add.s32.msk vm0, v1  }
0x147: {  	v4 =	vand.u32 $0xFFFF, v7;
	v5 =	vld [tilespmem:s1+$0x41B0]  }
0x148: {  	[tilespmem:v3+s12+$0x0] =	vst.idx.add.s32.msk vm2, v1  }
0x149: {  	v3 =	vld [tilespmem:s1+$0x4120];
	_ =	sdelay $0x1  }
0x14a: {  	v7 =	vshra.s32 v6, $0x10  }
0x14b: {  	v7 =	vadd.s32 $0x8000, v7;
	[tilespmem:v4+s12+$0x0] =	vst.idx.add.s32.msk vm1, v1;
	v4 =	vshra.s32 v5, $0x10  }
0x14c: {  	vm0 =	veq.s32 v7, v2;
	v7 =	vld [tilespmem:s1+$0x4180];
	v4 =	vadd.s32 $0x8000, v4  }
0x14d: {  	v6 =	vand.u32 $0xFFFF, v6;
	v8 =	vshra.s32 v3, $0x10;
	vm1 =	veq.s32 v4, v2  }
0x14e: {  	p0 =	por $0x0, $0x0;
	s0 =	simm.s32 $0x1;
	v5 =	vand.u32 $0xFFFF, v5;
	v4 =	vadd.s32 $0x8000, v8  }
0x14f: {  	s0 =	simm.s32 @!p0 $0x0;
	vm2 =	veq.s32 v4, v2  }
0x150: {  	s0 =	sshll.u32 s0, $0x6;
	v3 =	vand.u32 $0xFFFF, v3  }
0x151: {  	s18 =	sadd.s32 $0x0, s0;
	v4 =	vshra.s32 v7, $0x10  }
0x152: {  	s0 =	sadd.s32 $0x30, s18;
	[tilespmem:v6+s12+$0x0] =	vst.idx.add.s32.msk vm0, v1;
	v4 =	vadd.s32 $0x8000, v4  }
0x153: {  	s3 =	sor.u32 $0x200, s0;
	vm0 =	veq.s32 v4, v2;
	[tilespmem:v5+s12+$0x0] =	vst.idx.add.s32.msk vm1, v1  }
0x154: {  	v4 =	vand.u32 $0xFFFF, v7;
	v5 =	vld [tilespmem:s3+$0x4000]  }
0x155: {  	[tilespmem:v3+s12+$0x0] =	vst.idx.add.s32.msk vm2, v1  }
0x156: {  	v3 =	vld [tilespmem:s1+$0x4190]  }
0x157: {  	v6 =	vld [tilespmem:s1+$0x41A0];
	_ =	sdelay $0x1  }
0x158: {  	s8 =	simm.s32 $0x200;
	s6 =	sor.u32 $0x200, s18;
	s3 =	simm.s32 $0x40;
	[tilespmem:v4+s12+$0x0] =	vst.idx.add.s32.msk vm0, v1;
	v4 =	vshra.s32 v5, $0x10  }
0x159: {  	s2 =	sand.u32 $0x3C00, s8;
	s17 =	sand.u32 $0x40, s3;
	v7 =	vld [tilespmem:s6+$0x4000];
	v4 =	vadd.s32 $0x8000, v4  }
0x15a: {  	s19 =	sor.u32 s17, s2;
	v8 =	vshra.s32 v3, $0x10;
	vm0 =	veq.s32 v4, v2  }
0x15b: {  	v9 =	vld [tilespmem:s19+$0x4030];
	v5 =	vand.u32 $0xFFFF, v5;
	v4 =	vadd.s32 $0x8000, v8;
	v8 =	vshra.s32 v6, $0x10  }
0x15c: {  	vm1 =	veq.s32 v4, v2;
	v4 =	vadd.s32 $0x8000, v8  }
0x15d: {  	v3 =	vand.u32 $0xFFFF, v3;
	vm2 =	veq.s32 v4, v2;
	v4 =	vld [tilespmem:s19+$0x4000]  }
0x15e: {  	v10 =	vld [tilespmem:s19+$0x4010];
	v6 =	vand.u32 $0xFFFF, v6;
	v8 =	vshra.s32 v7, $0x10  }
0x15f: {  	v11 =	vld [tilespmem:s19+$0x4020];
	v8 =	vadd.s32 $0x8000, v8  }
0x160: {  	s23 =	sor.u32 $0x280, s0;
	vm3 =	veq.s32 v8, v2;
	v8 =	vshra.s32 v9, $0x10;
	[tilespmem:v5+s12+$0x0] =	vst.idx.add.s32.msk vm0, v1  }
0x161: {  	v5 =	vand.u32 $0xFFFF, v7;
	v7 =	vadd.s32 $0x8000, v8;
	v8 =	vld [tilespmem:s23+$0x4000]  }
0x162: {  	s24 =	sadd.s32 $0x10, s18;
	[tilespmem:v3+s12+$0x0] =	vst.idx.add.s32.msk vm1, v1;
	v3 =	vshra.s32 v4, $0x10;
	vm0 =	veq.s32 v7, v2  }
0x163: {  	s21 =	sadd.s32 $0x20, s18;
	s25 =	sor.u32 $0x200, s24;
	v7 =	vshra.s32 v10, $0x10;
	v3 =	vadd.s32 $0x8000, v3;
	[tilespmem:v6+s12+$0x0] =	vst.idx.add.s32.msk vm2, v1;
	v6 =	vand.u32 $0xFFFF, v9  }
0x164: {  	s26 =	sor.u32 $0x200, s21;
	v7 =	vadd.s32 $0x8000, v7;
	v9 =	vshra.s32 v11, $0x10;
	v12 =	vld [tilespmem:s25+$0x4000];
	vm1 =	veq.s32 v3, v2  }
0x165: {  	v3 =	vand.u32 $0xFFFF, v4;
	vm2 =	veq.s32 v7, v2;
	v4 =	vadd.s32 $0x8000, v9;
	v7 =	vld [tilespmem:s26+$0x4000]  }
0x166: {  	s31 =	sor.u32 $0x280, s18;
	v9 =	vand.u32 $0xFFFF, v10;
	vm15 =	veq.s32 v4, v2;
	[tilespmem:v5+s12+$0x0] =	vst.idx.add.s32.msk vm3, v1;
	v4 =	vshra.s32 v8, $0x10  }
0x167: {  	v5 =	vand.u32 $0xFFFF, v11;
	v10 =	vld [tilespmem:s31+$0x4000];
	v4 =	vadd.s32 $0x8000, v4  }
0x168: {  	[tilespmem:v6+s12+$0x0] =	vst.idx.add.s32.msk vm0, v1;
	vm0 =	veq.s32 v4, v2  }
0x169: {  	v6 =	vand.u32 $0xFFFF, v8;
	v4 =	vld [tilespmem:s19+$0x40B0]  }
0x16a: {  	v8 =	vshra.s32 v12, $0x10;
	[tilespmem:v3+s12+$0x0] =	vst.idx.add.s32.msk vm1, v1  }
0x16b: {  	v3 =	vadd.s32 $0x8000, v8;
	v8 =	vshra.s32 v7, $0x10;
	[tilespmem:v9+s12+$0x0] =	vst.idx.add.s32.msk vm2, v1  }
0x16c: {  	vm1 =	veq.s32 v3, v2;
	v3 =	vadd.s32 $0x8000, v8;
	[tilespmem:v5+s12+$0x0] =	vst.idx.add.s32.msk vm15, v1  }
0x16d: {  	v5 =	vand.u32 $0xFFFF, v12;
	vm2 =	veq.s32 v3, v2;
	v3 =	vld [tilespmem:s19+$0x4080]  }
0x16e: {  	s2 =	sor.u32 $0x300, s0;
	v7 =	vand.u32 $0xFFFF, v7;
	v8 =	vshra.s32 v4, $0x10;
	[tilespmem:v6+s12+$0x0] =	vst.idx.add.s32.msk vm0, v1  }
0x16f: {  	v6 =	vadd.s32 $0x8000, v8;
	v8 =	vld [tilespmem:s2+$0x4000]  }
0x170: {  	v11 =	vld [tilespmem:s19+$0x4090];
	v9 =	vshra.s32 v10, $0x10;
	vm0 =	veq.s32 v6, v2  }
0x171: {  	v4 =	vand.u32 $0xFFFF, v4;
	v6 =	vadd.s32 $0x8000, v9;
	v9 =	vld [tilespmem:s19+$0x40A0]  }
0x172: {  	vm3 =	veq.s32 v6, v2;
	v6 =	vshra.s32 v3, $0x10;
	[tilespmem:v5+s12+$0x0] =	vst.idx.add.s32.msk vm1, v1  }
0x173: {  	s3 =	sor.u32 $0x280, s24;
	v5 =	vand.u32 $0xFFFF, v10;
	v6 =	vadd.s32 $0x8000, v6;
	[tilespmem:v7+s12+$0x0] =	vst.idx.add.s32.msk vm2, v1  }
0x174: {  	s6 =	sor.u32 $0x280, s21;
	vm1 =	veq.s32 v6, v2;
	v6 =	vld [tilespmem:s3+$0x4000];
	v7 =	vshra.s32 v8, $0x10  }
0x175: {  	v61 =	vshra.s32 v11, $0x10;
	v3 =	vand.u32 $0xFFFF, v3;
	v10 =	vld [tilespmem:s6+$0x4000];
	v7 =	vadd.s32 $0x8000, v7  }
0x176: {  	[tilespmem:v4+s12+$0x0] =	vst.idx.add.s32.msk vm0, v1;
	v4 =	vadd.s32 $0x8000, v61;
	vm0 =	veq.s32 v7, v2  }
0x177: {  	v8 =	vand.u32 $0xFFFF, v8;
	v7 =	vshra.s32 v9, $0x10;
	v62 =	vld [tilespmem:s19+$0x4130];
	vm2 =	veq.s32 v4, v2  }
0x178: {  	s8 =	sor.u32 $0x300, s18;
	[tilespmem:v5+s12+$0x0] =	vst.idx.add.s32.msk vm3, v1;
	v5 =	vand.u32 $0xFFFF, v11;
	v4 =	vadd.s32 $0x8000, v7  }
0x179: {  	vm3 =	veq.s32 v4, v2;
	v4 =	vld [tilespmem:s8+$0x4000]  }
0x17a: {  	v7 =	vand.u32 $0xFFFF, v9;
	v9 =	vshra.s32 v6, $0x10;
	[tilespmem:v3+s12+$0x0] =	vst.idx.add.s32.msk vm1, v1  }
0x17b: {  	v3 =	vadd.s32 $0x8000, v9;
	v9 =	vshra.s32 v10, $0x10;
	v11 =	vld [tilespmem:s19+$0x4100]  }
0x17c: {  	vm1 =	veq.s32 v3, v2;
	v3 =	vadd.s32 $0x8000, v9;
	v9 =	vshra.s32 v62, $0x10;
	[tilespmem:v8+s12+$0x0] =	vst.idx.add.s32.msk vm0, v1  }
0x17d: {  	s0 =	sor.u32 $0x380, s0;
	v6 =	vand.u32 $0xFFFF, v6;
	vm0 =	veq.s32 v3, v2;
	v3 =	vadd.s32 $0x8000, v9;
	[tilespmem:v5+s12+$0x0] =	vst.idx.add.s32.msk vm2, v1  }
0x17e: {  	v9 =	vand.u32 $0xFFFF, v10;
	v8 =	vld [tilespmem:s0+$0x4000];
	vm2 =	veq.s32 v3, v2  }
0x17f: {  	v3 =	vand.u32 $0xFFFF, v62;
	[tilespmem:v7+s12+$0x0] =	vst.idx.add.s32.msk vm3, v1  }
0x180: {  	v5 =	vshra.s32 v11, $0x10;
	v7 =	vld [tilespmem:s19+$0x4110]  }
0x181: {  	v5 =	vadd.s32 $0x8000, v5;
	v10 =	vld [tilespmem:s19+$0x4120]  }
0x182: {  	[tilespmem:v6+s12+$0x0] =	vst.idx.add.s32.msk vm1, v1;
	vm3 =	veq.s32 v5, v2  }
0x183: {  	v5 =	vand.u32 $0xFFFF, v11;
	v6 =	vshra.s32 v8, $0x10;
	[tilespmem:v9+s12+$0x0] =	vst.idx.add.s32.msk vm0, v1  }
0x184: {  	v9 =	vshra.s32 v4, $0x10;
	v6 =	vadd.s32 $0x8000, v6;
	[tilespmem:v3+s12+$0x0] =	vst.idx.add.s32.msk vm2, v1  }
0x185: {  	s20 =	sor.u32 $0x300, s24;
	v3 =	vadd.s32 $0x8000, v9;
	vm0 =	veq.s32 v6, v2;
	v6 =	vld [tilespmem:s19+$0x41B0]  }
0x186: {  	s22 =	sor.u32 $0x300, s21;
	v8 =	vand.u32 $0xFFFF, v8;
	v9 =	vld [tilespmem:s20+$0x4000];
	vm1 =	veq.s32 v3, v2;
	v3 =	vshra.s32 v7, $0x10  }
0x187: {  	v4 =	vand.u32 $0xFFFF, v4;
	v63 =	vld [tilespmem:s22+$0x4000];
	v11 =	vshra.s32 v10, $0x10;
	v3 =	vadd.s32 $0x8000, v3  }
0x188: {  	vm2 =	veq.s32 v3, v2;
	v3 =	vadd.s32 $0x8000, v11;
	[tilespmem:v5+s12+$0x0] =	vst.idx.add.s32.msk vm3, v1  }
0x189: {  	v5 =	vand.u32 $0xFFFF, v7;
	vm3 =	veq.s32 v3, v2;
	v3 =	vld [tilespmem:s19+$0x4180]  }
0x18a: {  	v7 =	vand.u32 $0xFFFF, v10;
	v10 =	vshra.s32 v6, $0x10  }
0x18b: {  	[tilespmem:v8+s12+$0x0] =	vst.idx.add.s32.msk vm0, v1;
	v8 =	vadd.s32 $0x8000, v10  }
0x18c: {  	s23 =	sor.u32 $0x380, s18;
	[tilespmem:v4+s12+$0x0] =	vst.idx.add.s32.msk vm1, v1;
	v4 =	vshra.s32 v9, $0x10;
	vm0 =	veq.s32 v8, v2  }
0x18d: {  	p0 =	por !p0, !p0;
	s0 =	simm.s32 $0x1;
	v6 =	vand.u32 $0xFFFF, v6;
	v10 =	vshra.s32 v63, $0x10;
	v8 =	vld [tilespmem:s23+$0x4000];
	v4 =	vadd.s32 $0x8000, v4  }
0x18e: {  	s0 =	simm.s32 @!p0 $0x0;
	[tilespmem:v5+s12+$0x0] =	vst.idx.add.s32.msk vm2, v1;
	vm1 =	veq.s32 v4, v2;
	v4 =	vadd.s32 $0x8000, v10;
	v5 =	vshra.s32 v3, $0x10  }
0x18f: {  	s0 =	sshll.u32 s0, $0x6;
	v9 =	vand.u32 $0xFFFF, v9;
	[tilespmem:v7+s12+$0x0] =	vst.idx.add.s32.msk vm3, v1;
	vm2 =	veq.s32 v4, v2;
	v4 =	vadd.s32 $0x8000, v5  }
0x190: {  	s3 =	sadd.s32 $0x200, s0;
	v10 =	vand.u32 $0xFFFF, v63;
	v7 =	vld [tilespmem:s19+$0x4190];
	vm3 =	veq.s32 v4, v2  }
0x191: {  	s20 =	sadd.s32 $0x30, s3;
	v3 =	vand.u32 $0xFFFF, v3;
	v11 =	vld [tilespmem:s19+$0x41A0]  }
0x192: {  	s6 =	sor.u32 $0x380, s24;
	s24 =	sor.u32 $0x200, s20;
	v4 =	vshra.s32 v8, $0x10;
	[tilespmem:v6+s12+$0x0] =	vst.idx.add.s32.msk vm0, v1  }
0x193: {  	s17 =	sor.u32 $0x380, s21;
	s25 =	sadd.s32 $0x10, s3;
	s26 =	sadd.s32 $0x20, s3;
	v6 =	vadd.s32 $0x8000, v4;
	v5 =	vld [tilespmem:s24+$0x4000]  }
0x194: {  	s31 =	sor.u32 $0x200, s3;
	s0 =	sor.u32 $0x280, s3;
	s28 =	sor.u32 $0x300, s3;
	[tilespmem:v9+s12+$0x0] =	vst.idx.add.s32.msk vm1, v1;
	vm0 =	veq.s32 v6, v2  }
0x195: {  	s21 =	sor.u32 $0x380, s3;
	s8 =	sor.u32 $0x200, s25;
	s1 =	sor.u32 $0x200, s26;
	v4 =	vand.u32 $0xFFFF, v8;
	[tilespmem:v10+s12+$0x0] =	vst.idx.add.s32.msk vm2, v1  }
0x196: {  	s30 =	sor.u32 $0x280, s25;
	s29 =	sor.u32 $0x280, s26;
	s18 =	sor.u32 $0x380, s25;
	v6 =	vshra.s32 v7, $0x10;
	v7 =	vand.u32 $0xFFFF, v7;
	v8 =	vshra.s32 v11, $0x10;
	[tilespmem:v3+s12+$0x0] =	vst.idx.add.s32.msk vm3, v1  }
0x197: {  	s2 =	sor.u32 $0x380, s26;
	s22 =	sor.u32 $0x300, s26;
	s23 =	simm.s32 $0x400;
	v3 =	vadd.s32 $0x8000, v6;
	v6 =	vand.u32 $0xFFFF, v11;
	v9 =	vadd.s32 $0x8000, v8;
	v8 =	vld [tilespmem:s31+$0x4000]  }
0x198: {  	s19 =	simm.s32 $0x4;
	s24 =	sor.u32 $0x300, s25;
	s25 =	simm.s32 $0x80;
	vm2 =	veq.s32 v3, v2;
	vm1 =	veq.s32 v9, v2;
	v3 =	vld [tilespmem:s6+$0x4000];
	v9 =	vshra.s32 v5, $0x10  }
.LBB2_7:
0x199: {  	s3 =	sand.u32 $0x40, s25;
	s6 =	sand.u32 $0x3C00, s23;
	s19 =	sadd.s32 $0x4, s19;
	v9 =	vadd.s32 $0x8000, v9;
	v10 =	vld [tilespmem:s17+$0x4000]  }
0x19a: {  	s17 =	smov.u32 s2;
	s26 =	sor.u32 s3, s6;
	p1 =	slt.u32 s19, $0x7C;
	vm4 =	veq.s32 v9, v2;
	[tilespmem:v4+s12+$0x0] =	vst.idx.add.s32.msk vm0, v1  }
0x19b: {  	v5 =	vand.u32 $0xFFFF, v5;
	v4 =	vld [tilespmem:s26+$0x4030]  }
0x19c: {  	v9 =	vld [tilespmem:s26+$0x4000];
	v11 =	vshra.s32 v8, $0x10;
	v8 =	vand.u32 $0xFFFF, v8  }
0x19d: {  	v12 =	vld [tilespmem:s26+$0x4010];
	v11 =	vadd.s32 $0x8000, v11;
	v13 =	vshra.s32 v3, $0x10;
	v14 =	vand.u32 $0xFFFF, v3  }
0x19e: {  	v15 =	vld [tilespmem:s26+$0x4020];
	vm3 =	veq.s32 v11, v2;
	v3 =	vadd.s32 $0x8000, v13;
	v11 =	vshra.s32 v10, $0x10  }
0x19f: {  	[tilespmem:v7+s12+$0x0] =	vst.idx.add.s32.msk vm2, v1;
	vm2 =	veq.s32 v3, v2;
	v7 =	vadd.s32 $0x8000, v11;
	v3 =	vand.u32 $0xFFFF, v10  }
0x1a0: {  	s2 =	sor.u32 $0x280, s20;
	v10 =	vshra.s32 v4, $0x10;
	[tilespmem:v5+s12+$0x0] =	vst.idx.add.s32.msk vm4, v1;
	vm0 =	veq.s32 v7, v2  }
0x1a1: {  	v5 =	vshra.s32 v9, $0x10;
	v7 =	vand.u32 $0xFFFF, v9;
	v9 =	vadd.s32 $0x8000, v10;
	v10 =	vld [tilespmem:s2+$0x4000]  }
0x1a2: {  	v5 =	vadd.s32 $0x8000, v5;
	v11 =	vshra.s32 v12, $0x10;
	vm4 =	veq.s32 v9, v2;
	[tilespmem:v6+s12+$0x0] =	vst.idx.add.s32.msk vm1, v1  }
0x1a3: {  	v4 =	vand.u32 $0xFFFF, v4;
	v6 =	vadd.s32 $0x8000, v11;
	v9 =	vshra.s32 v15, $0x10;
	v11 =	vld [tilespmem:s8+$0x4000]  }
0x1a4: {  	vm1 =	veq.s32 v5, v2;
	vm5 =	veq.s32 v6, v2;
	v5 =	vadd.s32 $0x8000, v9;
	v6 =	vld [tilespmem:s1+$0x4000]  }
0x1a5: {  	v9 =	vand.u32 $0xFFFF, v12;
	vm6 =	veq.s32 v5, v2;
	v5 =	vand.u32 $0xFFFF, v15;
	[tilespmem:v8+s12+$0x0] =	vst.idx.add.s32.msk vm3, v1  }
0x1a6: {  	v8 =	vld [tilespmem:s0+$0x4000];
	v12 =	vshra.s32 v10, $0x10  }
0x1a7: {  	v12 =	vadd.s32 $0x8000, v12;
	[tilespmem:v14+s12+$0x0] =	vst.idx.add.s32.msk vm2, v1  }
0x1a8: {  	[tilespmem:v4+s12+$0x0] =	vst.idx.add.s32.msk vm4, v1;
	v4 =	vshra.s32 v11, $0x10;
	v11 =	vand.u32 $0xFFFF, v11;
	vm2 =	veq.s32 v12, v2  }
0x1a9: {  	v10 =	vand.u32 $0xFFFF, v10;
	v12 =	vld [tilespmem:s26+$0x40B0];
	v4 =	vadd.s32 $0x8000, v4;
	v13 =	vshra.s32 v6, $0x10  }
0x1aa: {  	v6 =	vand.u32 $0xFFFF, v6;
	[tilespmem:v7+s12+$0x0] =	vst.idx.add.s32.msk vm1, v1;
	vm3 =	veq.s32 v4, v2;
	v4 =	vadd.s32 $0x8000, v13  }
0x1ab: {  	[tilespmem:v9+s12+$0x0] =	vst.idx.add.s32.msk vm5, v1;
	v7 =	vshra.s32 v8, $0x10;
	v8 =	vand.u32 $0xFFFF, v8;
	vm4 =	veq.s32 v4, v2  }
0x1ac: {  	[tilespmem:v5+s12+$0x0] =	vst.idx.add.s32.msk vm6, v1;
	v4 =	vadd.s32 $0x8000, v7  }
0x1ad: {  	v5 =	vld [tilespmem:s26+$0x4080];
	vm1 =	veq.s32 v4, v2  }
0x1ae: {  	s0 =	sor.u32 $0x300, s20;
	v4 =	vshra.s32 v12, $0x10;
	[tilespmem:v10+s12+$0x0] =	vst.idx.add.s32.msk vm2, v1  }
0x1af: {  	v4 =	vadd.s32 $0x8000, v4;
	v7 =	vld [tilespmem:s0+$0x4000]  }
0x1b0: {  	v9 =	vld [tilespmem:s26+$0x4090];
	vm2 =	veq.s32 v4, v2  }
0x1b1: {  	v10 =	vand.u32 $0xFFFF, v12;
	v4 =	vld [tilespmem:s26+$0x40A0]  }
0x1b2: {  	v12 =	vshra.s32 v5, $0x10;
	v5 =	vand.u32 $0xFFFF, v5;
	[tilespmem:v11+s12+$0x0] =	vst.idx.add.s32.msk vm3, v1  }
0x1b3: {  	v11 =	vadd.s32 $0x8000, v12;
	[tilespmem:v6+s12+$0x0] =	vst.idx.add.s32.msk vm4, v1  }
0x1b4: {  	vm3 =	veq.s32 v11, v2;
	v6 =	vld [tilespmem:s30+$0x4000];
	v11 =	vshra.s32 v7, $0x10  }
0x1b5: {  	v12 =	vshra.s32 v9, $0x10;
	v9 =	vand.u32 $0xFFFF, v9;
	v13 =	vld [tilespmem:s29+$0x4000];
	v11 =	vadd.s32 $0x8000, v11  }
0x1b6: {  	v12 =	vadd.s32 $0x8000, v12;
	v14 =	vshra.s32 v4, $0x10;
	[tilespmem:v10+s12+$0x0] =	vst.idx.add.s32.msk vm2, v1;
	vm2 =	veq.s32 v11, v2  }
0x1b7: {  	v7 =	vand.u32 $0xFFFF, v7;
	vm4 =	veq.s32 v12, v2;
	v10 =	vadd.s32 $0x8000, v14;
	v11 =	vld [tilespmem:s26+$0x4130]  }
0x1b8: {  	v4 =	vand.u32 $0xFFFF, v4;
	vm5 =	veq.s32 v10, v2;
	[tilespmem:v8+s12+$0x0] =	vst.idx.add.s32.msk vm1, v1  }
0x1b9: {  	v8 =	vld [tilespmem:s28+$0x4000];
	v10 =	vshra.s32 v6, $0x10;
	v6 =	vand.u32 $0xFFFF, v6  }
0x1ba: {  	[tilespmem:v5+s12+$0x0] =	vst.idx.add.s32.msk vm3, v1;
	v5 =	vadd.s32 $0x8000, v10;
	v10 =	vshra.s32 v13, $0x10;
	v12 =	vand.u32 $0xFFFF, v13  }
0x1bb: {  	v13 =	vld [tilespmem:s26+$0x4100];
	vm3 =	veq.s32 v5, v2;
	v5 =	vadd.s32 $0x8000, v10  }
0x1bc: {  	s0 =	sor.u32 $0x380, s20;
	v10 =	vshra.s32 v11, $0x10;
	vm6 =	veq.s32 v5, v2;
	[tilespmem:v7+s12+$0x0] =	vst.idx.add.s32.msk vm2, v1  }
0x1bd: {  	v5 =	vadd.s32 $0x8000, v10;
	v7 =	vld [tilespmem:s0+$0x4000]  }
0x1be: {  	[tilespmem:v9+s12+$0x0] =	vst.idx.add.s32.msk vm4, v1;
	vm2 =	veq.s32 v5, v2;
	v5 =	vshra.s32 v8, $0x10;
	v8 =	vand.u32 $0xFFFF, v8  }
0x1bf: {  	[tilespmem:v4+s12+$0x0] =	vst.idx.add.s32.msk vm5, v1;
	v4 =	vand.u32 $0xFFFF, v11;
	v5 =	vadd.s32 $0x8000, v5  }
0x1c0: {  	v9 =	vshra.s32 v13, $0x10;
	v10 =	vand.u32 $0xFFFF, v13;
	v11 =	vld [tilespmem:s26+$0x4110];
	vm1 =	veq.s32 v5, v2  }
0x1c1: {  	v5 =	vadd.s32 $0x8000, v9;
	v9 =	vld [tilespmem:s26+$0x4120]  }
0x1c2: {  	vm4 =	veq.s32 v5, v2;
	[tilespmem:v6+s12+$0x0] =	vst.idx.add.s32.msk vm3, v1;
	v5 =	vshra.s32 v7, $0x10  }
0x1c3: {  	[tilespmem:v12+s12+$0x0] =	vst.idx.add.s32.msk vm6, v1;
	v5 =	vadd.s32 $0x8000, v5  }
0x1c4: {  	[tilespmem:v4+s12+$0x0] =	vst.idx.add.s32.msk vm2, v1;
	vm2 =	veq.s32 v5, v2  }
0x1c5: {  	v7 =	vand.u32 $0xFFFF, v7;
	v4 =	vshra.s32 v11, $0x10;
	v5 =	vand.u32 $0xFFFF, v11;
	v6 =	vld [tilespmem:s26+$0x41B0]  }
0x1c6: {  	v4 =	vadd.s32 $0x8000, v4;
	v11 =	vshra.s32 v9, $0x10;
	v9 =	vand.u32 $0xFFFF, v9;
	v12 =	vld [tilespmem:s24+$0x4000]  }
0x1c7: {  	vm3 =	veq.s32 v4, v2;
	v4 =	vadd.s32 $0x8000, v11;
	v11 =	vld [tilespmem:s22+$0x4000]  }
0x1c8: {  	[tilespmem:v10+s12+$0x0] =	vst.idx.add.s32.msk vm4, v1;
	vm5 =	veq.s32 v4, v2  }
0x1c9: {  	v4 =	vld [tilespmem:s26+$0x4180]  }
0x1ca: {  	v10 =	vshra.s32 v6, $0x10;
	[tilespmem:v7+s12+$0x0] =	vst.idx.add.s32.msk vm2, v1  }
0x1cb: {  	v7 =	vadd.s32 $0x8000, v10;
	[tilespmem:v8+s12+$0x0] =	vst.idx.add.s32.msk vm1, v1;
	v8 =	vshra.s32 v12, $0x10;
	v10 =	vand.u32 $0xFFFF, v12  }
0x1cc: {  	p0 =	por !p0, !p0;
	s0 =	simm.s32 $0x1;
	vm4 =	veq.s32 v7, v2;
	v7 =	vld [tilespmem:s21+$0x4000];
	v8 =	vadd.s32 $0x8000, v8;
	v12 =	vshra.s32 v11, $0x10  }
0x1cd: {  	s0 =	simm.s32 @!p0 $0x0;
	[tilespmem:v5+s12+$0x0] =	vst.idx.add.s32.msk vm3, v1;
	v5 =	vand.u32 $0xFFFF, v6;
	vm1 =	veq.s32 v8, v2;
	v6 =	vadd.s32 $0x8000, v12  }
0x1ce: {  	s0 =	sshll.u32 s0, $0x6;
	v8 =	vshra.s32 v4, $0x10;
	v12 =	vand.u32 $0xFFFF, v4;
	[tilespmem:v9+s12+$0x0] =	vst.idx.add.s32.msk vm5, v1;
	vm2 =	veq.s32 v6, v2  }
0x1cf: {  	s3 =	sadd.s32 s0, s23;
	v4 =	vadd.s32 $0x8000, v8;
	v6 =	vld [tilespmem:s26+$0x4190];
	v8 =	vand.u32 $0xFFFF, v11  }
0x1d0: {  	s2 =	sadd.s32 $0x10, s3;
	vm3 =	veq.s32 v4, v2;
	v9 =	vld [tilespmem:s26+$0x41A0]  }
0x1d1: {  	s6 =	sadd.s32 $0x20, s3;
	s20 =	sadd.s32 $0x30, s3;
	s8 =	sor.u32 $0x200, s2;
	v11 =	vshra.s32 v7, $0x10;
	v4 =	vand.u32 $0xFFFF, v7;
	[tilespmem:v3+s12+$0x0] =	vst.idx.add.s32.msk vm0, v1  }
0x1d2: {  	s1 =	sor.u32 $0x200, s6;
	s0 =	sor.u32 $0x200, s20;
	s30 =	sor.u32 $0x280, s2;
	[tilespmem:v5+s12+$0x0] =	vst.idx.add.s32.msk vm4, v1;
	v3 =	vadd.s32 $0x8000, v11  }
0x1d3: {  	s29 =	sor.u32 $0x280, s6;
	s24 =	sor.u32 $0x300, s2;
	s26 =	sor.u32 $0x200, s3;
	v5 =	vld [tilespmem:s0+$0x4000];
	vm0 =	veq.s32 v3, v2  }
.Ltmp2:
0x1d4: {  	s22 =	sor.u32 $0x300, s6;
	s0 =	sor.u32 $0x280, s3;
	v3 =	vshra.s32 v6, $0x10;
	v7 =	vand.u32 $0xFFFF, v6;
	[tilespmem:v10+s12+$0x0] =	vst.idx.add.s32.msk vm1, v1;
	(pc) =	sbr.rel @p1 .LBB2_7-.Ltmp2, $4  }
0x1d5: {  	s28 =	sor.u32 $0x300, s3;
	s31 =	sor.u32 $0x380, s2;
	s2 =	sor.u32 $0x380, s6;
	v3 =	vadd.s32 $0x8000, v3;
	v10 =	vshra.s32 v9, $0x10;
	v6 =	vand.u32 $0xFFFF, v9;
	[tilespmem:v8+s12+$0x0] =	vst.idx.add.s32.msk vm2, v1  }
0x1d6: {  	s21 =	sor.u32 $0x380, s3;
	[tilespmem:v12+s12+$0x0] =	vst.idx.add.s32.msk vm3, v1;
	vm2 =	veq.s32 v3, v2;
	v3 =	vadd.s32 $0x8000, v10  }
0x1d7: {  	v8 =	vld [tilespmem:s26+$0x4000];
	vm1 =	veq.s32 v3, v2  }
0x1d8: {  	s25 =	sadd.s32 $0x40, s25;
	s23 =	sadd.s32 $0x200, s23;
	v9 =	vshra.s32 v5, $0x10;
	v3 =	vld [tilespmem:s18+$0x4000];
	s18 =	smov.u32 s31  }
0x1d9: {  	_ =	sdelay $0x4  }
0x1da: {  	[tilespmem:v7+s12+$0x0] =	vst.idx.add.s32.msk vm2, v1  }
0x1db: {  	[tilespmem:v6+s12+$0x0] =	vst.idx.add.s32.msk vm1, v1  }
0x1dc: {  	v29 =	vld [tilespmem:s8+$0x4000]  }
0x1dd: {  	v30 =	vld [tilespmem:s1+$0x4000]  }
0x1de: {  	v9 =	vadd.s32 $0x8000, v9  }
0x1df: {  	vm9 =	veq.s32 v9, v2;
	v31 =	vshra.s32 v8, $0x10  }
0x1e0: {  	v5 =	vand.u32 $0xFFFF, v5;
	v9 =	vadd.s32 $0x8000, v31  }
0x1e1: {  	vm10 =	veq.s32 v9, v2;
	v32 =	vshra.s32 v29, $0x10  }
0x1e2: {  	v33 =	vand.u32 $0xFFFF, v8;
	v10 =	vshra.s32 v30, $0x10;
	v9 =	vadd.s32 $0x8000, v32  }
0x1e3: {  	v34 =	vadd.s32 $0x8000, v10;
	vm3 =	veq.s32 v9, v2  }
0x1e4: {  	v6 =	vand.u32 $0xFFFF, v29;
	vm4 =	veq.s32 v34, v2  }
0x1e5: {  	s26 =	sor.u32 $0x280, s20;
	v35 =	vand.u32 $0xFFFF, v30;
	[tilespmem:v5+s12+$0x0] =	vst.idx.add.s32.msk vm9, v1  }
0x1e6: {  	v36 =	vld [tilespmem:s26+$0x4000]  }
0x1e7: {  	[tilespmem:v33+s12+$0x0] =	vst.idx.add.s32.msk vm10, v1  }
0x1e8: {  	v8 =	vld [tilespmem:s0+$0x4000]  }
0x1e9: {  	[tilespmem:v6+s12+$0x0] =	vst.idx.add.s32.msk vm3, v1  }
0x1ea: {  	[tilespmem:v35+s12+$0x0] =	vst.idx.add.s32.msk vm4, v1  }
0x1eb: {  	v37 =	vld [tilespmem:s30+$0x4000]  }
0x1ec: {  	v38 =	vshra.s32 v36, $0x10;
	v39 =	vld [tilespmem:s29+$0x4000]  }
0x1ed: {  	v6 =	vadd.s32 $0x8000, v38  }
0x1ee: {  	vm11 =	veq.s32 v6, v2;
	v40 =	vshra.s32 v8, $0x10  }
0x1ef: {  	v7 =	vand.u32 $0xFFFF, v36;
	v6 =	vadd.s32 $0x8000, v40  }
0x1f0: {  	vm12 =	veq.s32 v6, v2;
	v41 =	vshra.s32 v37, $0x10  }
0x1f1: {  	v8 =	vand.u32 $0xFFFF, v8;
	v42 =	vshra.s32 v39, $0x10;
	v6 =	vadd.s32 $0x8000, v41  }
0x1f2: {  	v43 =	vadd.s32 $0x8000, v42;
	vm13 =	veq.s32 v6, v2  }
0x1f3: {  	v5 =	vand.u32 $0xFFFF, v37;
	vm14 =	veq.s32 v43, v2  }
0x1f4: {  	s30 =	sor.u32 $0x300, s20;
	v44 =	vand.u32 $0xFFFF, v39;
	[tilespmem:v7+s12+$0x0] =	vst.idx.add.s32.msk vm11, v1  }
0x1f5: {  	v7 =	vld [tilespmem:s30+$0x4000]  }
0x1f6: {  	[tilespmem:v8+s12+$0x0] =	vst.idx.add.s32.msk vm12, v1  }
0x1f7: {  	v8 =	vld [tilespmem:s28+$0x4000]  }
0x1f8: {  	[tilespmem:v5+s12+$0x0] =	vst.idx.add.s32.msk vm13, v1  }
0x1f9: {  	[tilespmem:v44+s12+$0x0] =	vst.idx.add.s32.msk vm14, v1  }
0x1fa: {  	v5 =	vld [tilespmem:s24+$0x4000]  }
0x1fb: {  	v45 =	vshra.s32 v7, $0x10;
	v46 =	vld [tilespmem:s22+$0x4000]  }
0x1fc: {  	v6 =	vadd.s32 $0x8000, v45  }
0x1fd: {  	vm15 =	veq.s32 v6, v2;
	v47 =	vshra.s32 v8, $0x10  }
0x1fe: {  	v7 =	vand.u32 $0xFFFF, v7;
	v6 =	vadd.s32 $0x8000, v47  }
0x1ff: {  	vm8 =	veq.s32 v6, v2;
	v48 =	vshra.s32 v5, $0x10  }
0x200: {  	v8 =	vand.u32 $0xFFFF, v8;
	v49 =	vshra.s32 v46, $0x10;
	v6 =	vadd.s32 $0x8000, v48  }
0x201: {  	v50 =	vadd.s32 $0x8000, v49;
	vm9 =	veq.s32 v6, v2  }
0x202: {  	v51 =	vld [tilespmem:s17+$0x4000];
	v5 =	vand.u32 $0xFFFF, v5;
	vm10 =	veq.s32 v50, v2  }
0x203: {  	s31 =	sor.u32 $0x380, s20;
	v52 =	vand.u32 $0xFFFF, v46;
	[tilespmem:v7+s12+$0x0] =	vst.idx.add.s32.msk vm15, v1  }
0x204: {  	v7 =	vld [tilespmem:s31+$0x4000]  }
0x205: {  	[tilespmem:v8+s12+$0x0] =	vst.idx.add.s32.msk vm8, v1  }
0x206: {  	v8 =	vld [tilespmem:s21+$0x4000]  }
0x207: {  	[tilespmem:v5+s12+$0x0] =	vst.idx.add.s32.msk vm9, v1  }
0x208: {  	[tilespmem:v52+s12+$0x0] =	vst.idx.add.s32.msk vm10, v1  }
0x209: {  	v54 =	vld [tilespmem:s18+$0x4000]  }
0x20a: {  	v53 =	vshra.s32 v3, $0x10;
	v3 =	vand.u32 $0xFFFF, v3;
	v11 =	vshra.s32 v51, $0x10;
	v55 =	vld [tilespmem:s2+$0x4000]  }
0x20b: {  	v11 =	vadd.s32 $0x8000, v11;
	v10 =	vand.u32 $0xFFFF, v51;
	v5 =	vadd.s32 $0x8000, v53  }
0x20c: {  	vm12 =	veq.s32 v11, v2;
	v56 =	vshra.s32 v7, $0x10;
	vm11 =	veq.s32 v5, v2  }
0x20d: {  	v7 =	vand.u32 $0xFFFF, v7;
	v5 =	vadd.s32 $0x8000, v56;
	v57 =	vshra.s32 v8, $0x10  }
0x20e: {  	vm13 =	veq.s32 v5, v2;
	v5 =	vadd.s32 $0x8000, v57;
	v58 =	vshra.s32 v54, $0x10  }
0x20f: {  	vm14 =	veq.s32 v5, v2;
	v60 =	vshra.s32 v55, $0x10;
	v59 =	vadd.s32 $0x8000, v58  }
0x210: {  	v61 =	vand.u32 $0xFFFF, v8;
	v62 =	vadd.s32 $0x8000, v60;
	vm5 =	veq.s32 v59, v2  }
0x211: {  	[tilespmem:v4+s12+$0x0] =	vst.idx.add.s32.msk vm0, v1;
	s16 =	sadd.s32 $0x1, s16;
	v63 =	vand.u32 $0xFFFF, v54;
	vm15 =	veq.s32 v62, v2  }
0x212: {  	p0 =	sne.s32 s16, $0x10;
	[tilespmem:v3+s12+$0x0] =	vst.idx.add.s32.msk vm11, v1;
	v3 =	vand.u32 $0xFFFF, v55  }
.Ltmp3:
0x213: {  	[tilespmem:v10+s12+$0x0] =	vst.idx.add.s32.msk vm12, v1;
	(pc) =	sbr.rel @p0 .LBB2_4-.Ltmp3, $4  }
0x214: {  	[tilespmem:v7+s12+$0x0] =	vst.idx.add.s32.msk vm13, v1  }
0x215: {  	[tilespmem:v61+s12+$0x0] =	vst.idx.add.s32.msk vm14, v1  }
0x216: {  	[tilespmem:v63+s12+$0x0] =	vst.idx.add.s32.msk vm5, v1  }
0x217: {  	[tilespmem:v3+s12+$0x0] =	vst.idx.add.s32.msk vm15, v1  }
0x218: {  	s14 =	sadd.s32 $0x1, s14  }
0x219: {  	p0 =	sne.s32 s14, s7  }
.Ltmp4:
0x21a: {  	s0 =	simm.s32 $0x0;
	s1 =	rddreg [dreg:$0x4];
	(pc) =	sbr.rel @p0 .LBB2_1-.Ltmp4, $4  }
0x21b: {  	[hbm4b:s1+s0] =	stream.linear.scatter [tilespmem:s12], [sflag:$0x3], $0x10000, $0x38;
	[tilespmem:$0x18080] =	vst v63  }
0x21c: {  	_ =	swait.ge [sflag:s9], $0x10000  }
0x21d: {  	[sflag:s9] =	ssyncset.done $0x0  }
0x21e: {  	[sflag:s9] =	ssyncadd.s32 $0xFFFF0000  }
0x21f: {  	_ =	sfence.sel $0x180000  }
0x220: {  	[bflag:$0x0] =	sbarrier.arrive $0xFFFF  }
0x221: {  	_ =	strace $0x9000004A  }
0x222: {  	s0 =	stileid.u32;
	[bflag:$0x2] =	sbarrier.arrive $0xFFFF  }
0x223: {  	p0 =	sne.s32 s0, $0x0;
	s0 =	rddreg [dreg:$0x2]  }
0x224: {  	s0 =	sadd.s32 @!p0 $0x100000, s0  }
0x225: {  	[sflag:s0] =	ssyncadd.tile.s32 @!p0 $0x1;
	_ =	shalt  }
.Lfunc_end2:
_tile_overlayer_lowered:
.L_overlay_start_2:
0x226: {  	(tag) =	ssettag $0x2  }
0x227: {  	s0 =	rddreg [dreg:$0x0];
	s2 =	stileid.u32  }
0x228: {  	s1 =	rddreg [dreg:$0x1];
	p0 =	sne.s32 s2, $0x0  }
0x229: {  	s3 =	rddreg [dreg:$0x2];
	[bflag:$0x3] =	sbarrier.arrive $0xFFFF;
	s2 =	simm.s32 @!p0 $0x1C03  }
0x22a: {  	[timem:s3], [sflag:s2] =	dma.local @!p0 [hbm:s0], s1  }
0x22b: {  	s0 =	simm.s32 @!p0 $0x3  }
0x22c: {  	_ =	swait.ge @!p0 [sflag:s0], s1  }
0x22d: {  	s1 =	ssub.s32 @!p0 $0x0, s1;
	[sflag:s0] =	ssyncset.done @!p0 $0x0  }
0x22e: {  	[sflag:s0] =	ssyncadd.s32 @!p0 s1  }
0x22f: {  	[bflag:$0x3] =	sbarrier.arrive $0xFFFF  }
0x230: {  	_ =	shalt  }

// kernel: kernel.7.cloned.1.call-start
scs
__scs_entry_jumppad:
0x0: {  	(pc) =	sbr.rel $0x88, $3  }
0x1: {  	(tag) =	ssettag $0x0;
	lr =	simm.s32 $0x1  }
0x2: {  	[smem:$0x3F9F] =	sst lr;
	_ =	strace $0xD0000000  }
0x3: {  	_ = 	snop  }
0x4: {  	_ = 	snop  }
0x5: {  	_ = 	snop  }
0x6: {  	_ = 	snop  }
0x7: {  	_ = 	snop  }
__scs_overlays_trampoline_lowered:
0x8: {  	[smem:$0x3FAE] =	sst s0  }
0x9: {  	[smem:$0x3FAF] =	sst s1  }
0xa: {  	[smem:$0x3FB0] =	sst s2  }
0xb: {  	[smem:$0x3FB1] =	sst s3  }
0xc: {  	[smem:$0x3FB2] =	sst s4  }
0xd: {  	[smem:$0x3FB3] =	sst s5  }
0xe: {  	[smem:$0x3FB4] =	sst s6  }
0xf: {  	[smem:$0x3FB5] =	sst s7  }
0x10: {  	[smem:$0x3FB6] =	sst s8  }
0x11: {  	[smem:$0x3FB7] =	sst s9;
	s0 =	simm.s32 @!p0 $0x0  }
0x12: {  	s1 =	sld [smem:$0x3F9D];
	s0 =	simm.s32 @p0 $0x1  }
0x13: {  	[smem:$0x3FB8] =	sst s0;
	s0 =	simm.s32 @!p1 $0x0  }
0x14: {  	s2 =	sld [smem:$0x3F9C];
	s0 =	simm.s32 @p1 $0x1  }
0x15: {  	[smem:$0x3FB9] =	sst s0;
	s0 =	simm.s32 @!p2 $0x0  }
0x16: {  	s3 =	sld [smem:$0x3FDB];
	s0 =	simm.s32 @p2 $0x1  }
0x17: {  	s4 =	simm.s32 $0x1BF5;
	[smem:$0x3FBB] =	sst s0  }
0x18: {  	s0 =	sld [smem:$0x3F9E];
	_ =	swait.ge [sflag:s4], $0x0  }
0x19: {  	s7 =	sld [smem:$0x3F9F]  }
0x1a: {  	s8 =	sadd.s32 $0xFFFFE003, lr  }
0x1b: {  	s9 =	sadd.s32 $0xFFFFFEF7, lr;
	s5 =	simm.s32 $0xFFFFFFFF;
	p2 =	slt.u32 s8, $0xFFFFF086  }
0x1c: {  	p1 =	slt.u32 s9, $0xF7A;
	s5 =	simm.s32 @!p2 $0x0  }
0x1d: {  	s5 =	simm.s32 @p1 $0x1;
	p0 =	seq.s32 s7, s2  }
0x1e: {  	s7 =	smul.u32 @!p0 $0xF7A, s2;
	p2 =	seq.s32 @!p0 s5, $0x0  }
0x1f: {  	s9 =	smul.u32 $0xF7A, s1;
	s8 =	simm.s32 @!p0 $0x1BF5;
	p2 =	por !p2, p0  }
0x20: {  	[sflag:s8] =	ssyncset.s32 @!p0 $0xFFFFF086;
	s6 =	sadd.s32 @!p0 s3, s7;
	s7 =	simm.s32 @!p0 $0x108  }
0x21: {  	s3 =	sadd.s32 s3, s9;
	s6 =	sadd.s32 @!p0 $0x88, s6;
	s7 =	simm.s32 @p2 $0x1082  }
0x22: {  	[simem:s7], [sflag:s8] =	dma.local @!p0 [hbm:s6], $0xF7A  }
0x23: {  	s9 =	sor.u32 $0xD0000000, s2;
	s6 =	simm.s32 $0x108;
	_ =	swait.ge @!p0 [sflag:s8], $0x0  }
0x24: {  	s3 =	sadd.s32 $0x88, s3;
	s6 =	simm.s32 @!p1 $0x1082;
	[sflag:s4] =	ssyncset.s32 $0xFFFFF086  }
0x25: {  	[simem:s6], [sflag:s4] =	dma.local [hbm:s3], $0xF7A  }
0x26: {  	[smem:$0x3F9F] =	sst s1;
	(tag) =	ssettag s2;
	_ =	strace s9  }
0x27: {  	s1 =	sld [smem:$0x3FAF]  }
0x28: {  	s2 =	sld [smem:$0x3FB0]  }
0x29: {  	s4 =	sld [smem:$0x3FB2]  }
0x2a: {  	p0 =	seq.s32 s5, $0x0;
	s5 =	sld [smem:$0x3FB3]  }
0x2b: {  	s6 =	sld [smem:$0x3FB4]  }
0x2c: {  	s7 =	sld [smem:$0x3FB5]  }
0x2d: {  	s3 =	simm.s32 $0x108;
	s8 =	sld [smem:$0x3FB6]  }
0x2e: {  	s3 =	simm.s32 @!p0 $0x1082;
	s9 =	sld [smem:$0x3FB7]  }
0x2f: {  	lr =	sadd.s32 s0, s3;
	s0 =	sld [smem:$0x3FAE]  }
0x30: {  	s3 =	sld [smem:$0x3FB1]  }
0x31: {  	[smem:$0x3FBA] =	sst s10  }
0x32: {  	s10 =	sld [smem:$0x3FB8];
	_ =	sdelay $0x3  }
0x33: {  	p0 =	seq.s32 s10, $0x1;
	s10 =	sld [smem:$0x3FBA];
	_ =	sdelay $0x3  }
0x34: {  	[smem:$0x3FBA] =	sst s10  }
0x35: {  	s10 =	sld [smem:$0x3FB9];
	_ =	sdelay $0x3  }
0x36: {  	p1 =	seq.s32 s10, $0x1;
	s10 =	sld [smem:$0x3FBA];
	_ =	sdelay $0x3  }
0x37: {  	[smem:$0x3FBA] =	sst s10  }
0x38: {  	s10 =	sld [smem:$0x3FBB]  }
0x39: {  	_ = 	snop;
	(pc) =	sbr.ind lr, $3  }
0x3a: {  	_ = 	snop  }
0x3b: {  	_ = 	snop  }
0x3c: {  	p2 =	seq.s32 s10, $0x1;
	s10 =	sld [smem:$0x3FBA]  }
0x3d: {  	_ =	shalt  }
0x3e: {  	_ =	shalt  }
0x3f: {  	_ =	shalt  }
0x40: {  	_ =	shalt  }
0x41: {  	_ =	shalt  }
0x42: {  	_ =	shalt  }
0x43: {  	_ =	shalt  }
0x44: {  	_ =	shalt  }
0x45: {  	_ =	shalt  }
0x46: {  	_ =	shalt  }
0x47: {  	_ =	shalt  }
0x48: {  	_ =	shalt  }
0x49: {  	_ =	shalt  }
0x4a: {  	_ =	shalt  }
0x4b: {  	_ =	shalt  }
0x4c: {  	_ =	shalt  }
0x4d: {  	_ =	shalt  }
0x4e: {  	_ =	shalt  }
0x4f: {  	_ =	shalt  }
0x50: {  	_ =	shalt  }
0x51: {  	_ =	shalt  }
0x52: {  	_ =	shalt  }
0x53: {  	_ =	shalt  }
0x54: {  	_ =	shalt  }
0x55: {  	_ =	shalt  }
0x56: {  	_ =	shalt  }
0x57: {  	_ =	shalt  }
0x58: {  	_ =	shalt  }
0x59: {  	_ =	shalt  }
0x5a: {  	_ =	shalt  }
0x5b: {  	_ =	shalt  }
0x5c: {  	_ =	shalt  }
0x5d: {  	_ =	shalt  }
0x5e: {  	_ =	shalt  }
0x5f: {  	_ =	shalt  }
0x60: {  	_ =	shalt  }
0x61: {  	_ =	shalt  }
0x62: {  	_ =	shalt  }
0x63: {  	_ =	shalt  }
0x64: {  	_ =	shalt  }
0x65: {  	_ =	shalt  }
0x66: {  	_ =	shalt  }
0x67: {  	_ =	shalt  }
0x68: {  	_ =	shalt  }
0x69: {  	_ =	shalt  }
0x6a: {  	_ =	shalt  }
0x6b: {  	_ =	shalt  }
0x6c: {  	_ =	shalt  }
0x6d: {  	_ =	shalt  }
0x6e: {  	_ =	shalt  }
0x6f: {  	_ =	shalt  }
0x70: {  	_ =	shalt  }
0x71: {  	_ =	shalt  }
0x72: {  	_ =	shalt  }
0x73: {  	_ =	shalt  }
0x74: {  	_ =	shalt  }
0x75: {  	_ =	shalt  }
0x76: {  	_ =	shalt  }
0x77: {  	_ =	shalt  }
0x78: {  	_ =	shalt  }
0x79: {  	_ =	shalt  }
0x7a: {  	_ =	shalt  }
0x7b: {  	_ =	shalt  }
0x7c: {  	_ =	shalt  }
0x7d: {  	_ =	shalt  }
0x7e: {  	_ =	shalt  }
0x7f: {  	_ =	shalt  }
0x80: {  	_ =	shalt  }
0x81: {  	_ =	shalt  }
0x82: {  	_ =	shalt  }
0x83: {  	_ =	shalt  }
0x84: {  	_ =	shalt  }
0x85: {  	_ =	shalt  }
0x86: {  	_ =	shalt  }
0x87: {  	_ =	shalt  }
.Lfunc_end0:
.L_simem_size_0:
called_computation_lowered:
.L_overlay_start_0:
0x88: {  	s2 =	sld [smem:$0x3FD9]  }
0x89: {  	s3 =	sld [smem:$0x3FFE];
	_ =	sdelay $0x1  }
0x8a: {  	s1 =	srdreg.scid  }
0x8b: {  	s0 =	sand.u32 $0x1, s1  }
0x8c: {  	s17 =	sshll.u32 s0, $0xA;
	s2 =	sadd.s32 s3, s2  }
0x8d: {  	s2 =	sadd.s32 s2, s17  }
0x8e: {  	[smem:$0x3FC6] =	sst s2  }
0x8f: {  	_ = 	snop  }
0x90: {  	s2 =	sld [smem:$0x3FD0];
	(tm) =	ssettm $0x1  }
0x91: {  	s18 =	sld [smem:$0x3FFB];
	_ =	sdelay $0x3  }
0x92: {  	_ =	strace s18  }
0x93: {  	s3 =	sld [smem:$0x3FFC];
	_ =	sdelay $0x3  }
0x94: {  	_ =	strace s3  }
0x95: {  	s3 =	sld [smem:$0x3FFD];
	_ =	sdelay $0x3  }
0x96: {  	_ =	strace s3  }
0x97: {  	_ =	strace $0x8FFFFFFF  }
0x98: {  	s19 =	sld [smem:$0x3FDB];
	_ =	sdelay $0x1  }
0x99: {  	s4 =	simm.s32 $_scs_section_size  }
0x9a: {  	s5 =	simm.s32 $_size__tile_overlayer_lowered;
	s6 =	simm.s32 $_tile_overlayer_lowered  }
0x9b: {  	s22 =	simm.s32 $0x1BFF;
	s21 =	sshll.u32 s6, $0x1;
	s3 =	sadd.s32 s4, s19  }
0x9c: {  	s7 =	simm.s32 $0x0;
	s20 =	sshll.u32 s5, $0x1;
	s5 =	sadd.s32 s21, s3  }
0x9d: {  	[timem:s7], [sflag:s22] =	dma.local [hbm:s5], s20  }
0x9e: {  	_ =	swait.ge [sflag:s22], s20  }
0x9f: {  	s4 =	ssub.s32 $0x0, s20;
	[sflag:s22] =	ssyncset.done $0x0  }
0xa0: {  	[sflag:s22] =	ssyncadd.s32 s4;
	_ =	sdelay $0x1  }
0xa1: {  	s23 =	simm.s32 $0x1B8B  }
0xa2: {  	_ =	swait.ge [sflag:s23], $0x1  }
0xa3: {  	[sflag:s23] =	ssyncset.done $0x0  }
0xa4: {  	s25 =	simm.s32 $0x1B8E;
	s24 =	sld [smem:$0x3FFE];
	[sflag:s23] =	ssyncadd.s32 $0xFFFFFFFF  }
0xa5: {  	s26 =	simm.s32 $execute0_lowered;
	[smem:$0x3FD2] =	sst s25  }
0xa6: {  	s5 =	sshll.u32 s26, $0x1;
	_ =	strace $0x80000046;
	[dreg:$0x1] =	wrdreg $0xFFFFFFFF  }
0xa7: {  	s28 =	simm.s32 $_size_execute0_lowered;
	s3 =	sadd.s32 s3, s5;
	[dreg:$0x0] =	wrdreg $0x0  }
0xa8: {  	s5 =	sshll.u32 s28, $0x1;
	[dreg:$0x2] =	wrdreg s3  }
0xa9: {  	[dreg:$0x3] =	wrdreg s5  }
0xaa: {  	[dreg:$0x4] =	wrdreg $0xC0  }
0xab: {  	_ =	task [dreg:s7], $0x5FFFF  }
0xac: {  	[dreg:$0x1] =	wrdreg $0xFFFFFFFF  }
0xad: {  	[dreg:$0x0] =	wrdreg $0x60  }
0xae: {  	[dreg:$0x2] =	wrdreg s24  }
0xaf: {  	[dreg:$0x3] =	wrdreg s2  }
0xb0: {  	[dreg:$0x4] =	wrdreg $0x9  }
0xb1: {  	_ =	task.clear_ibuf [dreg:s7], $0x5FFFF;
	_ =	strace $0x90000046  }
0xb2: {  	s29 =	simm.s32 $0x9;
	_ =	strace $0x80000048  }
0xb3: {  	_ =	swait.ge [sflag:s29], $0x1  }
0xb4: {  	[sflag:s29] =	ssyncadd.s32 $0xFFFFFFFF  }
0xb5: {  	_ =	strace $0x90000048  }
0xb6: {  	_ =	sfence  }
0xb7: {  	s30 =	sld [smem:$0x0];
	_ =	sdelay $0x2  }
0xb8: {  	s31 =	sshll.u32 s1, $0xD;
	s1 =	sshrl.u32 s1, $0x2  }
0xb9: {  	s3 =	sand.u32 $0x4000, s31;
	s1 =	sadd.s32 s1, s30  }
0xba: {  	s0 =	sor.u32 s3, s0;
	s1 =	sshll.u32 s1, $0x11  }
0xbb: {  	s0 =	sor.u32 s1, s0  }
0xbc: {  	s0 =	sadd.s32 $0x8F2B, s0  }
0xbd: {  	[sflag:s0] =	ssyncadd.remote.s32 $0x1  }
0xbe: {  	_ =	sfence.sel $0xFFFF  }
0xbf: {  	[dreg:$0x0] =	wrdreg $0xFFFFFFFF;
	(pc) =	sbr.abs _section_cstart, $3  }
0xc0: {  	[dreg:$0x1] =	wrdreg $0xFFFFFFFF  }
0xc1: {  	_ =	task.clear_ibuf [dreg:s7], $0x2FFFF;
	_ =	strace $0x9FFFFFFF  }
0xc2: {  	(tm) =	ssettm $0x7FFFFFFF  }
0xc3: {  	_ =	shalt  }
tec
execute0_lowered:
.L_overlay_start_1:
0x0: {  	(tag) =	ssettag $0x1  }
0x1: {  	s3 =	rddreg [dreg:$0x0];
	s1 =	srdreg.scid  }
0x2: {  	s0 =	stileid.u32;
	s5 =	rddreg [dreg:$0x1];
	s30 =	simm.s32 $0x0  }
0x3: {  	s9 =	simm.s32 $0x8000;
	s10 =	simm.s32 $0x2;
	s11 =	simm.s32 $0x3  }
0x4: {  	s12 =	simm.s32 $0x0;
	s4 =	sand.u32 $0x1, s1;
	s6 =	sshll.u32 s0, $0x1  }
0x5: {  	[smem:$0x7FF] =	sst s30;
	s6 =	sor.u32 s4, s6;
	s4 =	ssub.s32 $0x2, s4  }
0x6: {  	_ =	strace $0x80000047;
	s7 =	sshll.u32 s6, $0x10;
	s31 =	sshrl.u32 s4, $0x1  }
0x7: {  	s6 =	sshll.u32 s6, $0xD;
	s7 =	sadd.s32 s7, s3;
	s8 =	ssub.s32 s4, s31  }
0x8: {  	s5 =	sadd.s32 s5, s6;
	s3 =	sadd.s32 $0xE00, s7;
	s4 =	sadd.s32 $0x1E00, s7  }
0x9: {  	v0 =	vimm.s32 $0x0;
	v1 =	vimm.s32 $0x1;
	s6 =	smax.u32 s8, $0x1;
	s7 =	simm.s32 $0x4000;
	s8 =	simm.s32 $0x1  }
.LBB2_1:
0xa: {  	s13 =	simm.s32 $0x0;
	s14 =	simm.s32 $0x200  }
.LBB2_2:
0xb: {  	p0 =	sne.s32 s14, $0x3FE00;
	[tilespmem:s13+$0x8070] =	vst v0  }
0xc: {  	[tilespmem:s13+$0x8000] =	vst v0  }
0xd: {  	[tilespmem:s13+$0x8010] =	vst v0  }
.Ltmp0:
0xe: {  	[tilespmem:s13+$0x8020] =	vst v0;
	(pc) =	sbr.rel @p0 .LBB2_2-.Ltmp0, $4  }
0xf: {  	[tilespmem:s13+$0x8030] =	vst v0  }
0x10: {  	[tilespmem:s13+$0x8040] =	vst v0  }
0x11: {  	[tilespmem:s13+$0x8050] =	vst v0  }
0x12: {  	[tilespmem:s13+$0x8060] =	vst v0;
	s13 =	sshra.s32 s14, $0x2;
	s14 =	sadd.s32 $0x200, s14  }
0x13: {  	[tilespmem:s13+$0x8070] =	vst v0  }
0x14: {  	[tilespmem:s13+$0x8000] =	vst v0  }
0x15: {  	[tilespmem:s13+$0x8010] =	vst v0  }
0x16: {  	[tilespmem:s13+$0x8020] =	vst v0  }
0x17: {  	[tilespmem:s13+$0x8030] =	vst v0  }
0x18: {  	[tilespmem:s13+$0x8040] =	vst v0  }
0x19: {  	[tilespmem:s13+$0x8050] =	vst v0  }
0x1a: {  	[tilespmem:s13+$0x8060] =	vst v0;
	s13 =	simm.s32 $0x0;
	s14 =	simm.s32 $0x0  }
0x1b: {  	[tilespmem:s13], [sflag:$0x1] =	stream.linear.gather [hbm4b:s3+s13], $0x4000, $0x38;
	[tilespmem:$0x18000] =	vst v63  }
.LBB2_4:
0x1c: {  	s15 =	sshll.u32 s14, $0xC  }
0x1d: {  	s16 =	sadd.s32 s15, s3  }
0x1e: {  	s16 =	sadd.s32 $0x800, s16  }
0x1f: {  	[tilespmem:s7], [sflag:$0x2] =	stream.linear.gather [hbm4b:s16+s13], $0x4000, $0x38;
	[tilespmem:$0x18000] =	vst v63  }
0x20: {  	_ =	swait.ge [sflag:s8], $0x4000  }
0x21: {  	s26 =	sand.u32 $0x40, s13;
	s17 =	sand.u32 $0x3C00, s13;
	[sflag:s8] =	ssyncset.done $0x0  }
0x22: {  	s16 =	sor.u32 s26, s17;
	[sflag:s8] =	ssyncadd.s32 $0xFFFFC000  }
0x23: {  	v2 =	vld [tilespmem:s16+$0x30];
	_ =	sdelay $0x4  }
0x24: {  	v3 =	vld [tilespmem:s16+$0x0];
	v2 =	vshra.s32 v2, $0x10  }
0x25: {  	v2 =	vadd.s32 $0x8000, v2;
	_ =	sdelay $0x1  }
0x26: {  	v4 =	vld [tilespmem:s16+$0x10];
	_ =	sdelay $0x1  }
0x27: {  	v5 =	vld [tilespmem:s16+$0x20];
	v3 =	vshra.s32 v3, $0x10  }
0x28: {  	v3 =	vadd.s32 $0x8000, v3;
	[tilespmem:v2+s9+$0x0] =	vst.idx.add.s32.msk $0xffff, v1  }
0x29: {  	v2 =	vld [tilespmem:s16+$0xB0]  }
0x2a: {  	v4 =	vshra.s32 v4, $0x10  }
0x2b: {  	v4 =	vadd.s32 $0x8000, v4  }
0x2c: {  	v5 =	vshra.s32 v5, $0x10  }
0x2d: {  	[tilespmem:v3+s9+$0x0] =	vst.idx.add.s32.msk $0xffff, v1;
	v3 =	vadd.s32 $0x8000, v5  }
0x2e: {  	v5 =	vld [tilespmem:s16+$0x80];
	v2 =	vshra.s32 v2, $0x10  }
0x2f: {  	v2 =	vadd.s32 $0x8000, v2  }
0x30: {  	[tilespmem:v4+s9+$0x0] =	vst.idx.add.s32.msk $0xffff, v1  }
0x31: {  	v4 =	vld [tilespmem:s16+$0x90]  }
0x32: {  	[tilespmem:v3+s9+$0x0] =	vst.idx.add.s32.msk $0xffff, v1  }
0x33: {  	v3 =	vshra.s32 v5, $0x10;
	v5 =	vld [tilespmem:s16+$0xA0]  }
0x34: {  	v3 =	vadd.s32 $0x8000, v3;
	[tilespmem:v2+s9+$0x0] =	vst.idx.add.s32.msk $0xffff, v1  }
0x35: {  	v2 =	vld [tilespmem:s16+$0x130]  }
0x36: {  	v4 =	vshra.s32 v4, $0x10  }
0x37: {  	v4 =	vadd.s32 $0x8000, v4  }
0x38: {  	v5 =	vshra.s32 v5, $0x10  }
0x39: {  	[tilespmem:v3+s9+$0x0] =	vst.idx.add.s32.msk $0xffff, v1;
	v3 =	vadd.s32 $0x8000, v5  }
0x3a: {  	v5 =	vld [tilespmem:s16+$0x100];
	v2 =	vshra.s32 v2, $0x10  }
0x3b: {  	v2 =	vadd.s32 $0x8000, v2  }
0x3c: {  	[tilespmem:v4+s9+$0x0] =	vst.idx.add.s32.msk $0xffff, v1  }
0x3d: {  	v4 =	vld [tilespmem:s16+$0x110]  }
0x3e: {  	[tilespmem:v3+s9+$0x0] =	vst.idx.add.s32.msk $0xffff, v1  }
0x3f: {  	v3 =	vshra.s32 v5, $0x10;
	v5 =	vld [tilespmem:s16+$0x120]  }
0x40: {  	v3 =	vadd.s32 $0x8000, v3;
	[tilespmem:v2+s9+$0x0] =	vst.idx.add.s32.msk $0xffff, v1  }
0x41: {  	v2 =	vld [tilespmem:s16+$0x1B0]  }
0x42: {  	v4 =	vshra.s32 v4, $0x10  }
0x43: {  	v4 =	vadd.s32 $0x8000, v4  }
0x44: {  	v5 =	vshra.s32 v5, $0x10  }
0x45: {  	[tilespmem:v3+s9+$0x0] =	vst.idx.add.s32.msk $0xffff, v1;
	v3 =	vadd.s32 $0x8000, v5  }
0x46: {  	v5 =	vld [tilespmem:s16+$0x180];
	v2 =	vshra.s32 v2, $0x10  }
0x47: {  	p0 =	por $0x0, $0x0;
	s17 =	simm.s32 $0x1;
	v2 =	vadd.s32 $0x8000, v2  }
0x48: {  	s17 =	simm.s32 @!p0 $0x0;
	[tilespmem:v4+s9+$0x0] =	vst.idx.add.s32.msk $0xffff, v1  }
0x49: {  	s17 =	sshll.u32 s17, $0x6;
	v4 =	vld [tilespmem:s16+$0x190]  }
0x4a: {  	s18 =	sadd.s32 $0x0, s17;
	[tilespmem:v3+s9+$0x0] =	vst.idx.add.s32.msk $0xffff, v1  }
0x4b: {  	s20 =	sadd.s32 $0x30, s18;
	v3 =	vshra.s32 v5, $0x10;
	v5 =	vld [tilespmem:s16+$0x1A0]  }
0x4c: {  	s28 =	sor.u32 $0x200, s20;
	v3 =	vadd.s32 $0x8000, v3;
	[tilespmem:v2+s9+$0x0] =	vst.idx.add.s32.msk $0xffff, v1  }
0x4d: {  	v2 =	vld [tilespmem:s28+$0x0]  }
0x4e: {  	v4 =	vshra.s32 v4, $0x10  }
0x4f: {  	v4 =	vadd.s32 $0x8000, v4  }
0x50: {  	v5 =	vshra.s32 v5, $0x10  }
0x51: {  	s31 =	sor.u32 $0x200, s18;
	[tilespmem:v3+s9+$0x0] =	vst.idx.add.s32.msk $0xffff, v1;
	v3 =	vadd.s32 $0x8000, v5  }
0x52: {  	v5 =	vld [tilespmem:s31+$0x0];
	v2 =	vshra.s32 v2, $0x10  }
0x53: {  	s16 =	sadd.s32 $0x10, s18;
	v2 =	vadd.s32 $0x8000, v2  }
0x54: {  	s0 =	sor.u32 $0x200, s16;
	[tilespmem:v4+s9+$0x0] =	vst.idx.add.s32.msk $0xffff, v1  }
0x55: {  	s17 =	sadd.s32 $0x20, s18;
	v4 =	vld [tilespmem:s0+$0x0]  }
0x56: {  	s1 =	sor.u32 $0x200, s17;
	[tilespmem:v3+s9+$0x0] =	vst.idx.add.s32.msk $0xffff, v1  }
0x57: {  	v3 =	vshra.s32 v5, $0x10;
	v5 =	vld [tilespmem:s1+$0x0]  }
0x58: {  	s19 =	sor.u32 $0x280, s20;
	v3 =	vadd.s32 $0x8000, v3;
	[tilespmem:v2+s9+$0x0] =	vst.idx.add.s32.msk $0xffff, v1  }
0x59: {  	s21 =	simm.s32 $0x200;
	s22 =	simm.s32 $0x40;
	v2 =	vld [tilespmem:s19+$0x0]  }
0x5a: {  	s2 =	sand.u32 $0x40, s22;
	s21 =	sand.u32 $0x3C00, s21  }
0x5b: {  	v4 =	vshra.s32 v4, $0x10;
	s19 =	sor.u32 s2, s21  }
0x5c: {  	v4 =	vadd.s32 $0x8000, v4;
	v6 =	vld [tilespmem:s19+$0x30]  }
0x5d: {  	v5 =	vshra.s32 v5, $0x10;
	[tilespmem:v3+s9+$0x0] =	vst.idx.add.s32.msk $0xffff, v1  }
0x5e: {  	v5 =	vadd.s32 $0x8000, v5;
	v7 =	vld [tilespmem:s19+$0x0];
	v2 =	vshra.s32 v2, $0x10  }
0x5f: {  	v8 =	vld [tilespmem:s19+$0x10];
	v2 =	vadd.s32 $0x8000, v2  }
0x60: {  	v9 =	vld [tilespmem:s19+$0x20]  }
0x61: {  	s22 =	sor.u32 $0x280, s18;
	[tilespmem:v4+s9+$0x0] =	vst.idx.add.s32.msk $0xffff, v1;
	v3 =	vshra.s32 v6, $0x10  }
0x62: {  	v4 =	vld [tilespmem:s22+$0x0];
	v3 =	vadd.s32 $0x8000, v3  }
0x63: {  	[tilespmem:v5+s9+$0x0] =	vst.idx.add.s32.msk $0xffff, v1;
	v6 =	vshra.s32 v7, $0x10  }
0x64: {  	s23 =	sor.u32 $0x300, s20;
	[tilespmem:v2+s9+$0x0] =	vst.idx.add.s32.msk $0xffff, v1;
	v2 =	vadd.s32 $0x8000, v6;
	v6 =	vshra.s32 v8, $0x10  }
0x65: {  	s24 =	sor.u32 $0x280, s16;
	v8 =	vshra.s32 v9, $0x10;
	v7 =	vld [tilespmem:s23+$0x0];
	v6 =	vadd.s32 $0x8000, v6  }
0x66: {  	v5 =	vadd.s32 $0x8000, v8;
	v8 =	vld [tilespmem:s24+$0x0]  }
0x67: {  	[tilespmem:v3+s9+$0x0] =	vst.idx.add.s32.msk $0xffff, v1  }
0x68: {  	v3 =	vld [tilespmem:s19+$0xB0]  }
0x69: {  	[tilespmem:v2+s9+$0x0] =	vst.idx.add.s32.msk $0xffff, v1  }
0x6a: {  	v4 =	vshra.s32 v4, $0x10;
	[tilespmem:v6+s9+$0x0] =	vst.idx.add.s32.msk $0xffff, v1  }
0x6b: {  	v4 =	vadd.s32 $0x8000, v4;
	v2 =	vshra.s32 v7, $0x10;
	[tilespmem:v5+s9+$0x0] =	vst.idx.add.s32.msk $0xffff, v1  }
0x6c: {  	v5 =	vld [tilespmem:s19+$0x80];
	v2 =	vadd.s32 $0x8000, v2  }
0x6d: {  	s25 =	sor.u32 $0x280, s17;
	v6 =	vld [tilespmem:s19+$0x90];
	v3 =	vshra.s32 v3, $0x10  }
0x6e: {  	v62 =	vld [tilespmem:s25+$0x0];
	v3 =	vadd.s32 $0x8000, v3  }
0x6f: {  	v7 =	vld [tilespmem:s19+$0xA0]  }
0x70: {  	[tilespmem:v4+s9+$0x0] =	vst.idx.add.s32.msk $0xffff, v1;
	v8 =	vshra.s32 v8, $0x10  }
0x71: {  	s20 =	sor.u32 $0x380, s20;
	v5 =	vshra.s32 v5, $0x10;
	[tilespmem:v2+s9+$0x0] =	vst.idx.add.s32.msk $0xffff, v1;
	v2 =	vadd.s32 $0x8000, v8  }
0x72: {  	v5 =	vadd.s32 $0x8000, v5;
	v6 =	vshra.s32 v6, $0x10;
	v8 =	vld [tilespmem:s20+$0x0]  }
0x73: {  	s26 =	sor.u32 $0x300, s18;
	v4 =	vadd.s32 $0x8000, v6;
	[tilespmem:v3+s9+$0x0] =	vst.idx.add.s32.msk $0xffff, v1  }
0x74: {  	v6 =	vshra.s32 v7, $0x10;
	v7 =	vld [tilespmem:s26+$0x0]  }
0x75: {  	v3 =	vadd.s32 $0x8000, v6;
	v6 =	vld [tilespmem:s19+$0x130]  }
0x76: {  	[tilespmem:v2+s9+$0x0] =	vst.idx.add.s32.msk $0xffff, v1  }
0x77: {  	[tilespmem:v5+s9+$0x0] =	vst.idx.add.s32.msk $0xffff, v1;
	v5 =	vshra.s32 v62, $0x10  }
0x78: {  	v2 =	vshra.s32 v8, $0x10;
	[tilespmem:v4+s9+$0x0] =	vst.idx.add.s32.msk $0xffff, v1;
	v4 =	vadd.s32 $0x8000, v5  }
0x79: {  	v2 =	vadd.s32 $0x8000, v2  }
0x7a: {  	[tilespmem:v3+s9+$0x0] =	vst.idx.add.s32.msk $0xffff, v1;
	v3 =	vshra.s32 v6, $0x10  }
0x7b: {  	v5 =	vld [tilespmem:s19+$0x100];
	v3 =	vadd.s32 $0x8000, v3  }
0x7c: {  	v6 =	vshra.s32 v7, $0x10;
	v7 =	vld [tilespmem:s19+$0x120]  }
0x7d: {  	[tilespmem:v4+s9+$0x0] =	vst.idx.add.s32.msk $0xffff, v1  }
0x7e: {  	[tilespmem:v2+s9+$0x0] =	vst.idx.add.s32.msk $0xffff, v1  }
0x7f: {  	v6 =	vadd.s32 $0x8000, v6;
	v2 =	vld [tilespmem:s19+$0x110]  }
0x80: {  	v4 =	vshra.s32 v5, $0x10;
	[tilespmem:v3+s9+$0x0] =	vst.idx.add.s32.msk $0xffff, v1  }
0x81: {  	s28 =	sor.u32 $0x300, s16;
	v3 =	vadd.s32 $0x8000, v4;
	v4 =	vld [tilespmem:s19+$0x1B0]  }
0x82: {  	s31 =	sor.u32 $0x300, s17;
	v5 =	vld [tilespmem:s28+$0x0]  }
0x83: {  	v8 =	vld [tilespmem:s31+$0x0];
	v7 =	vshra.s32 v7, $0x10  }
0x84: {  	s18 =	sor.u32 $0x380, s18;
	[tilespmem:v6+s9+$0x0] =	vst.idx.add.s32.msk $0xffff, v1;
	v7 =	vadd.s32 $0x8000, v7;
	v2 =	vshra.s32 v2, $0x10  }
0x85: {  	v6 =	vld [tilespmem:s18+$0x0];
	v2 =	vadd.s32 $0x8000, v2  }
0x86: {  	[tilespmem:v3+s9+$0x0] =	vst.idx.add.s32.msk $0xffff, v1;
	v3 =	vshra.s32 v4, $0x10  }
0x87: {  	p0 =	por !p0, !p0;
	s18 =	simm.s32 $0x1;
	v4 =	vld [tilespmem:s19+$0x180];
	v3 =	vadd.s32 $0x8000, v3  }
0x88: {  	s18 =	simm.s32 @!p0 $0x0  }
0x89: {  	v5 =	vshra.s32 v5, $0x10;
	s18 =	sshll.u32 s18, $0x6;
	[tilespmem:v7+s9+$0x0] =	vst.idx.add.s32.msk $0xffff, v1  }
0x8a: {  	s0 =	sadd.s32 $0x200, s18;
	[tilespmem:v2+s9+$0x0] =	vst.idx.add.s32.msk $0xffff, v1;
	v2 =	vadd.s32 $0x8000, v5;
	v5 =	vshra.s32 v8, $0x10  }
0x8b: {  	s21 =	sadd.s32 $0x30, s0;
	v5 =	vadd.s32 $0x8000, v5;
	v7 =	vld [tilespmem:s19+$0x190]  }
0x8c: {  	s1 =	sor.u32 $0x200, s21;
	v4 =	vshra.s32 v4, $0x10;
	[tilespmem:v3+s9+$0x0] =	vst.idx.add.s32.msk $0xffff, v1  }
0x8d: {  	v3 =	vadd.s32 $0x8000, v4;
	v4 =	vld [tilespmem:s1+$0x0]  }
0x8e: {  	v8 =	vld [tilespmem:s19+$0x1A0]  }
0x8f: {  	[tilespmem:v2+s9+$0x0] =	vst.idx.add.s32.msk $0xffff, v1  }
0x90: {  	s16 =	sor.u32 $0x380, s16;
	v6 =	vshra.s32 v6, $0x10;
	[tilespmem:v5+s9+$0x0] =	vst.idx.add.s32.msk $0xffff, v1  }
0x91: {  	v2 =	vadd.s32 $0x8000, v6;
	v6 =	vshra.s32 v7, $0x10;
	v7 =	vld [tilespmem:s16+$0x0]  }
0x92: {  	s17 =	sor.u32 $0x380, s17;
	v5 =	vadd.s32 $0x8000, v6;
	[tilespmem:v3+s9+$0x0] =	vst.idx.add.s32.msk $0xffff, v1;
	v3 =	vshra.s32 v4, $0x10  }
0x93: {  	v6 =	vshra.s32 v8, $0x10;
	v8 =	vld [tilespmem:s17+$0x0];
	v3 =	vadd.s32 $0x8000, v3  }
0x94: {  	s2 =	sor.u32 $0x200, s0  }
0x95: {  	v6 =	vadd.s32 $0x8000, v6;
	v63 =	vld [tilespmem:s2+$0x0]  }
0x96: {  	[tilespmem:v2+s9+$0x0] =	vst.idx.add.s32.msk $0xffff, v1  }
0x97: {  	s20 =	simm.s32 $0x80;
	s17 =	sadd.s32 $0x10, s0;
	v2 =	vshra.s32 v7, $0x10;
	[tilespmem:v5+s9+$0x0] =	vst.idx.add.s32.msk $0xffff, v1  }
0x98: {  	s18 =	simm.s32 $0x4;
	s23 =	sadd.s32 $0x20, s0;
	s25 =	sor.u32 $0x200, s17;
	v5 =	vshra.s32 v8, $0x10;
	[tilespmem:v3+s9+$0x0] =	vst.idx.add.s32.msk $0xffff, v1;
	v3 =	vadd.s32 $0x8000, v2  }
0x99: {  	s30 =	sor.u32 $0x280, s0;
	s28 =	sor.u32 $0x200, s23;
	s26 =	sor.u32 $0x280, s23;
	v4 =	vld [tilespmem:s25+$0x0];
	v2 =	vadd.s32 $0x8000, v5  }
0x9a: {  	s22 =	sor.u32 $0x300, s23;
	s31 =	sor.u32 $0x280, s21;
	s19 =	simm.s32 $0x400;
	[tilespmem:v6+s9+$0x0] =	vst.idx.add.s32.msk $0xffff, v1  }
0x9b: {  	s29 =	sor.u32 $0x280, s17;
	s24 =	sor.u32 $0x300, s17;
	s16 =	sor.u32 $0x380, s17;
	v7 =	vshra.s32 v63, $0x10;
	v6 =	vld [tilespmem:s31+$0x0]  }
0x9c: {  	s17 =	sor.u32 $0x380, s23;
	s23 =	sor.u32 $0x380, s0;
	s25 =	sor.u32 $0x300, s0;
	v5 =	vadd.s32 $0x8000, v7;
	v7 =	vld [tilespmem:s28+$0x0]  }
.LBB2_5:
0x9d: {  	s28 =	sand.u32 $0x40, s20;
	s31 =	sand.u32 $0x3C00, s19;
	s18 =	sadd.s32 $0x4, s18;
	[tilespmem:v3+s9+$0x0] =	vst.idx.add.s32.msk $0xffff, v1  }
0x9e: {  	s28 =	sor.u32 s28, s31;
	p1 =	slt.u32 s18, $0x7C;
	v3 =	vshra.s32 v4, $0x10;
	[tilespmem:v2+s9+$0x0] =	vst.idx.add.s32.msk $0xffff, v1  }
0x9f: {  	v2 =	vld [tilespmem:s28+$0x30];
	v3 =	vadd.s32 $0x8000, v3  }
0xa0: {  	v4 =	vld [tilespmem:s28+$0x0];
	v6 =	vshra.s32 v6, $0x10  }
0xa1: {  	v8 =	vld [tilespmem:s28+$0x10];
	v7 =	vshra.s32 v7, $0x10;
	v6 =	vadd.s32 $0x8000, v6  }
0xa2: {  	v9 =	vld [tilespmem:s28+$0x20];
	v7 =	vadd.s32 $0x8000, v7  }
0xa3: {  	[tilespmem:v5+s9+$0x0] =	vst.idx.add.s32.msk $0xffff, v1  }
0xa4: {  	v2 =	vshra.s32 v2, $0x10;
	[tilespmem:v3+s9+$0x0] =	vst.idx.add.s32.msk $0xffff, v1  }
0xa5: {  	v3 =	vshra.s32 v4, $0x10;
	v2 =	vadd.s32 $0x8000, v2;
	v4 =	vld [tilespmem:s30+$0x0]  }
0xa6: {  	s30 =	sor.u32 $0x300, s21;
	v3 =	vadd.s32 $0x8000, v3;
	v5 =	vshra.s32 v8, $0x10;
	[tilespmem:v6+s9+$0x0] =	vst.idx.add.s32.msk $0xffff, v1  }
0xa7: {  	v5 =	vadd.s32 $0x8000, v5;
	v6 =	vshra.s32 v9, $0x10;
	v8 =	vld [tilespmem:s30+$0x0]  }
0xa8: {  	v6 =	vadd.s32 $0x8000, v6;
	[tilespmem:v7+s9+$0x0] =	vst.idx.add.s32.msk $0xffff, v1  }
0xa9: {  	v7 =	vld [tilespmem:s29+$0x0]  }
0xaa: {  	[tilespmem:v2+s9+$0x0] =	vst.idx.add.s32.msk $0xffff, v1;
	v2 =	vshra.s32 v4, $0x10  }
0xab: {  	v4 =	vld [tilespmem:s28+$0xB0];
	v2 =	vadd.s32 $0x8000, v2  }
0xac: {  	[tilespmem:v3+s9+$0x0] =	vst.idx.add.s32.msk $0xffff, v1;
	v3 =	vshra.s32 v8, $0x10  }
0xad: {  	[tilespmem:v5+s9+$0x0] =	vst.idx.add.s32.msk $0xffff, v1;
	v3 =	vadd.s32 $0x8000, v3  }
0xae: {  	[tilespmem:v6+s9+$0x0] =	vst.idx.add.s32.msk $0xffff, v1;
	v5 =	vshra.s32 v7, $0x10  }
0xaf: {  	v6 =	vld [tilespmem:s28+$0x80];
	v5 =	vadd.s32 $0x8000, v5  }
0xb0: {  	v7 =	vld [tilespmem:s28+$0x90];
	v4 =	vshra.s32 v4, $0x10  }
0xb1: {  	v8 =	vld [tilespmem:s28+$0xA0];
	v4 =	vadd.s32 $0x8000, v4  }
0xb2: {  	s21 =	sor.u32 $0x380, s21;
	[tilespmem:v3+s9+$0x0] =	vst.idx.add.s32.msk $0xffff, v1  }
0xb3: {  	v3 =	vld [tilespmem:s21+$0x0]  }
0xb4: {  	v6 =	vshra.s32 v6, $0x10;
	v9 =	vld [tilespmem:s26+$0x0]  }
0xb5: {  	v6 =	vadd.s32 $0x8000, v6;
	v7 =	vshra.s32 v7, $0x10;
	[tilespmem:v2+s9+$0x0] =	vst.idx.add.s32.msk $0xffff, v1  }
0xb6: {  	v2 =	vadd.s32 $0x8000, v7;
	v7 =	vshra.s32 v8, $0x10;
	[tilespmem:v4+s9+$0x0] =	vst.idx.add.s32.msk $0xffff, v1  }
0xb7: {  	v4 =	vadd.s32 $0x8000, v7;
	v7 =	vld [tilespmem:s28+$0x130]  }
0xb8: {  	[tilespmem:v5+s9+$0x0] =	vst.idx.add.s32.msk $0xffff, v1;
	v3 =	vshra.s32 v3, $0x10  }
0xb9: {  	v5 =	vld [tilespmem:s25+$0x0];
	v8 =	vshra.s32 v9, $0x10;
	v3 =	vadd.s32 $0x8000, v3  }
0xba: {  	[tilespmem:v6+s9+$0x0] =	vst.idx.add.s32.msk $0xffff, v1;
	v6 =	vadd.s32 $0x8000, v8  }
0xbb: {  	[tilespmem:v2+s9+$0x0] =	vst.idx.add.s32.msk $0xffff, v1  }
0xbc: {  	[tilespmem:v4+s9+$0x0] =	vst.idx.add.s32.msk $0xffff, v1;
	v2 =	vshra.s32 v7, $0x10  }
0xbd: {  	v4 =	vld [tilespmem:s28+$0x100];
	v2 =	vadd.s32 $0x8000, v2  }
0xbe: {  	v5 =	vshra.s32 v5, $0x10;
	[tilespmem:v3+s9+$0x0] =	vst.idx.add.s32.msk $0xffff, v1  }
0xbf: {  	v3 =	vld [tilespmem:s28+$0x110];
	v5 =	vadd.s32 $0x8000, v5  }
0xc0: {  	v7 =	vld [tilespmem:s28+$0x120]  }
0xc1: {  	[tilespmem:v6+s9+$0x0] =	vst.idx.add.s32.msk $0xffff, v1  }
0xc2: {  	v4 =	vshra.s32 v4, $0x10;
	[tilespmem:v2+s9+$0x0] =	vst.idx.add.s32.msk $0xffff, v1  }
0xc3: {  	v2 =	vadd.s32 $0x8000, v4;
	v4 =	vld [tilespmem:s28+$0x1B0]  }
0xc4: {  	v3 =	vshra.s32 v3, $0x10;
	v6 =	vld [tilespmem:s24+$0x0]  }
0xc5: {  	v3 =	vadd.s32 $0x8000, v3;
	v7 =	vshra.s32 v7, $0x10;
	v8 =	vld [tilespmem:s22+$0x0]  }
0xc6: {  	v7 =	vadd.s32 $0x8000, v7;
	[tilespmem:v5+s9+$0x0] =	vst.idx.add.s32.msk $0xffff, v1  }
0xc7: {  	v5 =	vld [tilespmem:s23+$0x0]  }
0xc8: {  	[tilespmem:v2+s9+$0x0] =	vst.idx.add.s32.msk $0xffff, v1;
	v2 =	vshra.s32 v4, $0x10  }
0xc9: {  	p0 =	por !p0, !p0;
	s21 =	simm.s32 $0x1;
	v4 =	vld [tilespmem:s28+$0x180];
	v2 =	vadd.s32 $0x8000, v2;
	v6 =	vshra.s32 v6, $0x10  }
0xca: {  	s21 =	simm.s32 @!p0 $0x0;
	[tilespmem:v3+s9+$0x0] =	vst.idx.add.s32.msk $0xffff, v1;
	v3 =	vadd.s32 $0x8000, v6;
	v6 =	vshra.s32 v8, $0x10  }
0xcb: {  	s21 =	sshll.u32 s21, $0x6;
	[tilespmem:v7+s9+$0x0] =	vst.idx.add.s32.msk $0xffff, v1;
	v6 =	vadd.s32 $0x8000, v6  }
0xcc: {  	s23 =	sadd.s32 s21, s19;
	v7 =	vld [tilespmem:s28+$0x190];
	v5 =	vshra.s32 v5, $0x10  }
0xcd: {  	s31 =	sadd.s32 $0x10, s23;
	s21 =	sadd.s32 $0x30, s23;
	v8 =	vld [tilespmem:s28+$0x1A0];
	s28 =	sadd.s32 $0x20, s23;
	v5 =	vadd.s32 $0x8000, v5  }
0xce: {  	s1 =	sor.u32 $0x200, s31;
	s22 =	sor.u32 $0x200, s21;
	v4 =	vshra.s32 v4, $0x10;
	s0 =	sor.u32 $0x200, s28;
	[tilespmem:v2+s9+$0x0] =	vst.idx.add.s32.msk $0xffff, v1  }
0xcf: {  	s2 =	sor.u32 $0x200, s23;
	s29 =	sor.u32 $0x280, s31;
	s26 =	sor.u32 $0x280, s28;
	v2 =	vadd.s32 $0x8000, v4;
	v4 =	vld [tilespmem:s22+$0x0]  }
0xd0: {  	s30 =	sor.u32 $0x280, s23;
	s24 =	sor.u32 $0x300, s31;
	s22 =	sor.u32 $0x300, s28;
	[tilespmem:v3+s9+$0x0] =	vst.idx.add.s32.msk $0xffff, v1  }
0xd1: {  	s25 =	sor.u32 $0x300, s23;
	s31 =	sor.u32 $0x380, s31;
	s28 =	sor.u32 $0x380, s28;
	v3 =	vshra.s32 v7, $0x10;
	[tilespmem:v6+s9+$0x0] =	vst.idx.add.s32.msk $0xffff, v1  }
0xd2: {  	s23 =	sor.u32 $0x380, s23;
	v3 =	vadd.s32 $0x8000, v3;
	v6 =	vshra.s32 v8, $0x10;
	v7 =	vld [tilespmem:s16+$0x0];
	s16 =	smov.u32 s31  }
0xd3: {  	v6 =	vadd.s32 $0x8000, v6;
	v8 =	vld [tilespmem:s17+$0x0];
	s17 =	smov.u32 s28  }
0xd4: {  	[tilespmem:v2+s9+$0x0] =	vst.idx.add.s32.msk $0xffff, v1;
	v2 =	vshra.s32 v4, $0x10  }
0xd5: {  	v9 =	vld [tilespmem:s2+$0x0];
	v10 =	vadd.s32 $0x8000, v2  }
0xd6: {  	[tilespmem:v5+s9+$0x0] =	vst.idx.add.s32.msk $0xffff, v1  }
0xd7: {  	[tilespmem:v3+s9+$0x0] =	vst.idx.add.s32.msk $0xffff, v1;
	v2 =	vshra.s32 v7, $0x10  }
.Ltmp1:
0xd8: {  	[tilespmem:v6+s9+$0x0] =	vst.idx.add.s32.msk $0xffff, v1;
	v3 =	vadd.s32 $0x8000, v2;
	v2 =	vshra.s32 v8, $0x10;
	(pc) =	sbr.rel @p1 .LBB2_5-.Ltmp1, $4  }
0xd9: {  	v4 =	vld [tilespmem:s1+$0x0];
	v2 =	vadd.s32 $0x8000, v2  }
0xda: {  	s1 =	sor.u32 $0x280, s21;
	v5 =	vshra.s32 v9, $0x10;
	[tilespmem:v10+s9+$0x0] =	vst.idx.add.s32.msk $0xffff, v1  }
0xdb: {  	v5 =	vadd.s32 $0x8000, v5;
	v6 =	vld [tilespmem:s1+$0x0]  }
0xdc: {  	s20 =	sadd.s32 $0x40, s20;
	s19 =	sadd.s32 $0x200, s19;
	v7 =	vld [tilespmem:s0+$0x0]  }
0xdd: {  	_ = 	snop  }
0xde: {  	v4 =	vshra.s32 v4, $0x10  }
0xdf: {  	v4 =	vadd.s32 $0x8000, v4;
	_ =	sdelay $0x2  }
0xe0: {  	v7 =	vshra.s32 v7, $0x10  }
0xe1: {  	[tilespmem:v5+s9+$0x0] =	vst.idx.add.s32.msk $0xffff, v1;
	v7 =	vadd.s32 $0x8000, v7  }
0xe2: {  	[tilespmem:v4+s9+$0x0] =	vst.idx.add.s32.msk $0xffff, v1  }
0xe3: {  	v4 =	vld [tilespmem:s30+$0x0];
	_ =	sdelay $0x1  }
0xe4: {  	v5 =	vld [tilespmem:s29+$0x0]  }
0xe5: {  	v6 =	vshra.s32 v6, $0x10;
	[tilespmem:v7+s9+$0x0] =	vst.idx.add.s32.msk $0xffff, v1  }
0xe6: {  	v6 =	vadd.s32 $0x8000, v6;
	v7 =	vld [tilespmem:s26+$0x0]  }
0xe7: {  	v4 =	vshra.s32 v4, $0x10  }
0xe8: {  	v4 =	vadd.s32 $0x8000, v4  }
0xe9: {  	v5 =	vshra.s32 v5, $0x10  }
0xea: {  	v5 =	vadd.s32 $0x8000, v5  }
0xeb: {  	s0 =	sor.u32 $0x300, s21;
	[tilespmem:v6+s9+$0x0] =	vst.idx.add.s32.msk $0xffff, v1;
	v7 =	vshra.s32 v7, $0x10  }
0xec: {  	v6 =	vadd.s32 $0x8000, v7;
	v7 =	vld [tilespmem:s0+$0x0]  }
0xed: {  	[tilespmem:v4+s9+$0x0] =	vst.idx.add.s32.msk $0xffff, v1  }
0xee: {  	v4 =	vld [tilespmem:s25+$0x0]  }
0xef: {  	[tilespmem:v5+s9+$0x0] =	vst.idx.add.s32.msk $0xffff, v1  }
0xf0: {  	v5 =	vld [tilespmem:s24+$0x0]  }
0xf1: {  	[tilespmem:v6+s9+$0x0] =	vst.idx.add.s32.msk $0xffff, v1;
	v6 =	vshra.s32 v7, $0x10  }
0xf2: {  	v7 =	vld [tilespmem:s22+$0x0];
	v6 =	vadd.s32 $0x8000, v6  }
0xf3: {  	v4 =	vshra.s32 v4, $0x10  }
0xf4: {  	v4 =	vadd.s32 $0x8000, v4  }
0xf5: {  	v5 =	vshra.s32 v5, $0x10  }
0xf6: {  	v5 =	vadd.s32 $0x8000, v5  }
0xf7: {  	s21 =	sor.u32 $0x380, s21;
	v7 =	vshra.s32 v7, $0x10;
	[tilespmem:v6+s9+$0x0] =	vst.idx.add.s32.msk $0xffff, v1  }
0xf8: {  	v6 =	vadd.s32 $0x8000, v7;
	v7 =	vld [tilespmem:s21+$0x0]  }
0xf9: {  	[tilespmem:v4+s9+$0x0] =	vst.idx.add.s32.msk $0xffff, v1  }
0xfa: {  	v4 =	vld [tilespmem:s23+$0x0]  }
0xfb: {  	[tilespmem:v5+s9+$0x0] =	vst.idx.add.s32.msk $0xffff, v1  }
0xfc: {  	v5 =	vld [tilespmem:s16+$0x0]  }
0xfd: {  	[tilespmem:v6+s9+$0x0] =	vst.idx.add.s32.msk $0xffff, v1  }
0xfe: {  	v6 =	vld [tilespmem:s17+$0x0];
	_ =	sdelay $0x1  }
0xff: {  	v7 =	vshra.s32 v7, $0x10  }
0x100: {  	v7 =	vadd.s32 $0x8000, v7;
	v4 =	vshra.s32 v4, $0x10  }
0x101: {  	v4 =	vadd.s32 $0x8000, v4;
	v5 =	vshra.s32 v5, $0x10  }
0x102: {  	v5 =	vadd.s32 $0x8000, v5;
	v6 =	vshra.s32 v6, $0x10  }
0x103: {  	[tilespmem:v3+s9+$0x0] =	vst.idx.add.s32.msk $0xffff, v1;
	v3 =	vadd.s32 $0x8000, v6  }
0x104: {  	[tilespmem:v2+s9+$0x0] =	vst.idx.add.s32.msk $0xffff, v1  }
0x105: {  	[tilespmem:v7+s9+$0x0] =	vst.idx.add.s32.msk $0xffff, v1  }
0x106: {  	[tilespmem:v4+s9+$0x0] =	vst.idx.add.s32.msk $0xffff, v1  }
0x107: {  	p0 =	seq.s32 s14, $0xF;
	[tilespmem:v5+s9+$0x0] =	vst.idx.add.s32.msk $0xffff, v1  }
0x108: {  	s1 =	simm.s32 @!p0 $0x0;
	s0 =	sadd.s32 @!p0 s15, s4;
	[tilespmem:v3+s9+$0x0] =	vst.idx.add.s32.msk $0xffff, v1  }
0x109: {  	[tilespmem:s1], [sflag:$0x1] =	stream.linear.gather @!p0 [hbm4b:s0+s1], $0x4000, $0x38;
	[tilespmem:$0x18000] =	vst v63  }
0x10a: {  	s22 =	simm.s32 $0x0;
	_ =	swait.ge [sflag:s10], $0x4000  }
0x10b: {  	s23 =	sand.u32 $0x40, s22;
	s0 =	sand.u32 $0x3C00, s22;
	[sflag:s10] =	ssyncset.done $0x0  }
0x10c: {  	s24 =	sor.u32 s23, s0;
	[sflag:s10] =	ssyncadd.s32 $0xFFFFC000  }
0x10d: {  	v2 =	vld [tilespmem:s24+$0x4030];
	_ =	sdelay $0x4  }
0x10e: {  	v3 =	vld [tilespmem:s24+$0x4000];
	v2 =	vshra.s32 v2, $0x10  }
0x10f: {  	v2 =	vadd.s32 $0x8000, v2;
	_ =	sdelay $0x1  }
0x110: {  	v4 =	vld [tilespmem:s24+$0x4010];
	_ =	sdelay $0x1  }
0x111: {  	v5 =	vld [tilespmem:s24+$0x4020];
	v3 =	vshra.s32 v3, $0x10  }
0x112: {  	v3 =	vadd.s32 $0x8000, v3;
	[tilespmem:v2+s9+$0x0] =	vst.idx.add.s32.msk $0xffff, v1  }
0x113: {  	v2 =	vld [tilespmem:s24+$0x40B0]  }
0x114: {  	v4 =	vshra.s32 v4, $0x10  }
0x115: {  	v4 =	vadd.s32 $0x8000, v4  }
0x116: {  	v5 =	vshra.s32 v5, $0x10  }
0x117: {  	[tilespmem:v3+s9+$0x0] =	vst.idx.add.s32.msk $0xffff, v1;
	v3 =	vadd.s32 $0x8000, v5  }
0x118: {  	v5 =	vld [tilespmem:s24+$0x4080];
	v2 =	vshra.s32 v2, $0x10  }
0x119: {  	v2 =	vadd.s32 $0x8000, v2  }
0x11a: {  	[tilespmem:v4+s9+$0x0] =	vst.idx.add.s32.msk $0xffff, v1  }
0x11b: {  	v4 =	vld [tilespmem:s24+$0x4090]  }
0x11c: {  	[tilespmem:v3+s9+$0x0] =	vst.idx.add.s32.msk $0xffff, v1  }
0x11d: {  	v3 =	vshra.s32 v5, $0x10;
	v5 =	vld [tilespmem:s24+$0x40A0]  }
0x11e: {  	v3 =	vadd.s32 $0x8000, v3;
	[tilespmem:v2+s9+$0x0] =	vst.idx.add.s32.msk $0xffff, v1  }
0x11f: {  	v2 =	vld [tilespmem:s24+$0x4130]  }
0x120: {  	v4 =	vshra.s32 v4, $0x10  }
0x121: {  	v4 =	vadd.s32 $0x8000, v4  }
0x122: {  	v5 =	vshra.s32 v5, $0x10  }
0x123: {  	[tilespmem:v3+s9+$0x0] =	vst.idx.add.s32.msk $0xffff, v1;
	v3 =	vadd.s32 $0x8000, v5  }
0x124: {  	v5 =	vld [tilespmem:s24+$0x4100];
	v2 =	vshra.s32 v2, $0x10  }
0x125: {  	v2 =	vadd.s32 $0x8000, v2  }
0x126: {  	[tilespmem:v4+s9+$0x0] =	vst.idx.add.s32.msk $0xffff, v1  }
0x127: {  	v4 =	vld [tilespmem:s24+$0x4110]  }
0x128: {  	[tilespmem:v3+s9+$0x0] =	vst.idx.add.s32.msk $0xffff, v1  }
0x129: {  	v3 =	vshra.s32 v5, $0x10;
	v5 =	vld [tilespmem:s24+$0x4120]  }
0x12a: {  	v3 =	vadd.s32 $0x8000, v3;
	[tilespmem:v2+s9+$0x0] =	vst.idx.add.s32.msk $0xffff, v1  }
0x12b: {  	v2 =	vld [tilespmem:s24+$0x41B0]  }
0x12c: {  	v4 =	vshra.s32 v4, $0x10  }
0x12d: {  	v4 =	vadd.s32 $0x8000, v4  }
0x12e: {  	v5 =	vshra.s32 v5, $0x10  }
0x12f: {  	[tilespmem:v3+s9+$0x0] =	vst.idx.add.s32.msk $0xffff, v1;
	v3 =	vadd.s32 $0x8000, v5  }
0x130: {  	v5 =	vld [tilespmem:s24+$0x4180];
	v2 =	vshra.s32 v2, $0x10  }
0x131: {  	p0 =	por $0x0, $0x0;
	s0 =	simm.s32 $0x1;
	v2 =	vadd.s32 $0x8000, v2  }
0x132: {  	s0 =	simm.s32 @!p0 $0x0;
	[tilespmem:v4+s9+$0x0] =	vst.idx.add.s32.msk $0xffff, v1  }
0x133: {  	s0 =	sshll.u32 s0, $0x6;
	v4 =	vld [tilespmem:s24+$0x4190]  }
0x134: {  	s17 =	sadd.s32 $0x0, s0;
	[tilespmem:v3+s9+$0x0] =	vst.idx.add.s32.msk $0xffff, v1  }
0x135: {  	s19 =	sadd.s32 $0x30, s17;
	v3 =	vshra.s32 v5, $0x10;
	v5 =	vld [tilespmem:s24+$0x41A0]  }
0x136: {  	s25 =	sor.u32 $0x200, s19;
	v3 =	vadd.s32 $0x8000, v3;
	[tilespmem:v2+s9+$0x0] =	vst.idx.add.s32.msk $0xffff, v1  }
0x137: {  	v2 =	vld [tilespmem:s25+$0x4000]  }
0x138: {  	v4 =	vshra.s32 v4, $0x10  }
0x139: {  	v4 =	vadd.s32 $0x8000, v4  }
0x13a: {  	v5 =	vshra.s32 v5, $0x10  }
0x13b: {  	s26 =	sor.u32 $0x200, s17;
	[tilespmem:v3+s9+$0x0] =	vst.idx.add.s32.msk $0xffff, v1;
	v3 =	vadd.s32 $0x8000, v5  }
0x13c: {  	v5 =	vld [tilespmem:s26+$0x4000];
	v2 =	vshra.s32 v2, $0x10  }
0x13d: {  	s15 =	sadd.s32 $0x10, s17;
	v2 =	vadd.s32 $0x8000, v2  }
0x13e: {  	s30 =	sor.u32 $0x200, s15;
	[tilespmem:v4+s9+$0x0] =	vst.idx.add.s32.msk $0xffff, v1  }
0x13f: {  	s16 =	sadd.s32 $0x20, s17;
	v4 =	vld [tilespmem:s30+$0x4000]  }
0x140: {  	s1 =	sor.u32 $0x200, s16;
	[tilespmem:v3+s9+$0x0] =	vst.idx.add.s32.msk $0xffff, v1  }
0x141: {  	s18 =	simm.s32 $0x200;
	s2 =	simm.s32 $0x40;
	v3 =	vshra.s32 v5, $0x10;
	v5 =	vld [tilespmem:s1+$0x4000]  }
0x142: {  	s20 =	sand.u32 $0x40, s2;
	s31 =	sor.u32 $0x280, s19;
	s1 =	sand.u32 $0x3C00, s18;
	[tilespmem:v2+s9+$0x0] =	vst.idx.add.s32.msk $0xffff, v1  }
0x143: {  	s18 =	sor.u32 s20, s1;
	v2 =	vld [tilespmem:s31+$0x4000]  }
0x144: {  	v3 =	vadd.s32 $0x8000, v3;
	v6 =	vld [tilespmem:s18+$0x4030]  }
0x145: {  	v4 =	vshra.s32 v4, $0x10  }
0x146: {  	v4 =	vadd.s32 $0x8000, v4  }
0x147: {  	v7 =	vld [tilespmem:s18+$0x4000];
	v5 =	vshra.s32 v5, $0x10  }
0x148: {  	v8 =	vld [tilespmem:s18+$0x4010];
	v5 =	vadd.s32 $0x8000, v5;
	v2 =	vshra.s32 v2, $0x10  }
0x149: {  	[tilespmem:v3+s9+$0x0] =	vst.idx.add.s32.msk $0xffff, v1;
	v3 =	vshra.s32 v6, $0x10;
	v2 =	vadd.s32 $0x8000, v2  }
0x14a: {  	v9 =	vld [tilespmem:s18+$0x4020];
	v3 =	vadd.s32 $0x8000, v3  }
0x14b: {  	s21 =	sor.u32 $0x280, s17;
	[tilespmem:v4+s9+$0x0] =	vst.idx.add.s32.msk $0xffff, v1  }
0x14c: {  	v4 =	vld [tilespmem:s21+$0x4000]  }
0x14d: {  	v6 =	vshra.s32 v7, $0x10;
	[tilespmem:v5+s9+$0x0] =	vst.idx.add.s32.msk $0xffff, v1  }
0x14e: {  	[tilespmem:v2+s9+$0x0] =	vst.idx.add.s32.msk $0xffff, v1;
	v2 =	vadd.s32 $0x8000, v6;
	v6 =	vshra.s32 v8, $0x10  }
0x14f: {  	s22 =	sor.u32 $0x300, s19;
	[tilespmem:v3+s9+$0x0] =	vst.idx.add.s32.msk $0xffff, v1;
	v8 =	vshra.s32 v9, $0x10;
	v6 =	vadd.s32 $0x8000, v6  }
0x150: {  	v7 =	vld [tilespmem:s22+$0x4000];
	v5 =	vadd.s32 $0x8000, v8  }
0x151: {  	s23 =	sor.u32 $0x280, s15;
	v3 =	vld [tilespmem:s18+$0x40B0]  }
0x152: {  	v8 =	vld [tilespmem:s23+$0x4000]  }
0x153: {  	[tilespmem:v2+s9+$0x0] =	vst.idx.add.s32.msk $0xffff, v1  }
0x154: {  	v4 =	vshra.s32 v4, $0x10;
	[tilespmem:v6+s9+$0x0] =	vst.idx.add.s32.msk $0xffff, v1  }
0x155: {  	v4 =	vadd.s32 $0x8000, v4;
	v2 =	vshra.s32 v7, $0x10;
	[tilespmem:v5+s9+$0x0] =	vst.idx.add.s32.msk $0xffff, v1  }
0x156: {  	v3 =	vshra.s32 v3, $0x10;
	v5 =	vld [tilespmem:s18+$0x4080];
	v2 =	vadd.s32 $0x8000, v2  }
0x157: {  	s25 =	sor.u32 $0x280, s16;
	v3 =	vadd.s32 $0x8000, v3;
	v6 =	vld [tilespmem:s18+$0x4090]  }
0x158: {  	v62 =	vld [tilespmem:s25+$0x4000]  }
0x159: {  	v7 =	vld [tilespmem:s18+$0x40A0]  }
0x15a: {  	[tilespmem:v4+s9+$0x0] =	vst.idx.add.s32.msk $0xffff, v1;
	v8 =	vshra.s32 v8, $0x10  }
0x15b: {  	v5 =	vshra.s32 v5, $0x10;
	[tilespmem:v2+s9+$0x0] =	vst.idx.add.s32.msk $0xffff, v1;
	v2 =	vadd.s32 $0x8000, v8  }
0x15c: {  	s24 =	sor.u32 $0x380, s19;
	[tilespmem:v3+s9+$0x0] =	vst.idx.add.s32.msk $0xffff, v1;
	v5 =	vadd.s32 $0x8000, v5;
	v6 =	vshra.s32 v6, $0x10  }
0x15d: {  	s26 =	sor.u32 $0x300, s17;
	v8 =	vld [tilespmem:s24+$0x4000];
	v4 =	vadd.s32 $0x8000, v6  }
0x15e: {  	v6 =	vshra.s32 v7, $0x10;
	v7 =	vld [tilespmem:s26+$0x4000]  }
0x15f: {  	v3 =	vadd.s32 $0x8000, v6;
	v6 =	vld [tilespmem:s18+$0x4130]  }
0x160: {  	[tilespmem:v2+s9+$0x0] =	vst.idx.add.s32.msk $0xffff, v1  }
0x161: {  	[tilespmem:v5+s9+$0x0] =	vst.idx.add.s32.msk $0xffff, v1;
	v5 =	vshra.s32 v62, $0x10  }
0x162: {  	v2 =	vshra.s32 v8, $0x10;
	[tilespmem:v4+s9+$0x0] =	vst.idx.add.s32.msk $0xffff, v1;
	v4 =	vadd.s32 $0x8000, v5  }
0x163: {  	v2 =	vadd.s32 $0x8000, v2  }
0x164: {  	[tilespmem:v3+s9+$0x0] =	vst.idx.add.s32.msk $0xffff, v1;
	v3 =	vshra.s32 v6, $0x10  }
0x165: {  	v5 =	vld [tilespmem:s18+$0x4100];
	v3 =	vadd.s32 $0x8000, v3  }
0x166: {  	v6 =	vshra.s32 v7, $0x10;
	v7 =	vld [tilespmem:s18+$0x4120]  }
0x167: {  	[tilespmem:v4+s9+$0x0] =	vst.idx.add.s32.msk $0xffff, v1  }
0x168: {  	[tilespmem:v2+s9+$0x0] =	vst.idx.add.s32.msk $0xffff, v1  }
0x169: {  	v2 =	vld [tilespmem:s18+$0x4110]  }
0x16a: {  	v6 =	vadd.s32 $0x8000, v6;
	v4 =	vshra.s32 v5, $0x10;
	[tilespmem:v3+s9+$0x0] =	vst.idx.add.s32.msk $0xffff, v1  }
0x16b: {  	v3 =	vadd.s32 $0x8000, v4;
	v4 =	vld [tilespmem:s18+$0x41B0]  }
0x16c: {  	s30 =	sor.u32 $0x300, s15  }
0x16d: {  	s31 =	sor.u32 $0x300, s16;
	v5 =	vld [tilespmem:s30+$0x4000];
	v7 =	vshra.s32 v7, $0x10  }
0x16e: {  	v8 =	vld [tilespmem:s31+$0x4000];
	v7 =	vadd.s32 $0x8000, v7;
	v2 =	vshra.s32 v2, $0x10  }
0x16f: {  	[tilespmem:v6+s9+$0x0] =	vst.idx.add.s32.msk $0xffff, v1;
	v2 =	vadd.s32 $0x8000, v2  }
0x170: {  	[tilespmem:v3+s9+$0x0] =	vst.idx.add.s32.msk $0xffff, v1;
	v3 =	vshra.s32 v4, $0x10  }
0x171: {  	p0 =	por !p0, !p0;
	s0 =	simm.s32 $0x1;
	s1 =	sor.u32 $0x380, s17;
	v4 =	vld [tilespmem:s18+$0x4180];
	v3 =	vadd.s32 $0x8000, v3  }
0x172: {  	s0 =	simm.s32 @!p0 $0x0;
	v6 =	vld [tilespmem:s1+$0x4000]  }
0x173: {  	s0 =	sshll.u32 s0, $0x6;
	v5 =	vshra.s32 v5, $0x10;
	[tilespmem:v7+s9+$0x0] =	vst.idx.add.s32.msk $0xffff, v1  }
0x174: {  	s0 =	sadd.s32 $0x200, s0;
	[tilespmem:v2+s9+$0x0] =	vst.idx.add.s32.msk $0xffff, v1;
	v2 =	vadd.s32 $0x8000, v5;
	v5 =	vshra.s32 v8, $0x10  }
0x175: {  	s20 =	sadd.s32 $0x30, s0;
	v5 =	vadd.s32 $0x8000, v5;
	v7 =	vld [tilespmem:s18+$0x4190]  }
0x176: {  	s2 =	sor.u32 $0x200, s20;
	v4 =	vshra.s32 v4, $0x10;
	[tilespmem:v3+s9+$0x0] =	vst.idx.add.s32.msk $0xffff, v1  }
0x177: {  	v3 =	vadd.s32 $0x8000, v4;
	v4 =	vld [tilespmem:s2+$0x4000]  }
0x178: {  	v8 =	vld [tilespmem:s18+$0x41A0]  }
0x179: {  	[tilespmem:v2+s9+$0x0] =	vst.idx.add.s32.msk $0xffff, v1  }
0x17a: {  	s15 =	sor.u32 $0x380, s15;
	v6 =	vshra.s32 v6, $0x10;
	[tilespmem:v5+s9+$0x0] =	vst.idx.add.s32.msk $0xffff, v1  }
0x17b: {  	v2 =	vadd.s32 $0x8000, v6;
	v6 =	vshra.s32 v7, $0x10;
	v7 =	vld [tilespmem:s15+$0x4000]  }
0x17c: {  	s17 =	sor.u32 $0x380, s16;
	v5 =	vadd.s32 $0x8000, v6;
	[tilespmem:v3+s9+$0x0] =	vst.idx.add.s32.msk $0xffff, v1;
	v3 =	vshra.s32 v4, $0x10  }
0x17d: {  	v6 =	vshra.s32 v8, $0x10;
	v8 =	vld [tilespmem:s17+$0x4000];
	v3 =	vadd.s32 $0x8000, v3  }
0x17e: {  	s18 =	sor.u32 $0x200, s0  }
0x17f: {  	v6 =	vadd.s32 $0x8000, v6;
	v63 =	vld [tilespmem:s18+$0x4000]  }
0x180: {  	[tilespmem:v2+s9+$0x0] =	vst.idx.add.s32.msk $0xffff, v1  }
0x181: {  	s29 =	sor.u32 $0x280, s0;
	s19 =	sadd.s32 $0x10, s0;
	v2 =	vshra.s32 v7, $0x10;
	[tilespmem:v5+s9+$0x0] =	vst.idx.add.s32.msk $0xffff, v1  }
0x182: {  	s28 =	sor.u32 $0x280, s19;
	s22 =	sadd.s32 $0x20, s0;
	s26 =	sor.u32 $0x200, s19;
	v5 =	vshra.s32 v8, $0x10;
	[tilespmem:v3+s9+$0x0] =	vst.idx.add.s32.msk $0xffff, v1;
	v3 =	vadd.s32 $0x8000, v2  }
0x183: {  	s23 =	sor.u32 $0x300, s19;
	s25 =	sor.u32 $0x280, s22;
	s21 =	sor.u32 $0x300, s22;
	v4 =	vld [tilespmem:s26+$0x4000];
	v2 =	vadd.s32 $0x8000, v5  }
0x184: {  	s16 =	sor.u32 $0x380, s22;
	s24 =	sor.u32 $0x300, s0;
	s31 =	sor.u32 $0x280, s20;
	[tilespmem:v6+s9+$0x0] =	vst.idx.add.s32.msk $0xffff, v1  }
0x185: {  	s30 =	sor.u32 $0x200, s22;
	s22 =	sor.u32 $0x380, s0;
	s15 =	sor.u32 $0x380, s19;
	v7 =	vshra.s32 v63, $0x10;
	v6 =	vld [tilespmem:s31+$0x4000]  }
0x186: {  	s19 =	simm.s32 $0x80;
	s17 =	simm.s32 $0x4;
	s18 =	simm.s32 $0x400;
	v5 =	vadd.s32 $0x8000, v7;
	v7 =	vld [tilespmem:s30+$0x4000]  }
.LBB2_7:
0x187: {  	s0 =	sand.u32 $0x40, s19;
	s1 =	sand.u32 $0x3C00, s18;
	s17 =	sadd.s32 $0x4, s17;
	[tilespmem:v3+s9+$0x0] =	vst.idx.add.s32.msk $0xffff, v1  }
0x188: {  	s26 =	sor.u32 s0, s1;
	p1 =	slt.u32 s17, $0x7C;
	v3 =	vshra.s32 v4, $0x10;
	[tilespmem:v2+s9+$0x0] =	vst.idx.add.s32.msk $0xffff, v1  }
0x189: {  	v2 =	vld [tilespmem:s26+$0x4030];
	v3 =	vadd.s32 $0x8000, v3  }
0x18a: {  	v4 =	vld [tilespmem:s26+$0x4000];
	v6 =	vshra.s32 v6, $0x10  }
0x18b: {  	v8 =	vld [tilespmem:s26+$0x4010];
	v7 =	vshra.s32 v7, $0x10;
	v6 =	vadd.s32 $0x8000, v6  }
0x18c: {  	v9 =	vld [tilespmem:s26+$0x4020];
	v7 =	vadd.s32 $0x8000, v7  }
0x18d: {  	[tilespmem:v5+s9+$0x0] =	vst.idx.add.s32.msk $0xffff, v1  }
0x18e: {  	v2 =	vshra.s32 v2, $0x10;
	[tilespmem:v3+s9+$0x0] =	vst.idx.add.s32.msk $0xffff, v1  }
0x18f: {  	v3 =	vshra.s32 v4, $0x10;
	v2 =	vadd.s32 $0x8000, v2;
	v4 =	vld [tilespmem:s29+$0x4000]  }
0x190: {  	s0 =	sor.u32 $0x300, s20;
	v3 =	vadd.s32 $0x8000, v3;
	v5 =	vshra.s32 v8, $0x10;
	[tilespmem:v6+s9+$0x0] =	vst.idx.add.s32.msk $0xffff, v1  }
0x191: {  	v5 =	vadd.s32 $0x8000, v5;
	v6 =	vshra.s32 v9, $0x10;
	v8 =	vld [tilespmem:s0+$0x4000]  }
0x192: {  	v6 =	vadd.s32 $0x8000, v6;
	[tilespmem:v7+s9+$0x0] =	vst.idx.add.s32.msk $0xffff, v1  }
0x193: {  	v7 =	vld [tilespmem:s28+$0x4000]  }
0x194: {  	[tilespmem:v2+s9+$0x0] =	vst.idx.add.s32.msk $0xffff, v1;
	v2 =	vshra.s32 v4, $0x10  }
0x195: {  	v4 =	vld [tilespmem:s26+$0x40B0];
	v2 =	vadd.s32 $0x8000, v2  }
0x196: {  	[tilespmem:v3+s9+$0x0] =	vst.idx.add.s32.msk $0xffff, v1;
	v3 =	vshra.s32 v8, $0x10  }
0x197: {  	[tilespmem:v5+s9+$0x0] =	vst.idx.add.s32.msk $0xffff, v1;
	v3 =	vadd.s32 $0x8000, v3  }
0x198: {  	[tilespmem:v6+s9+$0x0] =	vst.idx.add.s32.msk $0xffff, v1;
	v5 =	vshra.s32 v7, $0x10  }
0x199: {  	v6 =	vld [tilespmem:s26+$0x4080];
	v5 =	vadd.s32 $0x8000, v5  }
0x19a: {  	v7 =	vld [tilespmem:s26+$0x4090];
	v4 =	vshra.s32 v4, $0x10  }
0x19b: {  	v8 =	vld [tilespmem:s26+$0x40A0];
	v4 =	vadd.s32 $0x8000, v4  }
0x19c: {  	s0 =	sor.u32 $0x380, s20;
	[tilespmem:v3+s9+$0x0] =	vst.idx.add.s32.msk $0xffff, v1  }
0x19d: {  	v3 =	vld [tilespmem:s0+$0x4000]  }
0x19e: {  	v6 =	vshra.s32 v6, $0x10;
	v9 =	vld [tilespmem:s25+$0x4000]  }
0x19f: {  	v6 =	vadd.s32 $0x8000, v6;
	v7 =	vshra.s32 v7, $0x10;
	[tilespmem:v2+s9+$0x0] =	vst.idx.add.s32.msk $0xffff, v1  }
0x1a0: {  	v2 =	vadd.s32 $0x8000, v7;
	v7 =	vshra.s32 v8, $0x10;
	[tilespmem:v4+s9+$0x0] =	vst.idx.add.s32.msk $0xffff, v1  }
0x1a1: {  	v4 =	vadd.s32 $0x8000, v7;
	v7 =	vld [tilespmem:s26+$0x4130]  }
0x1a2: {  	[tilespmem:v5+s9+$0x0] =	vst.idx.add.s32.msk $0xffff, v1;
	v3 =	vshra.s32 v3, $0x10  }
0x1a3: {  	v5 =	vld [tilespmem:s24+$0x4000];
	v8 =	vshra.s32 v9, $0x10;
	v3 =	vadd.s32 $0x8000, v3  }
0x1a4: {  	[tilespmem:v6+s9+$0x0] =	vst.idx.add.s32.msk $0xffff, v1;
	v6 =	vadd.s32 $0x8000, v8  }
0x1a5: {  	[tilespmem:v2+s9+$0x0] =	vst.idx.add.s32.msk $0xffff, v1  }
0x1a6: {  	[tilespmem:v4+s9+$0x0] =	vst.idx.add.s32.msk $0xffff, v1;
	v2 =	vshra.s32 v7, $0x10  }
0x1a7: {  	v4 =	vld [tilespmem:s26+$0x4100];
	v2 =	vadd.s32 $0x8000, v2  }
0x1a8: {  	v5 =	vshra.s32 v5, $0x10;
	[tilespmem:v3+s9+$0x0] =	vst.idx.add.s32.msk $0xffff, v1  }
0x1a9: {  	v3 =	vld [tilespmem:s26+$0x4110];
	v5 =	vadd.s32 $0x8000, v5  }
0x1aa: {  	v7 =	vld [tilespmem:s26+$0x4120]  }
0x1ab: {  	[tilespmem:v6+s9+$0x0] =	vst.idx.add.s32.msk $0xffff, v1  }
0x1ac: {  	v4 =	vshra.s32 v4, $0x10;
	[tilespmem:v2+s9+$0x0] =	vst.idx.add.s32.msk $0xffff, v1  }
0x1ad: {  	v2 =	vadd.s32 $0x8000, v4;
	v4 =	vld [tilespmem:s26+$0x41B0]  }
0x1ae: {  	v3 =	vshra.s32 v3, $0x10;
	v6 =	vld [tilespmem:s23+$0x4000]  }
0x1af: {  	v3 =	vadd.s32 $0x8000, v3;
	v7 =	vshra.s32 v7, $0x10;
	v8 =	vld [tilespmem:s21+$0x4000]  }
0x1b0: {  	v7 =	vadd.s32 $0x8000, v7;
	[tilespmem:v5+s9+$0x0] =	vst.idx.add.s32.msk $0xffff, v1  }
0x1b1: {  	v5 =	vld [tilespmem:s22+$0x4000]  }
0x1b2: {  	[tilespmem:v2+s9+$0x0] =	vst.idx.add.s32.msk $0xffff, v1;
	v2 =	vshra.s32 v4, $0x10  }
0x1b3: {  	p0 =	por !p0, !p0;
	s0 =	simm.s32 $0x1;
	v4 =	vld [tilespmem:s26+$0x4180];
	v2 =	vadd.s32 $0x8000, v2;
	v6 =	vshra.s32 v6, $0x10  }
0x1b4: {  	s0 =	simm.s32 @!p0 $0x0;
	[tilespmem:v3+s9+$0x0] =	vst.idx.add.s32.msk $0xffff, v1;
	v3 =	vadd.s32 $0x8000, v6;
	v6 =	vshra.s32 v8, $0x10  }
0x1b5: {  	s0 =	sshll.u32 s0, $0x6;
	[tilespmem:v7+s9+$0x0] =	vst.idx.add.s32.msk $0xffff, v1;
	v6 =	vadd.s32 $0x8000, v6  }
0x1b6: {  	s0 =	sadd.s32 s0, s18;
	v7 =	vld [tilespmem:s26+$0x4190];
	v5 =	vshra.s32 v5, $0x10  }
0x1b7: {  	s1 =	sadd.s32 $0x10, s0;
	s2 =	sadd.s32 $0x20, s0;
	s20 =	sadd.s32 $0x30, s0;
	v8 =	vld [tilespmem:s26+$0x41A0];
	v5 =	vadd.s32 $0x8000, v5  }
0x1b8: {  	s30 =	sor.u32 $0x200, s2;
	s21 =	sor.u32 $0x200, s20;
	s26 =	sor.u32 $0x200, s1;
	v4 =	vshra.s32 v4, $0x10;
	[tilespmem:v2+s9+$0x0] =	vst.idx.add.s32.msk $0xffff, v1  }
0x1b9: {  	s31 =	sor.u32 $0x200, s0;
	s28 =	sor.u32 $0x280, s1;
	s25 =	sor.u32 $0x280, s2;
	v2 =	vadd.s32 $0x8000, v4;
	v4 =	vld [tilespmem:s21+$0x4000]  }
0x1ba: {  	s29 =	sor.u32 $0x280, s0;
	s23 =	sor.u32 $0x300, s1;
	s21 =	sor.u32 $0x300, s2;
	[tilespmem:v3+s9+$0x0] =	vst.idx.add.s32.msk $0xffff, v1  }
0x1bb: {  	s24 =	sor.u32 $0x300, s0;
	s1 =	sor.u32 $0x380, s1;
	s2 =	sor.u32 $0x380, s2;
	v3 =	vshra.s32 v7, $0x10;
	[tilespmem:v6+s9+$0x0] =	vst.idx.add.s32.msk $0xffff, v1  }
0x1bc: {  	s22 =	sor.u32 $0x380, s0;
	v3 =	vadd.s32 $0x8000, v3;
	v6 =	vshra.s32 v8, $0x10;
	v7 =	vld [tilespmem:s15+$0x4000];
	s15 =	smov.u32 s1  }
0x1bd: {  	v6 =	vadd.s32 $0x8000, v6;
	v8 =	vld [tilespmem:s16+$0x4000];
	s16 =	smov.u32 s2  }
0x1be: {  	[tilespmem:v2+s9+$0x0] =	vst.idx.add.s32.msk $0xffff, v1;
	v2 =	vshra.s32 v4, $0x10  }
0x1bf: {  	v9 =	vld [tilespmem:s31+$0x4000];
	v10 =	vadd.s32 $0x8000, v2  }
0x1c0: {  	[tilespmem:v5+s9+$0x0] =	vst.idx.add.s32.msk $0xffff, v1  }
0x1c1: {  	[tilespmem:v3+s9+$0x0] =	vst.idx.add.s32.msk $0xffff, v1;
	v2 =	vshra.s32 v7, $0x10  }
.Ltmp2:
0x1c2: {  	[tilespmem:v6+s9+$0x0] =	vst.idx.add.s32.msk $0xffff, v1;
	v3 =	vadd.s32 $0x8000, v2;
	v2 =	vshra.s32 v8, $0x10;
	(pc) =	sbr.rel @p1 .LBB2_7-.Ltmp2, $4  }
0x1c3: {  	v4 =	vld [tilespmem:s26+$0x4000];
	v2 =	vadd.s32 $0x8000, v2  }
0x1c4: {  	s0 =	sor.u32 $0x280, s20;
	v5 =	vshra.s32 v9, $0x10;
	[tilespmem:v10+s9+$0x0] =	vst.idx.add.s32.msk $0xffff, v1  }
0x1c5: {  	v5 =	vadd.s32 $0x8000, v5;
	v6 =	vld [tilespmem:s0+$0x4000]  }
0x1c6: {  	s19 =	sadd.s32 $0x40, s19;
	s18 =	sadd.s32 $0x200, s18;
	v7 =	vld [tilespmem:s30+$0x4000]  }
0x1c7: {  	_ =	sdelay $0x1  }
0x1c8: {  	v4 =	vshra.s32 v4, $0x10  }
0x1c9: {  	v4 =	vadd.s32 $0x8000, v4  }
0x1ca: {  	v7 =	vshra.s32 v7, $0x10  }
0x1cb: {  	v7 =	vadd.s32 $0x8000, v7  }
0x1cc: {  	[tilespmem:v5+s9+$0x0] =	vst.idx.add.s32.msk $0xffff, v1  }
0x1cd: {  	v56 =	vld [tilespmem:s29+$0x4000]  }
0x1ce: {  	[tilespmem:v4+s9+$0x0] =	vst.idx.add.s32.msk $0xffff, v1  }
0x1cf: {  	v57 =	vld [tilespmem:s28+$0x4000]  }
0x1d0: {  	v6 =	vshra.s32 v6, $0x10;
	[tilespmem:v7+s9+$0x0] =	vst.idx.add.s32.msk $0xffff, v1  }
0x1d1: {  	v6 =	vadd.s32 $0x8000, v6;
	v7 =	vld [tilespmem:s25+$0x4000]  }
0x1d2: {  	v4 =	vshra.s32 v56, $0x10  }
0x1d3: {  	v4 =	vadd.s32 $0x8000, v4  }
0x1d4: {  	v5 =	vshra.s32 v57, $0x10  }
0x1d5: {  	v5 =	vadd.s32 $0x8000, v5  }
0x1d6: {  	s0 =	sor.u32 $0x300, s20;
	[tilespmem:v6+s9+$0x0] =	vst.idx.add.s32.msk $0xffff, v1;
	v7 =	vshra.s32 v7, $0x10  }
0x1d7: {  	v59 =	vld [tilespmem:s0+$0x4000];
	v58 =	vadd.s32 $0x8000, v7  }
0x1d8: {  	[tilespmem:v4+s9+$0x0] =	vst.idx.add.s32.msk $0xffff, v1  }
0x1d9: {  	v4 =	vld [tilespmem:s24+$0x4000]  }
0x1da: {  	[tilespmem:v5+s9+$0x0] =	vst.idx.add.s32.msk $0xffff, v1  }
0x1db: {  	v5 =	vld [tilespmem:s23+$0x4000]  }
0x1dc: {  	v60 =	vshra.s32 v59, $0x10;
	[tilespmem:v58+s9+$0x0] =	vst.idx.add.s32.msk $0xffff, v1  }
0x1dd: {  	v6 =	vadd.s32 $0x8000, v60;
	v61 =	vld [tilespmem:s21+$0x4000]  }
0x1de: {  	v4 =	vshra.s32 v4, $0x10  }
0x1df: {  	v4 =	vadd.s32 $0x8000, v4  }
0x1e0: {  	v5 =	vshra.s32 v5, $0x10  }
0x1e1: {  	v5 =	vadd.s32 $0x8000, v5  }
0x1e2: {  	s31 =	sor.u32 $0x380, s20;
	[tilespmem:v6+s9+$0x0] =	vst.idx.add.s32.msk $0xffff, v1;
	v7 =	vshra.s32 v61, $0x10  }
0x1e3: {  	v63 =	vld [tilespmem:s31+$0x4000];
	v62 =	vadd.s32 $0x8000, v7  }
0x1e4: {  	[tilespmem:v4+s9+$0x0] =	vst.idx.add.s32.msk $0xffff, v1  }
0x1e5: {  	v4 =	vld [tilespmem:s22+$0x4000]  }
0x1e6: {  	[tilespmem:v5+s9+$0x0] =	vst.idx.add.s32.msk $0xffff, v1  }
0x1e7: {  	v5 =	vld [tilespmem:s15+$0x4000]  }
0x1e8: {  	[tilespmem:v62+s9+$0x0] =	vst.idx.add.s32.msk $0xffff, v1  }
0x1e9: {  	v6 =	vld [tilespmem:s16+$0x4000];
	_ =	sdelay $0x1  }
0x1ea: {  	v7 =	vshra.s32 v63, $0x10  }
0x1eb: {  	v7 =	vadd.s32 $0x8000, v7;
	v4 =	vshra.s32 v4, $0x10  }
0x1ec: {  	v4 =	vadd.s32 $0x8000, v4;
	v5 =	vshra.s32 v5, $0x10  }
0x1ed: {  	s14 =	sadd.s32 $0x1, s14;
	v5 =	vadd.s32 $0x8000, v5;
	v6 =	vshra.s32 v6, $0x10  }
0x1ee: {  	[tilespmem:v3+s9+$0x0] =	vst.idx.add.s32.msk $0xffff, v1;
	p0 =	sne.s32 s14, $0x10;
	v3 =	vadd.s32 $0x8000, v6  }
.Ltmp3:
0x1ef: {  	[tilespmem:v2+s9+$0x0] =	vst.idx.add.s32.msk $0xffff, v1;
	(pc) =	sbr.rel @p0 .LBB2_4-.Ltmp3, $4  }
0x1f0: {  	[tilespmem:v7+s9+$0x0] =	vst.idx.add.s32.msk $0xffff, v1  }
0x1f1: {  	[tilespmem:v4+s9+$0x0] =	vst.idx.add.s32.msk $0xffff, v1  }
0x1f2: {  	[tilespmem:v5+s9+$0x0] =	vst.idx.add.s32.msk $0xffff, v1  }
0x1f3: {  	[tilespmem:v3+s9+$0x0] =	vst.idx.add.s32.msk $0xffff, v1  }
0x1f4: {  	s12 =	sadd.s32 $0x1, s12  }
0x1f5: {  	p0 =	sne.s32 s12, s6  }
.Ltmp4:
0x1f6: {  	s0 =	simm.s32 $0x0;
	(pc) =	sbr.rel @p0 .LBB2_1-.Ltmp4, $4  }
0x1f7: {  	[hbm4b:s5+s0] =	stream.linear.scatter [tilespmem:s9], [sflag:$0x3], $0x10000, $0x38;
	[tilespmem:$0x18000] =	vst v63  }
0x1f8: {  	_ =	swait.ge [sflag:s11], $0x10000  }
0x1f9: {  	[sflag:s11] =	ssyncset.done $0x0  }
0x1fa: {  	[sflag:s11] =	ssyncadd.s32 $0xFFFF0000  }
0x1fb: {  	_ =	sfence.sel $0x180000  }
0x1fc: {  	[bflag:$0x0] =	sbarrier.arrive $0xFFFF  }
0x1fd: {  	_ =	strace $0x90000047  }
0x1fe: {  	s0 =	stileid.u32;
	[bflag:$0x2] =	sbarrier.arrive $0xFFFF  }
0x1ff: {  	p0 =	sne.s32 s0, $0x0;
	s0 =	rddreg [dreg:$0x2]  }
0x200: {  	s0 =	sadd.s32 @!p0 $0x100000, s0  }
0x201: {  	[sflag:s0] =	ssyncadd.tile.s32 @!p0 $0x1;
	_ =	shalt  }
.Lfunc_end2:
_tile_overlayer_lowered:
.L_overlay_start_2:
0x202: {  	(tag) =	ssettag $0x2  }
0x203: {  	s0 =	rddreg [dreg:$0x0];
	s2 =	stileid.u32  }
0x204: {  	s1 =	rddreg [dreg:$0x1];
	p0 =	sne.s32 s2, $0x0  }
0x205: {  	s3 =	rddreg [dreg:$0x2];
	[bflag:$0x3] =	sbarrier.arrive $0xFFFF;
	s2 =	simm.s32 @!p0 $0x1C03  }
0x206: {  	[timem:s3], [sflag:s2] =	dma.local @!p0 [hbm:s0], s1  }
0x207: {  	s0 =	simm.s32 @!p0 $0x3  }
0x208: {  	_ =	swait.ge @!p0 [sflag:s0], s1  }
0x209: {  	s1 =	ssub.s32 @!p0 $0x0, s1;
	[sflag:s0] =	ssyncset.done @!p0 $0x0  }
0x20a: {  	[sflag:s0] =	ssyncadd.s32 @!p0 s1  }
0x20b: {  	[bflag:$0x3] =	sbarrier.arrive $0xFFFF  }
0x20c: {  	_ =	shalt  }

</sc_bundles>
